<compile_context>
chip_gen: v7x
topology: tpu7x:2x2x1
jax: 0.10.2.dev20260603
libtpu: 0.0.44.dev20260713+nightly
codegen_flags: <defaults>
</compile_context>

<pallas_src>
import functools

import jax
import jax.numpy as jnp
from jax import lax
from jax.experimental import pallas as pl
from jax.experimental.pallas import tpu as pltpu
from jax.experimental.pallas import tpu_sc as plsc

N = 10000
E = 320000
D1 = 128
D2 = 40
D2P = 48

NC = 2
NS = 16
NW = NC * NS
EPW = E // NW
CHUNK = 80
NCHUNK = EPW // CHUNK
RPT = N // NS
NB = 4

_UNTILED = pltpu.CompilerParams(use_tc_tiling_on_sc=False)


def _make_seg_kernel(d, chunk=CHUNK):
    mesh = plsc.VectorSubcoreMesh(core_axis_name="c", subcore_axis_name="s")
    nchunk = EPW // chunk

    scratch = [
        [pltpu.VMEM((chunk,), jnp.int32)] * NB,
        [pltpu.VMEM((chunk,), jnp.int32)] * NB,
        [pltpu.VMEM((chunk, d), jnp.float32)] * NB,
        pltpu.VMEM_SHARED((N, d), jnp.float32),
        [pltpu.SemaphoreType.DMA] * NB,
        [pltpu.SemaphoreType.DMA] * NB,
        [pltpu.SemaphoreType.DMA] * NB,
    ]

    @functools.partial(
        pl.kernel,
        out_type=jax.ShapeDtypeStruct((NC * N, d), jnp.float32),
        mesh=mesh,
        scratch_types=scratch,
        compiler_params=_UNTILED,
    )
    def seg(eidx_hbm, xs_hbm, z_hbm, out_hbm,
            src_v, dst_v, rows_v, acc, sem_i, sem_g, sem_s):
        c = lax.axis_index("c")
        s = lax.axis_index("s")
        w = c * NS + s
        ebase = w * EPW

        pltpu.sync_copy(z_hbm, acc.at[pl.ds(s * RPT, RPT)])

        plsc.subcore_barrier()

        def idx_start(u, k):
            base = ebase + u * chunk
            pltpu.async_copy(eidx_hbm.at[1, pl.ds(base, chunk)], dst_v[k],
                             sem_i[k])
            pltpu.async_copy(eidx_hbm.at[0, pl.ds(base, chunk)], src_v[k],
                             sem_i[k])

        def idx_wait(k):
            pltpu.make_async_copy(eidx_hbm.at[1, pl.ds(0, chunk)], dst_v[k],
                                  sem_i[k]).wait()
            pltpu.make_async_copy(eidx_hbm.at[0, pl.ds(0, chunk)], src_v[k],
                                  sem_i[k]).wait()

        def gather_start(k):
            pltpu.async_copy(xs_hbm.at[src_v[k]], rows_v[k], sem_g[k])

        def gather_wait(k):
            pltpu.make_async_copy(xs_hbm.at[src_v[k]], rows_v[k],
                                  sem_g[k]).wait()

        def scatter_start(k):
            pltpu.async_copy(rows_v[k], acc.at[dst_v[k]], sem_s[k], add=True)

        def scatter_wait(k):
            pltpu.make_async_copy(rows_v[k], acc.at[dst_v[k]], sem_s[k]).wait()

        nslots = -((NCHUNK + 3) // -NB) * NB if False else (
            ((nchunk + 3 + NB - 1) // NB) * NB)

        def body(t, carry):
            for k in range(NB):
                u = t * NB + k

                @pl.when(u >= NB)
                def _():
                    scatter_wait(k)

                @pl.when(u < nchunk)
                def _():
                    idx_start(u, k)

                kk = (k + NB - 1) % NB

                @pl.when((u >= 1) & (u <= nchunk))
                def _():
                    idx_wait(kk)
                    gather_start(kk)

                km = (k + NB - 3) % NB

                @pl.when(u >= 3)
                def _():
                    gather_wait(km)
                    scatter_start(km)
            return carry

        lax.fori_loop(0, nslots // NB, body, 0)
        for jj in range(max(0, nslots - NB), nchunk):
            scatter_wait(jj % NB)

        plsc.subcore_barrier()

        @pl.when(s < NS - 1)
        def _():
            pltpu.sync_copy(acc.at[pl.ds(s * 632, 632)],
                            out_hbm.at[pl.ds(c * N + s * 632, 632)])

        @pl.when(s == NS - 1)
        def _():
            pltpu.sync_copy(acc.at[pl.ds(15 * 632, N - 15 * 632)],
                            out_hbm.at[pl.ds(c * N + 15 * 632, N - 15 * 632)])

    return seg


_seg128 = _make_seg_kernel(D1)
_seg48 = _make_seg_kernel(D2P, chunk=400)

DROWS = 80
DCHK = 400
NDCHK = EPW // DCHK

_deg_mesh = plsc.VectorSubcoreMesh(core_axis_name="c", subcore_axis_name="s")


@functools.partial(
    pl.kernel,
    out_type=jax.ShapeDtypeStruct((NC * DROWS, D1), jnp.float32),
    mesh=_deg_mesh,
    scratch_types=[
        [pltpu.VMEM((DCHK,), jnp.int32)] * NB,
        pltpu.VMEM((DROWS, D1), jnp.float32),
        pltpu.VMEM((DROWS,), jnp.int32),
        pltpu.VMEM_SHARED((DROWS, D1), jnp.float32),
        [pltpu.SemaphoreType.DMA] * NB,
        pltpu.SemaphoreType.DMA,
    ],
    compiler_params=pltpu.CompilerParams(use_tc_tiling_on_sc=False,
                                         needs_layout_passes=False),
)
def _deg_kernel(eidx_hbm, z_hbm, out_hbm, dst_v, deg_v, rix_v, acc,
                sem_i, sem_r):
    c = lax.axis_index("c")
    s = lax.axis_index("s")
    w = c * NS + s
    ebase = w * EPW

    pltpu.sync_copy(z_hbm.at[pl.ds(0, DROWS)], deg_v)

    @pl.when(s == 0)
    def _():
        pltpu.sync_copy(z_hbm.at[pl.ds(0, DROWS)], acc)

    def mk(i, carry):
        rix_v[pl.ds(i * 16, 16)] = (
            lax.broadcasted_iota(jnp.int32, (16,), 0) + i * 16)
        return carry

    lax.fori_loop(0, DROWS // 16, mk, 0)

    plsc.subcore_barrier()

    one16 = jnp.ones((16,), jnp.float32)

    def idx_start(u, k):
        base = ebase + u * DCHK
        pltpu.async_copy(eidx_hbm.at[1, pl.ds(base, DCHK)], dst_v[k], sem_i[k])

    def idx_wait(k):
        pltpu.make_async_copy(eidx_hbm.at[1, pl.ds(0, DCHK)], dst_v[k],
                              sem_i[k]).wait()

    def body(t, carry):
        for k in range(NB):
            u = t * NB + k

            @pl.when(u < NDCHK)
            def _():
                idx_start(u, k)

            kk = (k + NB - 1) % NB

            @pl.when((u >= 1) & (u <= NDCHK))
            def _():
                idx_wait(kk)
                for r in range(DCHK // 16):
                    v = dst_v[kk][pl.ds(r * 16, 16)]
                    plsc.addupdate_scatter(
                        deg_v,
                        [lax.shift_right_logical(v, 7), v & 127],
                        one16)
        return carry

    lax.fori_loop(0, (NDCHK + 3) // NB, body, 0)

    pltpu.async_copy(deg_v, acc.at[rix_v], sem_r, add=True).wait()
    plsc.subcore_barrier()

    @pl.when(s < 10)
    def _():
        pltpu.sync_copy(acc.at[pl.ds(s * 8, 8)],
                        out_hbm.at[pl.ds(c * DROWS + s * 8, 8)])




def _tc_b_kernel(p0_ref, p1_ref, x_ref, w1_ref, xs1_ref, dinv_ref):
    deg = p0_ref[...] + p1_ref[...] + 1.0
    dinv = lax.rsqrt(deg)
    y = jnp.dot(x_ref[...], w1_ref[...], preferred_element_type=jnp.float32)
    xs1_ref[...] = y * dinv
    dinv_ref[...] = dinv


def _tc_d_kernel(sp_ref, xs1_ref, dinv_ref, b1_ref, w2_ref, xs2_ref):
    dinv = dinv_ref[...]
    agg = sp_ref[:N, :] + sp_ref[N:, :] + xs1_ref[...]
    h = jnp.maximum(dinv * agg + b1_ref[...], 0.0)
    xs2_ref[...] = jnp.dot(h, w2_ref[...],
                           preferred_element_type=jnp.float32) * dinv


def _tc_f_kernel(sp_ref, xs2_ref, dinv_ref, b2_ref, out_ref):
    z = dinv_ref[...] * (sp_ref[:N, :] + sp_ref[N:, :] + xs2_ref[...]) \
        + b2_ref[...]
    col = lax.broadcasted_iota(jnp.int32, (N, D2P), 1)
    valid = col < D2
    zm = jnp.where(valid, z, jnp.float32(-1e30))
    m = jnp.max(zm, axis=1, keepdims=True)
    ez = jnp.where(valid, jnp.exp(z - m), 0.0)
    ssum = jnp.sum(ez, axis=1, keepdims=True)
    out_ref[...] = (z - m - jnp.log(ssum))[:, :D2]


def kernel(x, edge_index, W1, b1, W2, b2):
    eidx = jnp.asarray(edge_index, dtype=jnp.int32)

    z128 = jnp.zeros((RPT, D1), jnp.float32)
    z48 = jnp.zeros((RPT, D2P), jnp.float32)

    deggrid = _deg_kernel(eidx, z128)
    degflat = deggrid.reshape(NC, DROWS * D1)
    p0 = degflat[0, :N].reshape(N, 1)
    p1 = degflat[1, :N].reshape(N, 1)

    xs1, dinv = pl.pallas_call(
        _tc_b_kernel,
        out_shape=[
            jax.ShapeDtypeStruct((N, D1), jnp.float32),
            jax.ShapeDtypeStruct((N, 1), jnp.float32),
        ],
    )(p0, p1, x, W1)

    s1p = _seg128(eidx, xs1, z128)

    W2p = jnp.concatenate(
        [W2, jnp.zeros((D1, D2P - D2), jnp.float32)], axis=1)
    b1r = b1.reshape(1, D1)
    xs2 = pl.pallas_call(
        _tc_d_kernel,
        out_shape=jax.ShapeDtypeStruct((N, D2P), jnp.float32),
    )(s1p, xs1, dinv, b1r, W2p)

    s2p = _seg48(eidx, xs2, z48)

    b2r = jnp.concatenate(
        [b2, jnp.zeros((D2P - D2,), jnp.float32)]).reshape(1, D2P)
    out = pl.pallas_call(
        _tc_f_kernel,
        out_shape=jax.ShapeDtypeStruct((N, D2), jnp.float32),
    )(s2p, xs2, dinv, b2r)

    return out

# --- scband reference (transcript-rebuilt; emitter-appended) ---
"""Pipeline reference for scband-gcn-78580721647789 (READ-ONLY COPY).

The authoritative reference and input builder live on the scoring server;
editing this copy changes nothing except your own understanding.
"""

import jax, jax.numpy as jnp
import numpy as np

N_NODES = 10000


def gcn_conv(x, edge_index, W, b):
    n = x.shape[0]
    src = edge_index[0]
    dst = edge_index[1]
    loop = jnp.arange(n, dtype=edge_index.dtype)
    src = jnp.concatenate([src, loop])
    dst = jnp.concatenate([dst, loop])
    xw = x @ W
    deg = jnp.zeros((n,), dtype=x.dtype).at[dst].add(1.0)
    dinv = 1.0 / jnp.sqrt(jnp.clip(deg, 1.0))
    norm = dinv[src] * dinv[dst]
    msg = jnp.take(xw, src, axis=0) * norm[:, None]
    out = jax.ops.segment_sum(msg, dst, num_segments=n)
    return out + b


def setup_inputs(seed: int = 0) -> dict:
    key = jax.random.key(seed)
    k1, k2, k3, k4 = jax.random.split(key, 4)
    x = jax.random.normal(k1, (N_NODES, 128), dtype=jnp.float32)
    edge_index = jax.random.randint(k2, (2, 320000), 0, N_NODES, dtype=jnp.int64)
    W1 = jax.random.normal(k3, (128, 128), dtype=jnp.float32) * (1.0 / np.sqrt(128))
    b1 = jnp.zeros((128,), dtype=jnp.float32)
    W2 = jax.random.normal(k4, (128, 40), dtype=jnp.float32) * (1.0 / np.sqrt(128))
    b2 = jnp.zeros((40,), dtype=jnp.float32)
    return {"x": x, "edge_index": edge_index, "W1": W1, "b1": b1, "W2": W2, "b2": b2}


def reference(x, edge_index, W1, b1, W2, b2):
    h = gcn_conv(x, edge_index, W1, b1)
    h = jax.nn.relu(h)
    out = gcn_conv(h, edge_index, W2, b2)
    return jax.nn.log_softmax(out, axis=1)

if __name__ == "__main__":
    import jax
    _d = setup_inputs()
    print(jax.jit(kernel)(*tuple(_d.values())))

</pallas_src>

<mosaic_0001>
#map = affine_map<(d0, d1) -> (0, 0)>
module attributes {stable_mosaic.version = 14 : i64} {
  func.func @seg(%arg0: i32, %arg1: i32, %arg2: memref<2x320000xi32, #tpu.memory_space<hbm>>, %arg3: memref<10000x48xf32, #tpu.memory_space<hbm>>, %arg4: memref<625x48xf32, #tpu.memory_space<hbm>>, %arg5: memref<20000x48xf32, #tpu.memory_space<hbm>>, %arg6: memref<400xi32, #tpu.memory_space<vmem>>, %arg7: memref<400xi32, #tpu.memory_space<vmem>>, %arg8: memref<400xi32, #tpu.memory_space<vmem>>, %arg9: memref<400xi32, #tpu.memory_space<vmem>>, %arg10: memref<400xi32, #tpu.memory_space<vmem>>, %arg11: memref<400xi32, #tpu.memory_space<vmem>>, %arg12: memref<400xi32, #tpu.memory_space<vmem>>, %arg13: memref<400xi32, #tpu.memory_space<vmem>>, %arg14: memref<400x48xf32, #tpu.memory_space<vmem>>, %arg15: memref<400x48xf32, #tpu.memory_space<vmem>>, %arg16: memref<400x48xf32, #tpu.memory_space<vmem>>, %arg17: memref<400x48xf32, #tpu.memory_space<vmem>>, %arg18: memref<10000x48xf32, #tpu.memory_space<vmem_shared>>, %arg19: memref<!tpu.dma_semaphore, #tpu.memory_space<semaphore_mem>>, %arg20: memref<!tpu.dma_semaphore, #tpu.memory_space<semaphore_mem>>, %arg21: memref<!tpu.dma_semaphore, #tpu.memory_space<semaphore_mem>>, %arg22: memref<!tpu.dma_semaphore, #tpu.memory_space<semaphore_mem>>, %arg23: memref<!tpu.dma_semaphore, #tpu.memory_space<semaphore_mem>>, %arg24: memref<!tpu.dma_semaphore, #tpu.memory_space<semaphore_mem>>, %arg25: memref<!tpu.dma_semaphore, #tpu.memory_space<semaphore_mem>>, %arg26: memref<!tpu.dma_semaphore, #tpu.memory_space<semaphore_mem>>, %arg27: memref<!tpu.dma_semaphore, #tpu.memory_space<semaphore_mem>>, %arg28: memref<!tpu.dma_semaphore, #tpu.memory_space<semaphore_mem>>, %arg29: memref<!tpu.dma_semaphore, #tpu.memory_space<semaphore_mem>>, %arg30: memref<!tpu.dma_semaphore, #tpu.memory_space<semaphore_mem>>) attributes {dimension_semantics = [#tpu.dimension_semantics<core_parallel>, #tpu.dimension_semantics<subcore_parallel>], iteration_bounds = array<i64: 2, 16>, scalar_prefetch = 0 : i64, scratch_operands = 25 : i64, tpu.core_type = #tpu.core_type<sc_vector_subcore>, window_params = [{transform_indices = #map}, {transform_indices = #map}, {transform_indices = #map}, {transform_indices = #map}]} {
    %mul3A = arith.constant 16 : i32
    %mul3A_0 = arith.muli %arg0, %mul3A : i32
    %add3A = arith.addi %mul3A_0, %arg1 : i32
    %mul3A_1 = arith.constant 10000 : i32
    %mul3A_2 = arith.muli %add3A, %mul3A_1 : i32
    %mul3A_3 = arith.constant 625 : i32
    %mul3A_4 = arith.muli %arg1, %mul3A_3 : i32
    "tpu.region"() ({
      %run_scoped3A = tpu.sem_alloc : memref<!tpu.dma_semaphore, #tpu.memory_space<semaphore_mem>>
      %dma_start3A = arith.constant 0 : i32
      %dma_start3A_19 = tpu.memref_slice %arg18[%mul3A_4, %dma_start3A] : memref<10000x48xf32, #tpu.memory_space<vmem_shared>> -> memref<625x48xf32, #tpu.memory_space<vmem_shared>>
      tpu.enqueue_dma source(%arg4 : memref<625x48xf32, #tpu.memory_space<hbm>>) target(%dma_start3A_19 : memref<625x48xf32, #tpu.memory_space<vmem_shared>>) target_semaphore(%run_scoped3A : memref<!tpu.dma_semaphore, #tpu.memory_space<semaphore_mem>>)
      %dma_wait3A_20 = arith.constant 0 : i32
      %dma_wait3A_21 = tpu.memref_slice %arg18[%mul3A_4, %dma_wait3A_20] : memref<10000x48xf32, #tpu.memory_space<vmem_shared>> -> memref<625x48xf32, #tpu.memory_space<vmem_shared>>
      tpu.wait_dma2 semaphore(%run_scoped3A : memref<!tpu.dma_semaphore, #tpu.memory_space<semaphore_mem>>) src(%arg4 : memref<625x48xf32, #tpu.memory_space<hbm>>) dst(%dma_wait3A_21 : memref<625x48xf32, #tpu.memory_space<vmem_shared>>)
      tpu.yield
    }) : () -> ()
    %barrier3A = arith.constant 0 : index
    tpu.barrier barrier_id(%barrier3A)
    %scan3A = arith.constant 0 : i32
    %scan3A_5 = arith.constant 0 : i32
    %scan3A_6 = arith.constant 7 : i32
    %scan3A_7 = arith.addi %scan3A_5, %scan3A_6 : i32
    %scan3A_8 = arith.constant 1 : i32
    scf.for %scan3A_19 = %scan3A_5 to %scan3A_7 step %scan3A_8  : i32 {
      %mul3A_20 = arith.constant 4 : i32
      %mul3A_21 = arith.muli %scan3A_19, %mul3A_20 : i32
      %add3A_22 = arith.constant 0 : i32
      %add3A_23 = arith.addi %mul3A_21, %add3A_22 : i32
      %ge3A = arith.constant 4 : i32
      %ge3A_24 = arith.cmpi sge, %add3A_23, %ge3A : i32
      %convert_element_type3A_25 = arith.extui %ge3A_24 : i1 to i32
      %cond3A_26 = arith.constant 0 : i32
      %cond3A_27 = arith.cmpi ne, %convert_element_type3A_25, %cond3A_26 : i32
      scf.if %cond3A_27 {
        %dma_wait3A_125 = arith.constant 0 : i32
        %dma_wait3A_126 = arith.constant 0 : i32
        %dma_wait3A_127 = tpu.memref_slice %arg18[%dma_wait3A_125, %dma_wait3A_126] : memref<10000x48xf32, #tpu.memory_space<vmem_shared>> -> memref<10000x48xf32, #tpu.memory_space<vmem_shared>>
        tpu.wait_indirect_dma semaphore(%arg27 : memref<!tpu.dma_semaphore, #tpu.memory_space<semaphore_mem>>) src(%arg14 : memref<400x48xf32, #tpu.memory_space<vmem>>) dst(%dma_wait3A_127 : memref<10000x48xf32, #tpu.memory_space<vmem_shared>>)
      } else {
      }
      %lt3A_28 = arith.constant 25 : i32
      %lt3A_29 = arith.cmpi slt, %add3A_23, %lt3A_28 : i32
      %convert_element_type3A_30 = arith.extui %lt3A_29 : i1 to i32
      %cond3A_31 = arith.constant 0 : i32
      %cond3A_32 = arith.cmpi ne, %convert_element_type3A_30, %cond3A_31 : i32
      scf.if %cond3A_32 {
        %mul3A_125 = arith.constant 400 : i32
        %mul3A_126 = arith.muli %add3A_23, %mul3A_125 : i32
        %add3A_127 = arith.addi %mul3A_2, %mul3A_126 : i32
        %dma_start3A = arith.constant 1 : i32
        %dma_start3A_128 = tpu.memref_slice %arg2[%dma_start3A, %add3A_127] : memref<2x320000xi32, #tpu.memory_space<hbm>> -> memref<1x400xi32, #tpu.memory_space<hbm>>
        %dma_start3A_129 = tpu.memref_squeeze %dma_start3A_128 : memref<1x400xi32, #tpu.memory_space<hbm>> -> memref<400xi32, #tpu.memory_space<hbm>>
        %dma_start3A_130 = tpu.memref_slice %arg2[%dma_start3A, %add3A_127] : memref<2x320000xi32, #tpu.memory_space<hbm>> -> memref<1x400xi32, #tpu.memory_space<hbm>>
        %dma_start3A_131 = tpu.memref_squeeze %dma_start3A_130 : memref<1x400xi32, #tpu.memory_space<hbm>> -> memref<400xi32, #tpu.memory_space<hbm>>
        tpu.enqueue_dma source(%dma_start3A_131 : memref<400xi32, #tpu.memory_space<hbm>>) target(%arg10 : memref<400xi32, #tpu.memory_space<vmem>>) target_semaphore(%arg19 : memref<!tpu.dma_semaphore, #tpu.memory_space<semaphore_mem>>)
        %dma_start3A_132 = arith.constant 0 : i32
        %dma_start3A_133 = tpu.memref_slice %arg2[%dma_start3A_132, %add3A_127] : memref<2x320000xi32, #tpu.memory_space<hbm>> -> memref<1x400xi32, #tpu.memory_space<hbm>>
        %dma_start3A_134 = tpu.memref_squeeze %dma_start3A_133 : memref<1x400xi32, #tpu.memory_space<hbm>> -> memref<400xi32, #tpu.memory_space<hbm>>
        %dma_start3A_135 = tpu.memref_slice %arg2[%dma_start3A_132, %add3A_127] : memref<2x320000xi32, #tpu.memory_space<hbm>> -> memref<1x400xi32, #tpu.memory_space<hbm>>
        %dma_start3A_136 = tpu.memref_squeeze %dma_start3A_135 : memref<1x400xi32, #tpu.memory_space<hbm>> -> memref<400xi32, #tpu.memory_space<hbm>>
        tpu.enqueue_dma source(%dma_start3A_136 : memref<400xi32, #tpu.memory_space<hbm>>) target(%arg6 : memref<400xi32, #tpu.memory_space<vmem>>) target_semaphore(%arg19 : memref<!tpu.dma_semaphore, #tpu.memory_space<semaphore_mem>>)
      } else {
      }
      %ge3A_33 = arith.constant 1 : i32
      %ge3A_34 = arith.cmpi sge, %add3A_23, %ge3A_33 : i32
      %le3A = arith.constant 25 : i32
      %le3A_35 = arith.cmpi sle, %add3A_23, %le3A : i32
      %and3A = arith.andi %ge3A_34, %le3A_35 : i1
      %convert_element_type3A_36 = arith.extui %and3A : i1 to i32
      %cond3A_37 = arith.constant 0 : i32
      %cond3A_38 = arith.cmpi ne, %convert_element_type3A_36, %cond3A_37 : i32
      scf.if %cond3A_38 {
        %dma_wait3A_125 = arith.constant 1 : i32
        %dma_wait3A_126 = arith.constant 0 : i32
        %dma_wait3A_127 = tpu.memref_slice %arg2[%dma_wait3A_125, %dma_wait3A_126] : memref<2x320000xi32, #tpu.memory_space<hbm>> -> memref<1x400xi32, #tpu.memory_space<hbm>>
        %dma_wait3A_128 = tpu.memref_squeeze %dma_wait3A_127 : memref<1x400xi32, #tpu.memory_space<hbm>> -> memref<400xi32, #tpu.memory_space<hbm>>
        %dma_wait3A_129 = arith.constant 0 : i32
        %dma_wait3A_130 = tpu.memref_slice %arg2[%dma_wait3A_125, %dma_wait3A_129] : memref<2x320000xi32, #tpu.memory_space<hbm>> -> memref<1x400xi32, #tpu.memory_space<hbm>>
        %dma_wait3A_131 = tpu.memref_squeeze %dma_wait3A_130 : memref<1x400xi32, #tpu.memory_space<hbm>> -> memref<400xi32, #tpu.memory_space<hbm>>
        tpu.wait_dma2 semaphore(%arg22 : memref<!tpu.dma_semaphore, #tpu.memory_space<semaphore_mem>>) src(%dma_wait3A_131 : memref<400xi32, #tpu.memory_space<hbm>>) dst(%arg13 : memref<400xi32, #tpu.memory_space<vmem>>)
        %dma_wait3A_132 = arith.constant 0 : i32
        %dma_wait3A_133 = arith.constant 0 : i32
        %dma_wait3A_134 = tpu.memref_slice %arg2[%dma_wait3A_132, %dma_wait3A_133] : memref<2x320000xi32, #tpu.memory_space<hbm>> -> memref<1x400xi32, #tpu.memory_space<hbm>>
        %dma_wait3A_135 = tpu.memref_squeeze %dma_wait3A_134 : memref<1x400xi32, #tpu.memory_space<hbm>> -> memref<400xi32, #tpu.memory_space<hbm>>
        %dma_wait3A_136 = arith.constant 0 : i32
        %dma_wait3A_137 = tpu.memref_slice %arg2[%dma_wait3A_132, %dma_wait3A_136] : memref<2x320000xi32, #tpu.memory_space<hbm>> -> memref<1x400xi32, #tpu.memory_space<hbm>>
        %dma_wait3A_138 = tpu.memref_squeeze %dma_wait3A_137 : memref<1x400xi32, #tpu.memory_space<hbm>> -> memref<400xi32, #tpu.memory_space<hbm>>
        tpu.wait_dma2 semaphore(%arg22 : memref<!tpu.dma_semaphore, #tpu.memory_space<semaphore_mem>>) src(%dma_wait3A_138 : memref<400xi32, #tpu.memory_space<hbm>>) dst(%arg9 : memref<400xi32, #tpu.memory_space<vmem>>)
        %dma_start3A = arith.constant 0 : i32
        %dma_start3A_139 = arith.constant 0 : i32
        %dma_start3A_140 = tpu.memref_slice %arg3[%dma_start3A, %dma_start3A_139] : memref<10000x48xf32, #tpu.memory_space<hbm>> -> memref<10000x48xf32, #tpu.memory_space<hbm>>
        tpu.enqueue_indirect_dma source(%dma_start3A_140 : memref<10000x48xf32, #tpu.memory_space<hbm>>) target(%arg17 : memref<400x48xf32, #tpu.memory_space<vmem>>) offsets(%arg9 : memref<400xi32, #tpu.memory_space<vmem>>) semaphore(%arg26 : memref<!tpu.dma_semaphore, #tpu.memory_space<semaphore_mem>>)
      } else {
      }
      %ge3A_39 = arith.constant 3 : i32
      %ge3A_40 = arith.cmpi sge, %add3A_23, %ge3A_39 : i32
      %convert_element_type3A_41 = arith.extui %ge3A_40 : i1 to i32
      %cond3A_42 = arith.constant 0 : i32
      %cond3A_43 = arith.cmpi ne, %convert_element_type3A_41, %cond3A_42 : i32
      scf.if %cond3A_43 {
        %dma_wait3A_125 = arith.constant 0 : i32
        %dma_wait3A_126 = arith.constant 0 : i32
        %dma_wait3A_127 = tpu.memref_slice %arg3[%dma_wait3A_125, %dma_wait3A_126] : memref<10000x48xf32, #tpu.memory_space<hbm>> -> memref<10000x48xf32, #tpu.memory_space<hbm>>
        tpu.wait_indirect_dma semaphore(%arg24 : memref<!tpu.dma_semaphore, #tpu.memory_space<semaphore_mem>>) src(%dma_wait3A_127 : memref<10000x48xf32, #tpu.memory_space<hbm>>) dst(%arg15 : memref<400x48xf32, #tpu.memory_space<vmem>>)
        %dma_start3A = arith.constant 0 : i32
        %dma_start3A_128 = arith.constant 0 : i32
        %dma_start3A_129 = tpu.memref_slice %arg18[%dma_start3A, %dma_start3A_128] : memref<10000x48xf32, #tpu.memory_space<vmem_shared>> -> memref<10000x48xf32, #tpu.memory_space<vmem_shared>>
        tpu.enqueue_indirect_dma source(%arg15 : memref<400x48xf32, #tpu.memory_space<vmem>>) target(%dma_start3A_129 : memref<10000x48xf32, #tpu.memory_space<vmem_shared>>) offsets(%arg11 : memref<400xi32, #tpu.memory_space<vmem>>) semaphore(%arg28 : memref<!tpu.dma_semaphore, #tpu.memory_space<semaphore_mem>>) {add = true}
      } else {
      }
      %mul3A_44 = arith.constant 4 : i32
      %mul3A_45 = arith.muli %scan3A_19, %mul3A_44 : i32
      %add3A_46 = arith.constant 1 : i32
      %add3A_47 = arith.addi %mul3A_45, %add3A_46 : i32
      %ge3A_48 = arith.constant 4 : i32
      %ge3A_49 = arith.cmpi sge, %add3A_47, %ge3A_48 : i32
      %convert_element_type3A_50 = arith.extui %ge3A_49 : i1 to i32
      %cond3A_51 = arith.constant 0 : i32
      %cond3A_52 = arith.cmpi ne, %convert_element_type3A_50, %cond3A_51 : i32
      scf.if %cond3A_52 {
        %dma_wait3A_125 = arith.constant 0 : i32
        %dma_wait3A_126 = arith.constant 0 : i32
        %dma_wait3A_127 = tpu.memref_slice %arg18[%dma_wait3A_125, %dma_wait3A_126] : memref<10000x48xf32, #tpu.memory_space<vmem_shared>> -> memref<10000x48xf32, #tpu.memory_space<vmem_shared>>
        tpu.wait_indirect_dma semaphore(%arg28 : memref<!tpu.dma_semaphore, #tpu.memory_space<semaphore_mem>>) src(%arg15 : memref<400x48xf32, #tpu.memory_space<vmem>>) dst(%dma_wait3A_127 : memref<10000x48xf32, #tpu.memory_space<vmem_shared>>)
      } else {
      }
      %lt3A_53 = arith.constant 25 : i32
      %lt3A_54 = arith.cmpi slt, %add3A_47, %lt3A_53 : i32
      %convert_element_type3A_55 = arith.extui %lt3A_54 : i1 to i32
      %cond3A_56 = arith.constant 0 : i32
      %cond3A_57 = arith.cmpi ne, %convert_element_type3A_55, %cond3A_56 : i32
      scf.if %cond3A_57 {
        %mul3A_125 = arith.constant 400 : i32
        %mul3A_126 = arith.muli %add3A_47, %mul3A_125 : i32
        %add3A_127 = arith.addi %mul3A_2, %mul3A_126 : i32
        %dma_start3A = arith.constant 1 : i32
        %dma_start3A_128 = tpu.memref_slice %arg2[%dma_start3A, %add3A_127] : memref<2x320000xi32, #tpu.memory_space<hbm>> -> memref<1x400xi32, #tpu.memory_space<hbm>>
        %dma_start3A_129 = tpu.memref_squeeze %dma_start3A_128 : memref<1x400xi32, #tpu.memory_space<hbm>> -> memref<400xi32, #tpu.memory_space<hbm>>
        %dma_start3A_130 = tpu.memref_slice %arg2[%dma_start3A, %add3A_127] : memref<2x320000xi32, #tpu.memory_space<hbm>> -> memref<1x400xi32, #tpu.memory_space<hbm>>
        %dma_start3A_131 = tpu.memref_squeeze %dma_start3A_130 : memref<1x400xi32, #tpu.memory_space<hbm>> -> memref<400xi32, #tpu.memory_space<hbm>>
        tpu.enqueue_dma source(%dma_start3A_131 : memref<400xi32, #tpu.memory_space<hbm>>) target(%arg11 : memref<400xi32, #tpu.memory_space<vmem>>) target_semaphore(%arg20 : memref<!tpu.dma_semaphore, #tpu.memory_space<semaphore_mem>>)
        %dma_start3A_132 = arith.constant 0 : i32
        %dma_start3A_133 = tpu.memref_slice %arg2[%dma_start3A_132, %add3A_127] : memref<2x320000xi32, #tpu.memory_space<hbm>> -> memref<1x400xi32, #tpu.memory_space<hbm>>
        %dma_start3A_134 = tpu.memref_squeeze %dma_start3A_133 : memref<1x400xi32, #tpu.memory_space<hbm>> -> memref<400xi32, #tpu.memory_space<hbm>>
        %dma_start3A_135 = tpu.memref_slice %arg2[%dma_start3A_132, %add3A_127] : memref<2x320000xi32, #tpu.memory_space<hbm>> -> memref<1x400xi32, #tpu.memory_space<hbm>>
        %dma_start3A_136 = tpu.memref_squeeze %dma_start3A_135 : memref<1x400xi32, #tpu.memory_space<hbm>> -> memref<400xi32, #tpu.memory_space<hbm>>
        tpu.enqueue_dma source(%dma_start3A_136 : memref<400xi32, #tpu.memory_space<hbm>>) target(%arg7 : memref<400xi32, #tpu.memory_space<vmem>>) target_semaphore(%arg20 : memref<!tpu.dma_semaphore, #tpu.memory_space<semaphore_mem>>)
      } else {
      }
      %ge3A_58 = arith.constant 1 : i32
      %ge3A_59 = arith.cmpi sge, %add3A_47, %ge3A_58 : i32
      %le3A_60 = arith.constant 25 : i32
      %le3A_61 = arith.cmpi sle, %add3A_47, %le3A_60 : i32
      %and3A_62 = arith.andi %ge3A_59, %le3A_61 : i1
      %convert_element_type3A_63 = arith.extui %and3A_62 : i1 to i32
      %cond3A_64 = arith.constant 0 : i32
      %cond3A_65 = arith.cmpi ne, %convert_element_type3A_63, %cond3A_64 : i32
      scf.if %cond3A_65 {
        %dma_wait3A_125 = arith.constant 1 : i32
        %dma_wait3A_126 = arith.constant 0 : i32
        %dma_wait3A_127 = tpu.memref_slice %arg2[%dma_wait3A_125, %dma_wait3A_126] : memref<2x320000xi32, #tpu.memory_space<hbm>> -> memref<1x400xi32, #tpu.memory_space<hbm>>
        %dma_wait3A_128 = tpu.memref_squeeze %dma_wait3A_127 : memref<1x400xi32, #tpu.memory_space<hbm>> -> memref<400xi32, #tpu.memory_space<hbm>>
        %dma_wait3A_129 = arith.constant 0 : i32
        %dma_wait3A_130 = tpu.memref_slice %arg2[%dma_wait3A_125, %dma_wait3A_129] : memref<2x320000xi32, #tpu.memory_space<hbm>> -> memref<1x400xi32, #tpu.memory_space<hbm>>
        %dma_wait3A_131 = tpu.memref_squeeze %dma_wait3A_130 : memref<1x400xi32, #tpu.memory_space<hbm>> -> memref<400xi32, #tpu.memory_space<hbm>>
        tpu.wait_dma2 semaphore(%arg19 : memref<!tpu.dma_semaphore, #tpu.memory_space<semaphore_mem>>) src(%dma_wait3A_131 : memref<400xi32, #tpu.memory_space<hbm>>) dst(%arg10 : memref<400xi32, #tpu.memory_space<vmem>>)
        %dma_wait3A_132 = arith.constant 0 : i32
        %dma_wait3A_133 = arith.constant 0 : i32
        %dma_wait3A_134 = tpu.memref_slice %arg2[%dma_wait3A_132, %dma_wait3A_133] : memref<2x320000xi32, #tpu.memory_space<hbm>> -> memref<1x400xi32, #tpu.memory_space<hbm>>
        %dma_wait3A_135 = tpu.memref_squeeze %dma_wait3A_134 : memref<1x400xi32, #tpu.memory_space<hbm>> -> memref<400xi32, #tpu.memory_space<hbm>>
        %dma_wait3A_136 = arith.constant 0 : i32
        %dma_wait3A_137 = tpu.memref_slice %arg2[%dma_wait3A_132, %dma_wait3A_136] : memref<2x320000xi32, #tpu.memory_space<hbm>> -> memref<1x400xi32, #tpu.memory_space<hbm>>
        %dma_wait3A_138 = tpu.memref_squeeze %dma_wait3A_137 : memref<1x400xi32, #tpu.memory_space<hbm>> -> memref<400xi32, #tpu.memory_space<hbm>>
        tpu.wait_dma2 semaphore(%arg19 : memref<!tpu.dma_semaphore, #tpu.memory_space<semaphore_mem>>) src(%dma_wait3A_138 : memref<400xi32, #tpu.memory_space<hbm>>) dst(%arg6 : memref<400xi32, #tpu.memory_space<vmem>>)
        %dma_start3A = arith.constant 0 : i32
        %dma_start3A_139 = arith.constant 0 : i32
        %dma_start3A_140 = tpu.memref_slice %arg3[%dma_start3A, %dma_start3A_139] : memref<10000x48xf32, #tpu.memory_space<hbm>> -> memref<10000x48xf32, #tpu.memory_space<hbm>>
        tpu.enqueue_indirect_dma source(%dma_start3A_140 : memref<10000x48xf32, #tpu.memory_space<hbm>>) target(%arg14 : memref<400x48xf32, #tpu.memory_space<vmem>>) offsets(%arg6 : memref<400xi32, #tpu.memory_space<vmem>>) semaphore(%arg23 : memref<!tpu.dma_semaphore, #tpu.memory_space<semaphore_mem>>)
      } else {
      }
      %ge3A_66 = arith.constant 3 : i32
      %ge3A_67 = arith.cmpi sge, %add3A_47, %ge3A_66 : i32
      %convert_element_type3A_68 = arith.extui %ge3A_67 : i1 to i32
      %cond3A_69 = arith.constant 0 : i32
      %cond3A_70 = arith.cmpi ne, %convert_element_type3A_68, %cond3A_69 : i32
      scf.if %cond3A_70 {
        %dma_wait3A_125 = arith.constant 0 : i32
        %dma_wait3A_126 = arith.constant 0 : i32
        %dma_wait3A_127 = tpu.memref_slice %arg3[%dma_wait3A_125, %dma_wait3A_126] : memref<10000x48xf32, #tpu.memory_space<hbm>> -> memref<10000x48xf32, #tpu.memory_space<hbm>>
        tpu.wait_indirect_dma semaphore(%arg25 : memref<!tpu.dma_semaphore, #tpu.memory_space<semaphore_mem>>) src(%dma_wait3A_127 : memref<10000x48xf32, #tpu.memory_space<hbm>>) dst(%arg16 : memref<400x48xf32, #tpu.memory_space<vmem>>)
        %dma_start3A = arith.constant 0 : i32
        %dma_start3A_128 = arith.constant 0 : i32
        %dma_start3A_129 = tpu.memref_slice %arg18[%dma_start3A, %dma_start3A_128] : memref<10000x48xf32, #tpu.memory_space<vmem_shared>> -> memref<10000x48xf32, #tpu.memory_space<vmem_shared>>
        tpu.enqueue_indirect_dma source(%arg16 : memref<400x48xf32, #tpu.memory_space<vmem>>) target(%dma_start3A_129 : memref<10000x48xf32, #tpu.memory_space<vmem_shared>>) offsets(%arg12 : memref<400xi32, #tpu.memory_space<vmem>>) semaphore(%arg29 : memref<!tpu.dma_semaphore, #tpu.memory_space<semaphore_mem>>) {add = true}
      } else {
      }
      %mul3A_71 = arith.constant 4 : i32
      %mul3A_72 = arith.muli %scan3A_19, %mul3A_71 : i32
      %add3A_73 = arith.constant 2 : i32
      %add3A_74 = arith.addi %mul3A_72, %add3A_73 : i32
      %ge3A_75 = arith.constant 4 : i32
      %ge3A_76 = arith.cmpi sge, %add3A_74, %ge3A_75 : i32
      %convert_element_type3A_77 = arith.extui %ge3A_76 : i1 to i32
      %cond3A_78 = arith.constant 0 : i32
      %cond3A_79 = arith.cmpi ne, %convert_element_type3A_77, %cond3A_78 : i32
      scf.if %cond3A_79 {
        %dma_wait3A_125 = arith.constant 0 : i32
        %dma_wait3A_126 = arith.constant 0 : i32
        %dma_wait3A_127 = tpu.memref_slice %arg18[%dma_wait3A_125, %dma_wait3A_126] : memref<10000x48xf32, #tpu.memory_space<vmem_shared>> -> memref<10000x48xf32, #tpu.memory_space<vmem_shared>>
        tpu.wait_indirect_dma semaphore(%arg29 : memref<!tpu.dma_semaphore, #tpu.memory_space<semaphore_mem>>) src(%arg16 : memref<400x48xf32, #tpu.memory_space<vmem>>) dst(%dma_wait3A_127 : memref<10000x48xf32, #tpu.memory_space<vmem_shared>>)
      } else {
      }
      %lt3A_80 = arith.constant 25 : i32
      %lt3A_81 = arith.cmpi slt, %add3A_74, %lt3A_80 : i32
      %convert_element_type3A_82 = arith.extui %lt3A_81 : i1 to i32
      %cond3A_83 = arith.constant 0 : i32
      %cond3A_84 = arith.cmpi ne, %convert_element_type3A_82, %cond3A_83 : i32
      scf.if %cond3A_84 {
        %mul3A_125 = arith.constant 400 : i32
        %mul3A_126 = arith.muli %add3A_74, %mul3A_125 : i32
        %add3A_127 = arith.addi %mul3A_2, %mul3A_126 : i32
        %dma_start3A = arith.constant 1 : i32
        %dma_start3A_128 = tpu.memref_slice %arg2[%dma_start3A, %add3A_127] : memref<2x320000xi32, #tpu.memory_space<hbm>> -> memref<1x400xi32, #tpu.memory_space<hbm>>
        %dma_start3A_129 = tpu.memref_squeeze %dma_start3A_128 : memref<1x400xi32, #tpu.memory_space<hbm>> -> memref<400xi32, #tpu.memory_space<hbm>>
        %dma_start3A_130 = tpu.memref_slice %arg2[%dma_start3A, %add3A_127] : memref<2x320000xi32, #tpu.memory_space<hbm>> -> memref<1x400xi32, #tpu.memory_space<hbm>>
        %dma_start3A_131 = tpu.memref_squeeze %dma_start3A_130 : memref<1x400xi32, #tpu.memory_space<hbm>> -> memref<400xi32, #tpu.memory_space<hbm>>
        tpu.enqueue_dma source(%dma_start3A_131 : memref<400xi32, #tpu.memory_space<hbm>>) target(%arg12 : memref<400xi32, #tpu.memory_space<vmem>>) target_semaphore(%arg21 : memref<!tpu.dma_semaphore, #tpu.memory_space<semaphore_mem>>)
        %dma_start3A_132 = arith.constant 0 : i32
        %dma_start3A_133 = tpu.memref_slice %arg2[%dma_start3A_132, %add3A_127] : memref<2x320000xi32, #tpu.memory_space<hbm>> -> memref<1x400xi32, #tpu.memory_space<hbm>>
        %dma_start3A_134 = tpu.memref_squeeze %dma_start3A_133 : memref<1x400xi32, #tpu.memory_space<hbm>> -> memref<400xi32, #tpu.memory_space<hbm>>
        %dma_start3A_135 = tpu.memref_slice %arg2[%dma_start3A_132, %add3A_127] : memref<2x320000xi32, #tpu.memory_space<hbm>> -> memref<1x400xi32, #tpu.memory_space<hbm>>
        %dma_start3A_136 = tpu.memref_squeeze %dma_start3A_135 : memref<1x400xi32, #tpu.memory_space<hbm>> -> memref<400xi32, #tpu.memory_space<hbm>>
        tpu.enqueue_dma source(%dma_start3A_136 : memref<400xi32, #tpu.memory_space<hbm>>) target(%arg8 : memref<400xi32, #tpu.memory_space<vmem>>) target_semaphore(%arg21 : memref<!tpu.dma_semaphore, #tpu.memory_space<semaphore_mem>>)
      } else {
      }
      %ge3A_85 = arith.constant 1 : i32
      %ge3A_86 = arith.cmpi sge, %add3A_74, %ge3A_85 : i32
      %le3A_87 = arith.constant 25 : i32
      %le3A_88 = arith.cmpi sle, %add3A_74, %le3A_87 : i32
      %and3A_89 = arith.andi %ge3A_86, %le3A_88 : i1
      %convert_element_type3A_90 = arith.extui %and3A_89 : i1 to i32
      %cond3A_91 = arith.constant 0 : i32
      %cond3A_92 = arith.cmpi ne, %convert_element_type3A_90, %cond3A_91 : i32
      scf.if %cond3A_92 {
        %dma_wait3A_125 = arith.constant 1 : i32
        %dma_wait3A_126 = arith.constant 0 : i32
        %dma_wait3A_127 = tpu.memref_slice %arg2[%dma_wait3A_125, %dma_wait3A_126] : memref<2x320000xi32, #tpu.memory_space<hbm>> -> memref<1x400xi32, #tpu.memory_space<hbm>>
        %dma_wait3A_128 = tpu.memref_squeeze %dma_wait3A_127 : memref<1x400xi32, #tpu.memory_space<hbm>> -> memref<400xi32, #tpu.memory_space<hbm>>
        %dma_wait3A_129 = arith.constant 0 : i32
        %dma_wait3A_130 = tpu.memref_slice %arg2[%dma_wait3A_125, %dma_wait3A_129] : memref<2x320000xi32, #tpu.memory_space<hbm>> -> memref<1x400xi32, #tpu.memory_space<hbm>>
        %dma_wait3A_131 = tpu.memref_squeeze %dma_wait3A_130 : memref<1x400xi32, #tpu.memory_space<hbm>> -> memref<400xi32, #tpu.memory_space<hbm>>
        tpu.wait_dma2 semaphore(%arg20 : memref<!tpu.dma_semaphore, #tpu.memory_space<semaphore_mem>>) src(%dma_wait3A_131 : memref<400xi32, #tpu.memory_space<hbm>>) dst(%arg11 : memref<400xi32, #tpu.memory_space<vmem>>)
        %dma_wait3A_132 = arith.constant 0 : i32
        %dma_wait3A_133 = arith.constant 0 : i32
        %dma_wait3A_134 = tpu.memref_slice %arg2[%dma_wait3A_132, %dma_wait3A_133] : memref<2x320000xi32, #tpu.memory_space<hbm>> -> memref<1x400xi32, #tpu.memory_space<hbm>>
        %dma_wait3A_135 = tpu.memref_squeeze %dma_wait3A_134 : memref<1x400xi32, #tpu.memory_space<hbm>> -> memref<400xi32, #tpu.memory_space<hbm>>
        %dma_wait3A_136 = arith.constant 0 : i32
        %dma_wait3A_137 = tpu.memref_slice %arg2[%dma_wait3A_132, %dma_wait3A_136] : memref<2x320000xi32, #tpu.memory_space<hbm>> -> memref<1x400xi32, #tpu.memory_space<hbm>>
        %dma_wait3A_138 = tpu.memref_squeeze %dma_wait3A_137 : memref<1x400xi32, #tpu.memory_space<hbm>> -> memref<400xi32, #tpu.memory_space<hbm>>
        tpu.wait_dma2 semaphore(%arg20 : memref<!tpu.dma_semaphore, #tpu.memory_space<semaphore_mem>>) src(%dma_wait3A_138 : memref<400xi32, #tpu.memory_space<hbm>>) dst(%arg7 : memref<400xi32, #tpu.memory_space<vmem>>)
        %dma_start3A = arith.constant 0 : i32
        %dma_start3A_139 = arith.constant 0 : i32
        %dma_start3A_140 = tpu.memref_slice %arg3[%dma_start3A, %dma_start3A_139] : memref<10000x48xf32, #tpu.memory_space<hbm>> -> memref<10000x48xf32, #tpu.memory_space<hbm>>
        tpu.enqueue_indirect_dma source(%dma_start3A_140 : memref<10000x48xf32, #tpu.memory_space<hbm>>) target(%arg15 : memref<400x48xf32, #tpu.memory_space<vmem>>) offsets(%arg7 : memref<400xi32, #tpu.memory_space<vmem>>) semaphore(%arg24 : memref<!tpu.dma_semaphore, #tpu.memory_space<semaphore_mem>>)
      } else {
      }
      %ge3A_93 = arith.constant 3 : i32
      %ge3A_94 = arith.cmpi sge, %add3A_74, %ge3A_93 : i32
      %convert_element_type3A_95 = arith.extui %ge3A_94 : i1 to i32
      %cond3A_96 = arith.constant 0 : i32
      %cond3A_97 = arith.cmpi ne, %convert_element_type3A_95, %cond3A_96 : i32
      scf.if %cond3A_97 {
        %dma_wait3A_125 = arith.constant 0 : i32
        %dma_wait3A_126 = arith.constant 0 : i32
        %dma_wait3A_127 = tpu.memref_slice %arg3[%dma_wait3A_125, %dma_wait3A_126] : memref<10000x48xf32, #tpu.memory_space<hbm>> -> memref<10000x48xf32, #tpu.memory_space<hbm>>
        tpu.wait_indirect_dma semaphore(%arg26 : memref<!tpu.dma_semaphore, #tpu.memory_space<semaphore_mem>>) src(%dma_wait3A_127 : memref<10000x48xf32, #tpu.memory_space<hbm>>) dst(%arg17 : memref<400x48xf32, #tpu.memory_space<vmem>>)
        %dma_start3A = arith.constant 0 : i32
        %dma_start3A_128 = arith.constant 0 : i32
        %dma_start3A_129 = tpu.memref_slice %arg18[%dma_start3A, %dma_start3A_128] : memref<10000x48xf32, #tpu.memory_space<vmem_shared>> -> memref<10000x48xf32, #tpu.memory_space<vmem_shared>>
        tpu.enqueue_indirect_dma source(%arg17 : memref<400x48xf32, #tpu.memory_space<vmem>>) target(%dma_start3A_129 : memref<10000x48xf32, #tpu.memory_space<vmem_shared>>) offsets(%arg13 : memref<400xi32, #tpu.memory_space<vmem>>) semaphore(%arg30 : memref<!tpu.dma_semaphore, #tpu.memory_space<semaphore_mem>>) {add = true}
      } else {
      }
      %mul3A_98 = arith.constant 4 : i32
      %mul3A_99 = arith.muli %scan3A_19, %mul3A_98 : i32
      %add3A_100 = arith.constant 3 : i32
      %add3A_101 = arith.addi %mul3A_99, %add3A_100 : i32
      %ge3A_102 = arith.constant 4 : i32
      %ge3A_103 = arith.cmpi sge, %add3A_101, %ge3A_102 : i32
      %convert_element_type3A_104 = arith.extui %ge3A_103 : i1 to i32
      %cond3A_105 = arith.constant 0 : i32
      %cond3A_106 = arith.cmpi ne, %convert_element_type3A_104, %cond3A_105 : i32
      scf.if %cond3A_106 {
        %dma_wait3A_125 = arith.constant 0 : i32
        %dma_wait3A_126 = arith.constant 0 : i32
        %dma_wait3A_127 = tpu.memref_slice %arg18[%dma_wait3A_125, %dma_wait3A_126] : memref<10000x48xf32, #tpu.memory_space<vmem_shared>> -> memref<10000x48xf32, #tpu.memory_space<vmem_shared>>
        tpu.wait_indirect_dma semaphore(%arg30 : memref<!tpu.dma_semaphore, #tpu.memory_space<semaphore_mem>>) src(%arg17 : memref<400x48xf32, #tpu.memory_space<vmem>>) dst(%dma_wait3A_127 : memref<10000x48xf32, #tpu.memory_space<vmem_shared>>)
      } else {
      }
      %lt3A_107 = arith.constant 25 : i32
      %lt3A_108 = arith.cmpi slt, %add3A_101, %lt3A_107 : i32
      %convert_element_type3A_109 = arith.extui %lt3A_108 : i1 to i32
      %cond3A_110 = arith.constant 0 : i32
      %cond3A_111 = arith.cmpi ne, %convert_element_type3A_109, %cond3A_110 : i32
      scf.if %cond3A_111 {
        %mul3A_125 = arith.constant 400 : i32
        %mul3A_126 = arith.muli %add3A_101, %mul3A_125 : i32
        %add3A_127 = arith.addi %mul3A_2, %mul3A_126 : i32
        %dma_start3A = arith.constant 1 : i32
        %dma_start3A_128 = tpu.memref_slice %arg2[%dma_start3A, %add3A_127] : memref<2x320000xi32, #tpu.memory_space<hbm>> -> memref<1x400xi32, #tpu.memory_space<hbm>>
        %dma_start3A_129 = tpu.memref_squeeze %dma_start3A_128 : memref<1x400xi32, #tpu.memory_space<hbm>> -> memref<400xi32, #tpu.memory_space<hbm>>
        %dma_start3A_130 = tpu.memref_slice %arg2[%dma_start3A, %add3A_127] : memref<2x320000xi32, #tpu.memory_space<hbm>> -> memref<1x400xi32, #tpu.memory_space<hbm>>
        %dma_start3A_131 = tpu.memref_squeeze %dma_start3A_130 : memref<1x400xi32, #tpu.memory_space<hbm>> -> memref<400xi32, #tpu.memory_space<hbm>>
        tpu.enqueue_dma source(%dma_start3A_131 : memref<400xi32, #tpu.memory_space<hbm>>) target(%arg13 : memref<400xi32, #tpu.memory_space<vmem>>) target_semaphore(%arg22 : memref<!tpu.dma_semaphore, #tpu.memory_space<semaphore_mem>>)
        %dma_start3A_132 = arith.constant 0 : i32
        %dma_start3A_133 = tpu.memref_slice %arg2[%dma_start3A_132, %add3A_127] : memref<2x320000xi32, #tpu.memory_space<hbm>> -> memref<1x400xi32, #tpu.memory_space<hbm>>
        %dma_start3A_134 = tpu.memref_squeeze %dma_start3A_133 : memref<1x400xi32, #tpu.memory_space<hbm>> -> memref<400xi32, #tpu.memory_space<hbm>>
        %dma_start3A_135 = tpu.memref_slice %arg2[%dma_start3A_132, %add3A_127] : memref<2x320000xi32, #tpu.memory_space<hbm>> -> memref<1x400xi32, #tpu.memory_space<hbm>>
        %dma_start3A_136 = tpu.memref_squeeze %dma_start3A_135 : memref<1x400xi32, #tpu.memory_space<hbm>> -> memref<400xi32, #tpu.memory_space<hbm>>
        tpu.enqueue_dma source(%dma_start3A_136 : memref<400xi32, #tpu.memory_space<hbm>>) target(%arg9 : memref<400xi32, #tpu.memory_space<vmem>>) target_semaphore(%arg22 : memref<!tpu.dma_semaphore, #tpu.memory_space<semaphore_mem>>)
      } else {
      }
      %ge3A_112 = arith.constant 1 : i32
      %ge3A_113 = arith.cmpi sge, %add3A_101, %ge3A_112 : i32
      %le3A_114 = arith.constant 25 : i32
      %le3A_115 = arith.cmpi sle, %add3A_101, %le3A_114 : i32
      %and3A_116 = arith.andi %ge3A_113, %le3A_115 : i1
      %convert_element_type3A_117 = arith.extui %and3A_116 : i1 to i32
      %cond3A_118 = arith.constant 0 : i32
      %cond3A_119 = arith.cmpi ne, %convert_element_type3A_117, %cond3A_118 : i32
      scf.if %cond3A_119 {
        %dma_wait3A_125 = arith.constant 1 : i32
        %dma_wait3A_126 = arith.constant 0 : i32
        %dma_wait3A_127 = tpu.memref_slice %arg2[%dma_wait3A_125, %dma_wait3A_126] : memref<2x320000xi32, #tpu.memory_space<hbm>> -> memref<1x400xi32, #tpu.memory_space<hbm>>
        %dma_wait3A_128 = tpu.memref_squeeze %dma_wait3A_127 : memref<1x400xi32, #tpu.memory_space<hbm>> -> memref<400xi32, #tpu.memory_space<hbm>>
        %dma_wait3A_129 = arith.constant 0 : i32
        %dma_wait3A_130 = tpu.memref_slice %arg2[%dma_wait3A_125, %dma_wait3A_129] : memref<2x320000xi32, #tpu.memory_space<hbm>> -> memref<1x400xi32, #tpu.memory_space<hbm>>
        %dma_wait3A_131 = tpu.memref_squeeze %dma_wait3A_130 : memref<1x400xi32, #tpu.memory_space<hbm>> -> memref<400xi32, #tpu.memory_space<hbm>>
        tpu.wait_dma2 semaphore(%arg21 : memref<!tpu.dma_semaphore, #tpu.memory_space<semaphore_mem>>) src(%dma_wait3A_131 : memref<400xi32, #tpu.memory_space<hbm>>) dst(%arg12 : memref<400xi32, #tpu.memory_space<vmem>>)
        %dma_wait3A_132 = arith.constant 0 : i32
        %dma_wait3A_133 = arith.constant 0 : i32
        %dma_wait3A_134 = tpu.memref_slice %arg2[%dma_wait3A_132, %dma_wait3A_133] : memref<2x320000xi32, #tpu.memory_space<hbm>> -> memref<1x400xi32, #tpu.memory_space<hbm>>
        %dma_wait3A_135 = tpu.memref_squeeze %dma_wait3A_134 : memref<1x400xi32, #tpu.memory_space<hbm>> -> memref<400xi32, #tpu.memory_space<hbm>>
        %dma_wait3A_136 = arith.constant 0 : i32
        %dma_wait3A_137 = tpu.memref_slice %arg2[%dma_wait3A_132, %dma_wait3A_136] : memref<2x320000xi32, #tpu.memory_space<hbm>> -> memref<1x400xi32, #tpu.memory_space<hbm>>
        %dma_wait3A_138 = tpu.memref_squeeze %dma_wait3A_137 : memref<1x400xi32, #tpu.memory_space<hbm>> -> memref<400xi32, #tpu.memory_space<hbm>>
        tpu.wait_dma2 semaphore(%arg21 : memref<!tpu.dma_semaphore, #tpu.memory_space<semaphore_mem>>) src(%dma_wait3A_138 : memref<400xi32, #tpu.memory_space<hbm>>) dst(%arg8 : memref<400xi32, #tpu.memory_space<vmem>>)
        %dma_start3A = arith.constant 0 : i32
        %dma_start3A_139 = arith.constant 0 : i32
        %dma_start3A_140 = tpu.memref_slice %arg3[%dma_start3A, %dma_start3A_139] : memref<10000x48xf32, #tpu.memory_space<hbm>> -> memref<10000x48xf32, #tpu.memory_space<hbm>>
        tpu.enqueue_indirect_dma source(%dma_start3A_140 : memref<10000x48xf32, #tpu.memory_space<hbm>>) target(%arg16 : memref<400x48xf32, #tpu.memory_space<vmem>>) offsets(%arg8 : memref<400xi32, #tpu.memory_space<vmem>>) semaphore(%arg25 : memref<!tpu.dma_semaphore, #tpu.memory_space<semaphore_mem>>)
      } else {
      }
      %ge3A_120 = arith.constant 3 : i32
      %ge3A_121 = arith.cmpi sge, %add3A_101, %ge3A_120 : i32
      %convert_element_type3A_122 = arith.extui %ge3A_121 : i1 to i32
      %cond3A_123 = arith.constant 0 : i32
      %cond3A_124 = arith.cmpi ne, %convert_element_type3A_122, %cond3A_123 : i32
      scf.if %cond3A_124 {
        %dma_wait3A_125 = arith.constant 0 : i32
        %dma_wait3A_126 = arith.constant 0 : i32
        %dma_wait3A_127 = tpu.memref_slice %arg3[%dma_wait3A_125, %dma_wait3A_126] : memref<10000x48xf32, #tpu.memory_space<hbm>> -> memref<10000x48xf32, #tpu.memory_space<hbm>>
        tpu.wait_indirect_dma semaphore(%arg23 : memref<!tpu.dma_semaphore, #tpu.memory_space<semaphore_mem>>) src(%dma_wait3A_127 : memref<10000x48xf32, #tpu.memory_space<hbm>>) dst(%arg14 : memref<400x48xf32, #tpu.memory_space<vmem>>)
        %dma_start3A = arith.constant 0 : i32
        %dma_start3A_128 = arith.constant 0 : i32
        %dma_start3A_129 = tpu.memref_slice %arg18[%dma_start3A, %dma_start3A_128] : memref<10000x48xf32, #tpu.memory_space<vmem_shared>> -> memref<10000x48xf32, #tpu.memory_space<vmem_shared>>
        tpu.enqueue_indirect_dma source(%arg14 : memref<400x48xf32, #tpu.memory_space<vmem>>) target(%dma_start3A_129 : memref<10000x48xf32, #tpu.memory_space<vmem_shared>>) offsets(%arg10 : memref<400xi32, #tpu.memory_space<vmem>>) semaphore(%arg27 : memref<!tpu.dma_semaphore, #tpu.memory_space<semaphore_mem>>) {add = true}
      } else {
      }
    }
    %scan3A_9 = arith.constant 7 : i32
    %dma_wait3A = arith.constant 0 : i32
    %dma_wait3A_10 = arith.constant 0 : i32
    %dma_wait3A_11 = tpu.memref_slice %arg18[%dma_wait3A, %dma_wait3A_10] : memref<10000x48xf32, #tpu.memory_space<vmem_shared>> -> memref<10000x48xf32, #tpu.memory_space<vmem_shared>>
    tpu.wait_indirect_dma semaphore(%arg27 : memref<!tpu.dma_semaphore, #tpu.memory_space<semaphore_mem>>) src(%arg14 : memref<400x48xf32, #tpu.memory_space<vmem>>) dst(%dma_wait3A_11 : memref<10000x48xf32, #tpu.memory_space<vmem_shared>>)
    %barrier3A_12 = arith.constant 0 : index
    tpu.barrier barrier_id(%barrier3A_12)
    %lt3A = arith.constant 15 : i32
    %lt3A_13 = arith.cmpi slt, %arg1, %lt3A : i32
    %convert_element_type3A = arith.extui %lt3A_13 : i1 to i32
    %cond3A = arith.constant 0 : i32
    %cond3A_14 = arith.cmpi ne, %convert_element_type3A, %cond3A : i32
    scf.if %cond3A_14 {
      %mul3A_19 = arith.constant 632 : i32
      %mul3A_20 = arith.muli %arg1, %mul3A_19 : i32
      %mul3A_21 = arith.constant 10000 : i32
      %mul3A_22 = arith.muli %arg0, %mul3A_21 : i32
      %mul3A_23 = arith.constant 632 : i32
      %mul3A_24 = arith.muli %arg1, %mul3A_23 : i32
      %add3A_25 = arith.addi %mul3A_22, %mul3A_24 : i32
      "tpu.region"() ({
        %run_scoped3A = tpu.sem_alloc : memref<!tpu.dma_semaphore, #tpu.memory_space<semaphore_mem>>
        %dma_start3A = arith.constant 0 : i32
        %dma_start3A_26 = tpu.memref_slice %arg5[%add3A_25, %dma_start3A] : memref<20000x48xf32, #tpu.memory_space<hbm>> -> memref<632x48xf32, #tpu.memory_space<hbm>>
        %dma_start3A_27 = arith.constant 0 : i32
        %dma_start3A_28 = tpu.memref_slice %arg18[%mul3A_20, %dma_start3A_27] : memref<10000x48xf32, #tpu.memory_space<vmem_shared>> -> memref<632x48xf32, #tpu.memory_space<vmem_shared>>
        tpu.enqueue_dma source(%dma_start3A_28 : memref<632x48xf32, #tpu.memory_space<vmem_shared>>) target(%dma_start3A_26 : memref<632x48xf32, #tpu.memory_space<hbm>>) target_semaphore(%run_scoped3A : memref<!tpu.dma_semaphore, #tpu.memory_space<semaphore_mem>>)
        %dma_wait3A_29 = arith.constant 0 : i32
        %dma_wait3A_30 = tpu.memref_slice %arg5[%add3A_25, %dma_wait3A_29] : memref<20000x48xf32, #tpu.memory_space<hbm>> -> memref<632x48xf32, #tpu.memory_space<hbm>>
        %dma_wait3A_31 = arith.constant 0 : i32
        %dma_wait3A_32 = tpu.memref_slice %arg18[%mul3A_20, %dma_wait3A_31] : memref<10000x48xf32, #tpu.memory_space<vmem_shared>> -> memref<632x48xf32, #tpu.memory_space<vmem_shared>>
        tpu.wait_dma2 semaphore(%run_scoped3A : memref<!tpu.dma_semaphore, #tpu.memory_space<semaphore_mem>>) src(%dma_wait3A_32 : memref<632x48xf32, #tpu.memory_space<vmem_shared>>) dst(%dma_wait3A_30 : memref<632x48xf32, #tpu.memory_space<hbm>>)
        tpu.yield
      }) : () -> ()
    } else {
    }
    %eq3A = arith.constant 15 : i32
    %eq3A_15 = arith.cmpi eq, %arg1, %eq3A : i32
    %convert_element_type3A_16 = arith.extui %eq3A_15 : i1 to i32
    %cond3A_17 = arith.constant 0 : i32
    %cond3A_18 = arith.cmpi ne, %convert_element_type3A_16, %cond3A_17 : i32
    scf.if %cond3A_18 {
      %mul3A_19 = arith.constant 10000 : i32
      %mul3A_20 = arith.muli %arg0, %mul3A_19 : i32
      %add3A_21 = arith.constant 9480 : i32
      %add3A_22 = arith.addi %mul3A_20, %add3A_21 : i32
      "tpu.region"() ({
        %run_scoped3A = tpu.sem_alloc : memref<!tpu.dma_semaphore, #tpu.memory_space<semaphore_mem>>
        %dma_start3A = arith.constant 0 : i32
        %dma_start3A_23 = tpu.memref_slice %arg5[%add3A_22, %dma_start3A] : memref<20000x48xf32, #tpu.memory_space<hbm>> -> memref<520x48xf32, #tpu.memory_space<hbm>>
        %dma_start3A_24 = arith.constant 9480 : i32
        %dma_start3A_25 = arith.constant 0 : i32
        %dma_start3A_26 = tpu.memref_slice %arg18[%dma_start3A_24, %dma_start3A_25] : memref<10000x48xf32, #tpu.memory_space<vmem_shared>> -> memref<520x48xf32, #tpu.memory_space<vmem_shared>>
        tpu.enqueue_dma source(%dma_start3A_26 : memref<520x48xf32, #tpu.memory_space<vmem_shared>>) target(%dma_start3A_23 : memref<520x48xf32, #tpu.memory_space<hbm>>) target_semaphore(%run_scoped3A : memref<!tpu.dma_semaphore, #tpu.memory_space<semaphore_mem>>)
        %dma_wait3A_27 = arith.constant 0 : i32
        %dma_wait3A_28 = tpu.memref_slice %arg5[%add3A_22, %dma_wait3A_27] : memref<20000x48xf32, #tpu.memory_space<hbm>> -> memref<520x48xf32, #tpu.memory_space<hbm>>
        %dma_wait3A_29 = arith.constant 9480 : i32
        %dma_wait3A_30 = arith.constant 0 : i32
        %dma_wait3A_31 = tpu.memref_slice %arg18[%dma_wait3A_29, %dma_wait3A_30] : memref<10000x48xf32, #tpu.memory_space<vmem_shared>> -> memref<520x48xf32, #tpu.memory_space<vmem_shared>>
        tpu.wait_dma2 semaphore(%run_scoped3A : memref<!tpu.dma_semaphore, #tpu.memory_space<semaphore_mem>>) src(%dma_wait3A_31 : memref<520x48xf32, #tpu.memory_space<vmem_shared>>) dst(%dma_wait3A_28 : memref<520x48xf32, #tpu.memory_space<hbm>>)
        tpu.yield
      }) : () -> ()
    } else {
    }
    return
  }
}

#map = affine_map<(d0, d1) -> (0, 0)>
module attributes {stable_mosaic.version = 14 : i64} {
  func.func @_deg_kernel(%arg0: i32, %arg1: i32, %arg2: memref<2x320000xi32, #tpu.memory_space<hbm>>, %arg3: memref<625x128xf32, #tpu.memory_space<hbm>>, %arg4: memref<160x128xf32, #tpu.memory_space<hbm>>, %arg5: memref<400xi32, #tpu.memory_space<vmem>>, %arg6: memref<400xi32, #tpu.memory_space<vmem>>, %arg7: memref<400xi32, #tpu.memory_space<vmem>>, %arg8: memref<400xi32, #tpu.memory_space<vmem>>, %arg9: memref<80x128xf32, #tpu.memory_space<vmem>>, %arg10: memref<80xi32, #tpu.memory_space<vmem>>, %arg11: memref<80x128xf32, #tpu.memory_space<vmem_shared>>, %arg12: memref<!tpu.dma_semaphore, #tpu.memory_space<semaphore_mem>>, %arg13: memref<!tpu.dma_semaphore, #tpu.memory_space<semaphore_mem>>, %arg14: memref<!tpu.dma_semaphore, #tpu.memory_space<semaphore_mem>>, %arg15: memref<!tpu.dma_semaphore, #tpu.memory_space<semaphore_mem>>, %arg16: memref<!tpu.dma_semaphore, #tpu.memory_space<semaphore_mem>>) attributes {dimension_semantics = [#tpu.dimension_semantics<core_parallel>, #tpu.dimension_semantics<subcore_parallel>], iteration_bounds = array<i64: 2, 16>, scalar_prefetch = 0 : i64, scratch_operands = 12 : i64, tpu.core_type = #tpu.core_type<sc_vector_subcore>, window_params = [{transform_indices = #map}, {transform_indices = #map}, {transform_indices = #map}]} {
    %mul3A = arith.constant 16 : i32
    %mul3A_0 = arith.muli %arg0, %mul3A : i32
    %add3A = arith.addi %mul3A_0, %arg1 : i32
    %mul3A_1 = arith.constant 10000 : i32
    %mul3A_2 = arith.muli %add3A, %mul3A_1 : i32
    "tpu.region"() ({
      %run_scoped3A = tpu.sem_alloc : memref<!tpu.dma_semaphore, #tpu.memory_space<semaphore_mem>>
      %dma_start3A_26 = arith.constant 0 : i32
      %dma_start3A_27 = arith.constant 0 : i32
      %dma_start3A_28 = tpu.memref_slice %arg3[%dma_start3A_26, %dma_start3A_27] : memref<625x128xf32, #tpu.memory_space<hbm>> -> memref<80x128xf32, #tpu.memory_space<hbm>>
      %dma_start3A_29 = arith.constant 0 : i32
      %dma_start3A_30 = arith.constant 0 : i32
      %dma_start3A_31 = tpu.memref_slice %arg3[%dma_start3A_29, %dma_start3A_30] : memref<625x128xf32, #tpu.memory_space<hbm>> -> memref<80x128xf32, #tpu.memory_space<hbm>>
      tpu.enqueue_dma source(%dma_start3A_31 : memref<80x128xf32, #tpu.memory_space<hbm>>) target(%arg9 : memref<80x128xf32, #tpu.memory_space<vmem>>) target_semaphore(%run_scoped3A : memref<!tpu.dma_semaphore, #tpu.memory_space<semaphore_mem>>)
      %dma_wait3A_32 = arith.constant 0 : i32
      %dma_wait3A_33 = arith.constant 0 : i32
      %dma_wait3A_34 = tpu.memref_slice %arg3[%dma_wait3A_32, %dma_wait3A_33] : memref<625x128xf32, #tpu.memory_space<hbm>> -> memref<80x128xf32, #tpu.memory_space<hbm>>
      %dma_wait3A_35 = arith.constant 0 : i32
      %dma_wait3A_36 = arith.constant 0 : i32
      %dma_wait3A_37 = tpu.memref_slice %arg3[%dma_wait3A_35, %dma_wait3A_36] : memref<625x128xf32, #tpu.memory_space<hbm>> -> memref<80x128xf32, #tpu.memory_space<hbm>>
      tpu.wait_dma2 semaphore(%run_scoped3A : memref<!tpu.dma_semaphore, #tpu.memory_space<semaphore_mem>>) src(%dma_wait3A_37 : memref<80x128xf32, #tpu.memory_space<hbm>>) dst(%arg9 : memref<80x128xf32, #tpu.memory_space<vmem>>)
      tpu.yield
    }) : () -> ()
    %eq3A = arith.constant 0 : i32
    %eq3A_3 = arith.cmpi eq, %arg1, %eq3A : i32
    %convert_element_type3A = arith.extui %eq3A_3 : i1 to i32
    %cond3A = arith.constant 0 : i32
    %cond3A_4 = arith.cmpi ne, %convert_element_type3A, %cond3A : i32
    scf.if %cond3A_4 {
      "tpu.region"() ({
        %run_scoped3A = tpu.sem_alloc : memref<!tpu.dma_semaphore, #tpu.memory_space<semaphore_mem>>
        %dma_start3A_26 = arith.constant 0 : i32
        %dma_start3A_27 = arith.constant 0 : i32
        %dma_start3A_28 = tpu.memref_slice %arg3[%dma_start3A_26, %dma_start3A_27] : memref<625x128xf32, #tpu.memory_space<hbm>> -> memref<80x128xf32, #tpu.memory_space<hbm>>
        tpu.enqueue_dma source(%dma_start3A_28 : memref<80x128xf32, #tpu.memory_space<hbm>>) target(%arg11 : memref<80x128xf32, #tpu.memory_space<vmem_shared>>) target_semaphore(%run_scoped3A : memref<!tpu.dma_semaphore, #tpu.memory_space<semaphore_mem>>)
        %dma_wait3A_29 = arith.constant 0 : i32
        %dma_wait3A_30 = arith.constant 0 : i32
        %dma_wait3A_31 = tpu.memref_slice %arg3[%dma_wait3A_29, %dma_wait3A_30] : memref<625x128xf32, #tpu.memory_space<hbm>> -> memref<80x128xf32, #tpu.memory_space<hbm>>
        tpu.wait_dma2 semaphore(%run_scoped3A : memref<!tpu.dma_semaphore, #tpu.memory_space<semaphore_mem>>) src(%dma_wait3A_31 : memref<80x128xf32, #tpu.memory_space<hbm>>) dst(%arg11 : memref<80x128xf32, #tpu.memory_space<vmem_shared>>)
        tpu.yield
      }) : () -> ()
    } else {
    }
    %scan3A = arith.constant 0 : i32
    %scan3A_5 = arith.constant 0 : i32
    %scan3A_6 = arith.constant 5 : i32
    %scan3A_7 = arith.addi %scan3A_5, %scan3A_6 : i32
    %scan3A_8 = arith.constant 1 : i32
    scf.for %scan3A_26 = %scan3A_5 to %scan3A_7 step %scan3A_8  : i32 {
      %iota3A = tpu.iota {dimensions = array<i32: 0>} : vector<16xi32>
      %mul3A_27 = arith.constant 16 : i32
      %mul3A_28 = arith.muli %scan3A_26, %mul3A_27 : i32
      %add3A_29 = vector.broadcast %mul3A_28 : i32 to vector<16xi32>
      %add3A_30 = arith.addi %iota3A, %add3A_29 : vector<16xi32>
      %mul3A_31 = arith.constant 16 : i32
      %mul3A_32 = arith.muli %scan3A_26, %mul3A_31 : i32
      %swap3A = arith.index_cast %mul3A_32 : i32 to index
      %swap3A_33 = tpu.vector_load %arg10[%swap3A] {strides = array<i32>} : memref<80xi32, #tpu.memory_space<vmem>>, vector<16xi32>,
      tpu.vector_store %arg10[%swap3A], %add3A_30 {strides = array<i32>} : memref<80xi32, #tpu.memory_space<vmem>>, vector<16xi32>,
    }
    %scan3A_9 = arith.constant 5 : i32
    %barrier3A = arith.constant 0 : index
    tpu.barrier barrier_id(%barrier3A)
    %broadcast_in_dim3A = arith.constant 1.000000e+00 : f32
    %broadcast_in_dim3A_10 = vector.broadcast %broadcast_in_dim3A : f32 to vector<16xf32>
    %scan3A_11 = arith.constant 0 : i32
    %scan3A_12 = arith.constant 0 : i32
    %scan3A_13 = arith.constant 7 : i32
    %scan3A_14 = arith.addi %scan3A_12, %scan3A_13 : i32
    %scan3A_15 = arith.constant 1 : i32
    scf.for %scan3A_26 = %scan3A_12 to %scan3A_14 step %scan3A_15  : i32 {
      %mul3A_27 = arith.constant 4 : i32
      %mul3A_28 = arith.muli %scan3A_26, %mul3A_27 : i32
      %add3A_29 = arith.constant 0 : i32
      %add3A_30 = arith.addi %mul3A_28, %add3A_29 : i32
      %lt3A_31 = arith.constant 25 : i32
      %lt3A_32 = arith.cmpi slt, %add3A_30, %lt3A_31 : i32
      %convert_element_type3A_33 = arith.extui %lt3A_32 : i1 to i32
      %cond3A_34 = arith.constant 0 : i32
      %cond3A_35 = arith.cmpi ne, %convert_element_type3A_33, %cond3A_34 : i32
      scf.if %cond3A_35 {
        %mul3A_92 = arith.constant 400 : i32
        %mul3A_93 = arith.muli %add3A_30, %mul3A_92 : i32
        %add3A_94 = arith.addi %mul3A_2, %mul3A_93 : i32
        %dma_start3A_95 = arith.constant 1 : i32
        %dma_start3A_96 = tpu.memref_slice %arg2[%dma_start3A_95, %add3A_94] : memref<2x320000xi32, #tpu.memory_space<hbm>> -> memref<1x400xi32, #tpu.memory_space<hbm>>
        %dma_start3A_97 = tpu.memref_squeeze %dma_start3A_96 : memref<1x400xi32, #tpu.memory_space<hbm>> -> memref<400xi32, #tpu.memory_space<hbm>>
        %dma_start3A_98 = tpu.memref_slice %arg2[%dma_start3A_95, %add3A_94] : memref<2x320000xi32, #tpu.memory_space<hbm>> -> memref<1x400xi32, #tpu.memory_space<hbm>>
        %dma_start3A_99 = tpu.memref_squeeze %dma_start3A_98 : memref<1x400xi32, #tpu.memory_space<hbm>> -> memref<400xi32, #tpu.memory_space<hbm>>
        tpu.enqueue_dma source(%dma_start3A_99 : memref<400xi32, #tpu.memory_space<hbm>>) target(%arg5 : memref<400xi32, #tpu.memory_space<vmem>>) target_semaphore(%arg12 : memref<!tpu.dma_semaphore, #tpu.memory_space<semaphore_mem>>)
      } else {
      }
      %ge3A = arith.constant 1 : i32
      %ge3A_36 = arith.cmpi sge, %add3A_30, %ge3A : i32
      %le3A = arith.constant 25 : i32
      %le3A_37 = arith.cmpi sle, %add3A_30, %le3A : i32
      %and3A = arith.andi %ge3A_36, %le3A_37 : i1
      %convert_element_type3A_38 = arith.extui %and3A : i1 to i32
      %cond3A_39 = arith.constant 0 : i32
      %cond3A_40 = arith.cmpi ne, %convert_element_type3A_38, %cond3A_39 : i32
      scf.if %cond3A_40 {
        %dma_wait3A_92 = arith.constant 1 : i32
        %dma_wait3A_93 = arith.constant 0 : i32
        %dma_wait3A_94 = tpu.memref_slice %arg2[%dma_wait3A_92, %dma_wait3A_93] : memref<2x320000xi32, #tpu.memory_space<hbm>> -> memref<1x400xi32, #tpu.memory_space<hbm>>
        %dma_wait3A_95 = tpu.memref_squeeze %dma_wait3A_94 : memref<1x400xi32, #tpu.memory_space<hbm>> -> memref<400xi32, #tpu.memory_space<hbm>>
        %dma_wait3A_96 = arith.constant 0 : i32
        %dma_wait3A_97 = tpu.memref_slice %arg2[%dma_wait3A_92, %dma_wait3A_96] : memref<2x320000xi32, #tpu.memory_space<hbm>> -> memref<1x400xi32, #tpu.memory_space<hbm>>
        %dma_wait3A_98 = tpu.memref_squeeze %dma_wait3A_97 : memref<1x400xi32, #tpu.memory_space<hbm>> -> memref<400xi32, #tpu.memory_space<hbm>>
        tpu.wait_dma2 semaphore(%arg15 : memref<!tpu.dma_semaphore, #tpu.memory_space<semaphore_mem>>) src(%dma_wait3A_98 : memref<400xi32, #tpu.memory_space<hbm>>) dst(%arg8 : memref<400xi32, #tpu.memory_space<vmem>>)
        %get3A = arith.constant 0 : index
        %get3A_99 = tpu.vector_load %arg8[%get3A] {strides = array<i32>} : memref<400xi32, #tpu.memory_space<vmem>>, vector<16xi32>,
        %shift_right_logical3A = arith.constant 7 : i32
        %shift_right_logical3A_100 = vector.broadcast %shift_right_logical3A : i32 to vector<16xi32>
        %shift_right_logical3A_101 = arith.shrui %get3A_99, %shift_right_logical3A_100 : vector<16xi32>
        %and3A_102 = arith.constant 127 : i32
        %and3A_103 = vector.broadcast %and3A_102 : i32 to vector<16xi32>
        %and3A_104 = arith.andi %get3A_99, %and3A_103 : vector<16xi32>
        tpu.vector_store_idx %arg9[%shift_right_logical3A_101, %and3A_104], %broadcast_in_dim3A_10 {add = true} : memref<80x128xf32, #tpu.memory_space<vmem>>[vector<16xi32>, vector<16xi32>], vector<16xf32>,
        %get3A_105 = arith.constant 16 : index
        %get3A_106 = tpu.vector_load %arg8[%get3A_105] {strides = array<i32>} : memref<400xi32, #tpu.memory_space<vmem>>, vector<16xi32>,
        %shift_right_logical3A_107 = arith.constant 7 : i32
        %shift_right_logical3A_108 = vector.broadcast %shift_right_logical3A_107 : i32 to vector<16xi32>
        %shift_right_logical3A_109 = arith.shrui %get3A_106, %shift_right_logical3A_108 : vector<16xi32>
        %and3A_110 = arith.constant 127 : i32
        %and3A_111 = vector.broadcast %and3A_110 : i32 to vector<16xi32>
        %and3A_112 = arith.andi %get3A_106, %and3A_111 : vector<16xi32>
        tpu.vector_store_idx %arg9[%shift_right_logical3A_109, %and3A_112], %broadcast_in_dim3A_10 {add = true} : memref<80x128xf32, #tpu.memory_space<vmem>>[vector<16xi32>, vector<16xi32>], vector<16xf32>,
        %get3A_113 = arith.constant 32 : index
        %get3A_114 = tpu.vector_load %arg8[%get3A_113] {strides = array<i32>} : memref<400xi32, #tpu.memory_space<vmem>>, vector<16xi32>,
        %shift_right_logical3A_115 = arith.constant 7 : i32
        %shift_right_logical3A_116 = vector.broadcast %shift_right_logical3A_115 : i32 to vector<16xi32>
        %shift_right_logical3A_117 = arith.shrui %get3A_114, %shift_right_logical3A_116 : vector<16xi32>
        %and3A_118 = arith.constant 127 : i32
        %and3A_119 = vector.broadcast %and3A_118 : i32 to vector<16xi32>
        %and3A_120 = arith.andi %get3A_114, %and3A_119 : vector<16xi32>
        tpu.vector_store_idx %arg9[%shift_right_logical3A_117, %and3A_120], %broadcast_in_dim3A_10 {add = true} : memref<80x128xf32, #tpu.memory_space<vmem>>[vector<16xi32>, vector<16xi32>], vector<16xf32>,
        %get3A_121 = arith.constant 48 : index
        %get3A_122 = tpu.vector_load %arg8[%get3A_121] {strides = array<i32>} : memref<400xi32, #tpu.memory_space<vmem>>, vector<16xi32>,
        %shift_right_logical3A_123 = arith.constant 7 : i32
        %shift_right_logical3A_124 = vector.broadcast %shift_right_logical3A_123 : i32 to vector<16xi32>
        %shift_right_logical3A_125 = arith.shrui %get3A_122, %shift_right_logical3A_124 : vector<16xi32>
        %and3A_126 = arith.constant 127 : i32
        %and3A_127 = vector.broadcast %and3A_126 : i32 to vector<16xi32>
        %and3A_128 = arith.andi %get3A_122, %and3A_127 : vector<16xi32>
        tpu.vector_store_idx %arg9[%shift_right_logical3A_125, %and3A_128], %broadcast_in_dim3A_10 {add = true} : memref<80x128xf32, #tpu.memory_space<vmem>>[vector<16xi32>, vector<16xi32>], vector<16xf32>,
        %get3A_129 = arith.constant 64 : index
        %get3A_130 = tpu.vector_load %arg8[%get3A_129] {strides = array<i32>} : memref<400xi32, #tpu.memory_space<vmem>>, vector<16xi32>,
        %shift_right_logical3A_131 = arith.constant 7 : i32
        %shift_right_logical3A_132 = vector.broadcast %shift_right_logical3A_131 : i32 to vector<16xi32>
        %shift_right_logical3A_133 = arith.shrui %get3A_130, %shift_right_logical3A_132 : vector<16xi32>
        %and3A_134 = arith.constant 127 : i32
        %and3A_135 = vector.broadcast %and3A_134 : i32 to vector<16xi32>
        %and3A_136 = arith.andi %get3A_130, %and3A_135 : vector<16xi32>
        tpu.vector_store_idx %arg9[%shift_right_logical3A_133, %and3A_136], %broadcast_in_dim3A_10 {add = true} : memref<80x128xf32, #tpu.memory_space<vmem>>[vector<16xi32>, vector<16xi32>], vector<16xf32>,
        %get3A_137 = arith.constant 80 : index
        %get3A_138 = tpu.vector_load %arg8[%get3A_137] {strides = array<i32>} : memref<400xi32, #tpu.memory_space<vmem>>, vector<16xi32>,
        %shift_right_logical3A_139 = arith.constant 7 : i32
        %shift_right_logical3A_140 = vector.broadcast %shift_right_logical3A_139 : i32 to vector<16xi32>
        %shift_right_logical3A_141 = arith.shrui %get3A_138, %shift_right_logical3A_140 : vector<16xi32>
        %and3A_142 = arith.constant 127 : i32
        %and3A_143 = vector.broadcast %and3A_142 : i32 to vector<16xi32>
        %and3A_144 = arith.andi %get3A_138, %and3A_143 : vector<16xi32>
        tpu.vector_store_idx %arg9[%shift_right_logical3A_141, %and3A_144], %broadcast_in_dim3A_10 {add = true} : memref<80x128xf32, #tpu.memory_space<vmem>>[vector<16xi32>, vector<16xi32>], vector<16xf32>,
        %get3A_145 = arith.constant 96 : index
        %get3A_146 = tpu.vector_load %arg8[%get3A_145] {strides = array<i32>} : memref<400xi32, #tpu.memory_space<vmem>>, vector<16xi32>,
        %shift_right_logical3A_147 = arith.constant 7 : i32
        %shift_right_logical3A_148 = vector.broadcast %shift_right_logical3A_147 : i32 to vector<16xi32>
        %shift_right_logical3A_149 = arith.shrui %get3A_146, %shift_right_logical3A_148 : vector<16xi32>
        %and3A_150 = arith.constant 127 : i32
        %and3A_151 = vector.broadcast %and3A_150 : i32 to vector<16xi32>
        %and3A_152 = arith.andi %get3A_146, %and3A_151 : vector<16xi32>
        tpu.vector_store_idx %arg9[%shift_right_logical3A_149, %and3A_152], %broadcast_in_dim3A_10 {add = true} : memref<80x128xf32, #tpu.memory_space<vmem>>[vector<16xi32>, vector<16xi32>], vector<16xf32>,
        %get3A_153 = arith.constant 112 : index
        %get3A_154 = tpu.vector_load %arg8[%get3A_153] {strides = array<i32>} : memref<400xi32, #tpu.memory_space<vmem>>, vector<16xi32>,
        %shift_right_logical3A_155 = arith.constant 7 : i32
        %shift_right_logical3A_156 = vector.broadcast %shift_right_logical3A_155 : i32 to vector<16xi32>
        %shift_right_logical3A_157 = arith.shrui %get3A_154, %shift_right_logical3A_156 : vector<16xi32>
        %and3A_158 = arith.constant 127 : i32
        %and3A_159 = vector.broadcast %and3A_158 : i32 to vector<16xi32>
        %and3A_160 = arith.andi %get3A_154, %and3A_159 : vector<16xi32>
        tpu.vector_store_idx %arg9[%shift_right_logical3A_157, %and3A_160], %broadcast_in_dim3A_10 {add = true} : memref<80x128xf32, #tpu.memory_space<vmem>>[vector<16xi32>, vector<16xi32>], vector<16xf32>,
        %get3A_161 = arith.constant 128 : index
        %get3A_162 = tpu.vector_load %arg8[%get3A_161] {strides = array<i32>} : memref<400xi32, #tpu.memory_space<vmem>>, vector<16xi32>,
        %shift_right_logical3A_163 = arith.constant 7 : i32
        %shift_right_logical3A_164 = vector.broadcast %shift_right_logical3A_163 : i32 to vector<16xi32>
        %shift_right_logical3A_165 = arith.shrui %get3A_162, %shift_right_logical3A_164 : vector<16xi32>
        %and3A_166 = arith.constant 127 : i32
        %and3A_167 = vector.broadcast %and3A_166 : i32 to vector<16xi32>
        %and3A_168 = arith.andi %get3A_162, %and3A_167 : vector<16xi32>
        tpu.vector_store_idx %arg9[%shift_right_logical3A_165, %and3A_168], %broadcast_in_dim3A_10 {add = true} : memref<80x128xf32, #tpu.memory_space<vmem>>[vector<16xi32>, vector<16xi32>], vector<16xf32>,
        %get3A_169 = arith.constant 144 : index
        %get3A_170 = tpu.vector_load %arg8[%get3A_169] {strides = array<i32>} : memref<400xi32, #tpu.memory_space<vmem>>, vector<16xi32>,
        %shift_right_logical3A_171 = arith.constant 7 : i32
        %shift_right_logical3A_172 = vector.broadcast %shift_right_logical3A_171 : i32 to vector<16xi32>
        %shift_right_logical3A_173 = arith.shrui %get3A_170, %shift_right_logical3A_172 : vector<16xi32>
        %and3A_174 = arith.constant 127 : i32
        %and3A_175 = vector.broadcast %and3A_174 : i32 to vector<16xi32>
        %and3A_176 = arith.andi %get3A_170, %and3A_175 : vector<16xi32>
        tpu.vector_store_idx %arg9[%shift_right_logical3A_173, %and3A_176], %broadcast_in_dim3A_10 {add = true} : memref<80x128xf32, #tpu.memory_space<vmem>>[vector<16xi32>, vector<16xi32>], vector<16xf32>,
        %get3A_177 = arith.constant 160 : index
        %get3A_178 = tpu.vector_load %arg8[%get3A_177] {strides = array<i32>} : memref<400xi32, #tpu.memory_space<vmem>>, vector<16xi32>,
        %shift_right_logical3A_179 = arith.constant 7 : i32
        %shift_right_logical3A_180 = vector.broadcast %shift_right_logical3A_179 : i32 to vector<16xi32>
        %shift_right_logical3A_181 = arith.shrui %get3A_178, %shift_right_logical3A_180 : vector<16xi32>
        %and3A_182 = arith.constant 127 : i32
        %and3A_183 = vector.broadcast %and3A_182 : i32 to vector<16xi32>
        %and3A_184 = arith.andi %get3A_178, %and3A_183 : vector<16xi32>
        tpu.vector_store_idx %arg9[%shift_right_logical3A_181, %and3A_184], %broadcast_in_dim3A_10 {add = true} : memref<80x128xf32, #tpu.memory_space<vmem>>[vector<16xi32>, vector<16xi32>], vector<16xf32>,
        %get3A_185 = arith.constant 176 : index
        %get3A_186 = tpu.vector_load %arg8[%get3A_185] {strides = array<i32>} : memref<400xi32, #tpu.memory_space<vmem>>, vector<16xi32>,
        %shift_right_logical3A_187 = arith.constant 7 : i32
        %shift_right_logical3A_188 = vector.broadcast %shift_right_logical3A_187 : i32 to vector<16xi32>
        %shift_right_logical3A_189 = arith.shrui %get3A_186, %shift_right_logical3A_188 : vector<16xi32>
        %and3A_190 = arith.constant 127 : i32
        %and3A_191 = vector.broadcast %and3A_190 : i32 to vector<16xi32>
        %and3A_192 = arith.andi %get3A_186, %and3A_191 : vector<16xi32>
        tpu.vector_store_idx %arg9[%shift_right_logical3A_189, %and3A_192], %broadcast_in_dim3A_10 {add = true} : memref<80x128xf32, #tpu.memory_space<vmem>>[vector<16xi32>, vector<16xi32>], vector<16xf32>,
        %get3A_193 = arith.constant 192 : index
        %get3A_194 = tpu.vector_load %arg8[%get3A_193] {strides = array<i32>} : memref<400xi32, #tpu.memory_space<vmem>>, vector<16xi32>,
        %shift_right_logical3A_195 = arith.constant 7 : i32
        %shift_right_logical3A_196 = vector.broadcast %shift_right_logical3A_195 : i32 to vector<16xi32>
        %shift_right_logical3A_197 = arith.shrui %get3A_194, %shift_right_logical3A_196 : vector<16xi32>
        %and3A_198 = arith.constant 127 : i32
        %and3A_199 = vector.broadcast %and3A_198 : i32 to vector<16xi32>
        %and3A_200 = arith.andi %get3A_194, %and3A_199 : vector<16xi32>
        tpu.vector_store_idx %arg9[%shift_right_logical3A_197, %and3A_200], %broadcast_in_dim3A_10 {add = true} : memref<80x128xf32, #tpu.memory_space<vmem>>[vector<16xi32>, vector<16xi32>], vector<16xf32>,
        %get3A_201 = arith.constant 208 : index
        %get3A_202 = tpu.vector_load %arg8[%get3A_201] {strides = array<i32>} : memref<400xi32, #tpu.memory_space<vmem>>, vector<16xi32>,
        %shift_right_logical3A_203 = arith.constant 7 : i32
        %shift_right_logical3A_204 = vector.broadcast %shift_right_logical3A_203 : i32 to vector<16xi32>
        %shift_right_logical3A_205 = arith.shrui %get3A_202, %shift_right_logical3A_204 : vector<16xi32>
        %and3A_206 = arith.constant 127 : i32
        %and3A_207 = vector.broadcast %and3A_206 : i32 to vector<16xi32>
        %and3A_208 = arith.andi %get3A_202, %and3A_207 : vector<16xi32>
        tpu.vector_store_idx %arg9[%shift_right_logical3A_205, %and3A_208], %broadcast_in_dim3A_10 {add = true} : memref<80x128xf32, #tpu.memory_space<vmem>>[vector<16xi32>, vector<16xi32>], vector<16xf32>,
        %get3A_209 = arith.constant 224 : index
        %get3A_210 = tpu.vector_load %arg8[%get3A_209] {strides = array<i32>} : memref<400xi32, #tpu.memory_space<vmem>>, vector<16xi32>,
        %shift_right_logical3A_211 = arith.constant 7 : i32
        %shift_right_logical3A_212 = vector.broadcast %shift_right_logical3A_211 : i32 to vector<16xi32>
        %shift_right_logical3A_213 = arith.shrui %get3A_210, %shift_right_logical3A_212 : vector<16xi32>
        %and3A_214 = arith.constant 127 : i32
        %and3A_215 = vector.broadcast %and3A_214 : i32 to vector<16xi32>
        %and3A_216 = arith.andi %get3A_210, %and3A_215 : vector<16xi32>
        tpu.vector_store_idx %arg9[%shift_right_logical3A_213, %and3A_216], %broadcast_in_dim3A_10 {add = true} : memref<80x128xf32, #tpu.memory_space<vmem>>[vector<16xi32>, vector<16xi32>], vector<16xf32>,
        %get3A_217 = arith.constant 240 : index
        %get3A_218 = tpu.vector_load %arg8[%get3A_217] {strides = array<i32>} : memref<400xi32, #tpu.memory_space<vmem>>, vector<16xi32>,
        %shift_right_logical3A_219 = arith.constant 7 : i32
        %shift_right_logical3A_220 = vector.broadcast %shift_right_logical3A_219 : i32 to vector<16xi32>
        %shift_right_logical3A_221 = arith.shrui %get3A_218, %shift_right_logical3A_220 : vector<16xi32>
        %and3A_222 = arith.constant 127 : i32
        %and3A_223 = vector.broadcast %and3A_222 : i32 to vector<16xi32>
        %and3A_224 = arith.andi %get3A_218, %and3A_223 : vector<16xi32>
        tpu.vector_store_idx %arg9[%shift_right_logical3A_221, %and3A_224], %broadcast_in_dim3A_10 {add = true} : memref<80x128xf32, #tpu.memory_space<vmem>>[vector<16xi32>, vector<16xi32>], vector<16xf32>,
        %get3A_225 = arith.constant 256 : index
        %get3A_226 = tpu.vector_load %arg8[%get3A_225] {strides = array<i32>} : memref<400xi32, #tpu.memory_space<vmem>>, vector<16xi32>,
        %shift_right_logical3A_227 = arith.constant 7 : i32
        %shift_right_logical3A_228 = vector.broadcast %shift_right_logical3A_227 : i32 to vector<16xi32>
        %shift_right_logical3A_229 = arith.shrui %get3A_226, %shift_right_logical3A_228 : vector<16xi32>
        %and3A_230 = arith.constant 127 : i32
        %and3A_231 = vector.broadcast %and3A_230 : i32 to vector<16xi32>
        %and3A_232 = arith.andi %get3A_226, %and3A_231 : vector<16xi32>
        tpu.vector_store_idx %arg9[%shift_right_logical3A_229, %and3A_232], %broadcast_in_dim3A_10 {add = true} : memref<80x128xf32, #tpu.memory_space<vmem>>[vector<16xi32>, vector<16xi32>], vector<16xf32>,
        %get3A_233 = arith.constant 272 : index
        %get3A_234 = tpu.vector_load %arg8[%get3A_233] {strides = array<i32>} : memref<400xi32, #tpu.memory_space<vmem>>, vector<16xi32>,
        %shift_right_logical3A_235 = arith.constant 7 : i32
        %shift_right_logical3A_236 = vector.broadcast %shift_right_logical3A_235 : i32 to vector<16xi32>
        %shift_right_logical3A_237 = arith.shrui %get3A_234, %shift_right_logical3A_236 : vector<16xi32>
        %and3A_238 = arith.constant 127 : i32
        %and3A_239 = vector.broadcast %and3A_238 : i32 to vector<16xi32>
        %and3A_240 = arith.andi %get3A_234, %and3A_239 : vector<16xi32>
        tpu.vector_store_idx %arg9[%shift_right_logical3A_237, %and3A_240], %broadcast_in_dim3A_10 {add = true} : memref<80x128xf32, #tpu.memory_space<vmem>>[vector<16xi32>, vector<16xi32>], vector<16xf32>,
        %get3A_241 = arith.constant 288 : index
        %get3A_242 = tpu.vector_load %arg8[%get3A_241] {strides = array<i32>} : memref<400xi32, #tpu.memory_space<vmem>>, vector<16xi32>,
        %shift_right_logical3A_243 = arith.constant 7 : i32
        %shift_right_logical3A_244 = vector.broadcast %shift_right_logical3A_243 : i32 to vector<16xi32>
        %shift_right_logical3A_245 = arith.shrui %get3A_242, %shift_right_logical3A_244 : vector<16xi32>
        %and3A_246 = arith.constant 127 : i32
        %and3A_247 = vector.broadcast %and3A_246 : i32 to vector<16xi32>
        %and3A_248 = arith.andi %get3A_242, %and3A_247 : vector<16xi32>
        tpu.vector_store_idx %arg9[%shift_right_logical3A_245, %and3A_248], %broadcast_in_dim3A_10 {add = true} : memref<80x128xf32, #tpu.memory_space<vmem>>[vector<16xi32>, vector<16xi32>], vector<16xf32>,
        %get3A_249 = arith.constant 304 : index
        %get3A_250 = tpu.vector_load %arg8[%get3A_249] {strides = array<i32>} : memref<400xi32, #tpu.memory_space<vmem>>, vector<16xi32>,
        %shift_right_logical3A_251 = arith.constant 7 : i32
        %shift_right_logical3A_252 = vector.broadcast %shift_right_logical3A_251 : i32 to vector<16xi32>
        %shift_right_logical3A_253 = arith.shrui %get3A_250, %shift_right_logical3A_252 : vector<16xi32>
        %and3A_254 = arith.constant 127 : i32
        %and3A_255 = vector.broadcast %and3A_254 : i32 to vector<16xi32>
        %and3A_256 = arith.andi %get3A_250, %and3A_255 : vector<16xi32>
        tpu.vector_store_idx %arg9[%shift_right_logical3A_253, %and3A_256], %broadcast_in_dim3A_10 {add = true} : memref<80x128xf32, #tpu.memory_space<vmem>>[vector<16xi32>, vector<16xi32>], vector<16xf32>,
        %get3A_257 = arith.constant 320 : index
        %get3A_258 = tpu.vector_load %arg8[%get3A_257] {strides = array<i32>} : memref<400xi32, #tpu.memory_space<vmem>>, vector<16xi32>,
        %shift_right_logical3A_259 = arith.constant 7 : i32
        %shift_right_logical3A_260 = vector.broadcast %shift_right_logical3A_259 : i32 to vector<16xi32>
        %shift_right_logical3A_261 = arith.shrui %get3A_258, %shift_right_logical3A_260 : vector<16xi32>
        %and3A_262 = arith.constant 127 : i32
        %and3A_263 = vector.broadcast %and3A_262 : i32 to vector<16xi32>
        %and3A_264 = arith.andi %get3A_258, %and3A_263 : vector<16xi32>
        tpu.vector_store_idx %arg9[%shift_right_logical3A_261, %and3A_264], %broadcast_in_dim3A_10 {add = true} : memref<80x128xf32, #tpu.memory_space<vmem>>[vector<16xi32>, vector<16xi32>], vector<16xf32>,
        %get3A_265 = arith.constant 336 : index
        %get3A_266 = tpu.vector_load %arg8[%get3A_265] {strides = array<i32>} : memref<400xi32, #tpu.memory_space<vmem>>, vector<16xi32>,
        %shift_right_logical3A_267 = arith.constant 7 : i32
        %shift_right_logical3A_268 = vector.broadcast %shift_right_logical3A_267 : i32 to vector<16xi32>
        %shift_right_logical3A_269 = arith.shrui %get3A_266, %shift_right_logical3A_268 : vector<16xi32>
        %and3A_270 = arith.constant 127 : i32
        %and3A_271 = vector.broadcast %and3A_270 : i32 to vector<16xi32>
        %and3A_272 = arith.andi %get3A_266, %and3A_271 : vector<16xi32>
        tpu.vector_store_idx %arg9[%shift_right_logical3A_269, %and3A_272], %broadcast_in_dim3A_10 {add = true} : memref<80x128xf32, #tpu.memory_space<vmem>>[vector<16xi32>, vector<16xi32>], vector<16xf32>,
        %get3A_273 = arith.constant 352 : index
        %get3A_274 = tpu.vector_load %arg8[%get3A_273] {strides = array<i32>} : memref<400xi32, #tpu.memory_space<vmem>>, vector<16xi32>,
        %shift_right_logical3A_275 = arith.constant 7 : i32
        %shift_right_logical3A_276 = vector.broadcast %shift_right_logical3A_275 : i32 to vector<16xi32>
        %shift_right_logical3A_277 = arith.shrui %get3A_274, %shift_right_logical3A_276 : vector<16xi32>
        %and3A_278 = arith.constant 127 : i32
        %and3A_279 = vector.broadcast %and3A_278 : i32 to vector<16xi32>
        %and3A_280 = arith.andi %get3A_274, %and3A_279 : vector<16xi32>
        tpu.vector_store_idx %arg9[%shift_right_logical3A_277, %and3A_280], %broadcast_in_dim3A_10 {add = true} : memref<80x128xf32, #tpu.memory_space<vmem>>[vector<16xi32>, vector<16xi32>], vector<16xf32>,
        %get3A_281 = arith.constant 368 : index
        %get3A_282 = tpu.vector_load %arg8[%get3A_281] {strides = array<i32>} : memref<400xi32, #tpu.memory_space<vmem>>, vector<16xi32>,
        %shift_right_logical3A_283 = arith.constant 7 : i32
        %shift_right_logical3A_284 = vector.broadcast %shift_right_logical3A_283 : i32 to vector<16xi32>
        %shift_right_logical3A_285 = arith.shrui %get3A_282, %shift_right_logical3A_284 : vector<16xi32>
        %and3A_286 = arith.constant 127 : i32
        %and3A_287 = vector.broadcast %and3A_286 : i32 to vector<16xi32>
        %and3A_288 = arith.andi %get3A_282, %and3A_287 : vector<16xi32>
        tpu.vector_store_idx %arg9[%shift_right_logical3A_285, %and3A_288], %broadcast_in_dim3A_10 {add = true} : memref<80x128xf32, #tpu.memory_space<vmem>>[vector<16xi32>, vector<16xi32>], vector<16xf32>,
        %get3A_289 = arith.constant 384 : index
        %get3A_290 = tpu.vector_load %arg8[%get3A_289] {strides = array<i32>} : memref<400xi32, #tpu.memory_space<vmem>>, vector<16xi32>,
        %shift_right_logical3A_291 = arith.constant 7 : i32
        %shift_right_logical3A_292 = vector.broadcast %shift_right_logical3A_291 : i32 to vector<16xi32>
        %shift_right_logical3A_293 = arith.shrui %get3A_290, %shift_right_logical3A_292 : vector<16xi32>
        %and3A_294 = arith.constant 127 : i32
        %and3A_295 = vector.broadcast %and3A_294 : i32 to vector<16xi32>
        %and3A_296 = arith.andi %get3A_290, %and3A_295 : vector<16xi32>
        tpu.vector_store_idx %arg9[%shift_right_logical3A_293, %and3A_296], %broadcast_in_dim3A_10 {add = true} : memref<80x128xf32, #tpu.memory_space<vmem>>[vector<16xi32>, vector<16xi32>], vector<16xf32>,
      } else {
      }
      %mul3A_41 = arith.constant 4 : i32
      %mul3A_42 = arith.muli %scan3A_26, %mul3A_41 : i32
      %add3A_43 = arith.constant 1 : i32
      %add3A_44 = arith.addi %mul3A_42, %add3A_43 : i32
      %lt3A_45 = arith.constant 25 : i32
      %lt3A_46 = arith.cmpi slt, %add3A_44, %lt3A_45 : i32
      %convert_element_type3A_47 = arith.extui %lt3A_46 : i1 to i32
      %cond3A_48 = arith.constant 0 : i32
      %cond3A_49 = arith.cmpi ne, %convert_element_type3A_47, %cond3A_48 : i32
      scf.if %cond3A_49 {
        %mul3A_92 = arith.constant 400 : i32
        %mul3A_93 = arith.muli %add3A_44, %mul3A_92 : i32
        %add3A_94 = arith.addi %mul3A_2, %mul3A_93 : i32
        %dma_start3A_95 = arith.constant 1 : i32
        %dma_start3A_96 = tpu.memref_slice %arg2[%dma_start3A_95, %add3A_94] : memref<2x320000xi32, #tpu.memory_space<hbm>> -> memref<1x400xi32, #tpu.memory_space<hbm>>
        %dma_start3A_97 = tpu.memref_squeeze %dma_start3A_96 : memref<1x400xi32, #tpu.memory_space<hbm>> -> memref<400xi32, #tpu.memory_space<hbm>>
        %dma_start3A_98 = tpu.memref_slice %arg2[%dma_start3A_95, %add3A_94] : memref<2x320000xi32, #tpu.memory_space<hbm>> -> memref<1x400xi32, #tpu.memory_space<hbm>>
        %dma_start3A_99 = tpu.memref_squeeze %dma_start3A_98 : memref<1x400xi32, #tpu.memory_space<hbm>> -> memref<400xi32, #tpu.memory_space<hbm>>
        tpu.enqueue_dma source(%dma_start3A_99 : memref<400xi32, #tpu.memory_space<hbm>>) target(%arg6 : memref<400xi32, #tpu.memory_space<vmem>>) target_semaphore(%arg13 : memref<!tpu.dma_semaphore, #tpu.memory_space<semaphore_mem>>)
      } else {
      }
      %ge3A_50 = arith.constant 1 : i32
      %ge3A_51 = arith.cmpi sge, %add3A_44, %ge3A_50 : i32
      %le3A_52 = arith.constant 25 : i32
      %le3A_53 = arith.cmpi sle, %add3A_44, %le3A_52 : i32
      %and3A_54 = arith.andi %ge3A_51, %le3A_53 : i1
      %convert_element_type3A_55 = arith.extui %and3A_54 : i1 to i32
      %cond3A_56 = arith.constant 0 : i32
      %cond3A_57 = arith.cmpi ne, %convert_element_type3A_55, %cond3A_56 : i32
      scf.if %cond3A_57 {
        %dma_wait3A_92 = arith.constant 1 : i32
        %dma_wait3A_93 = arith.constant 0 : i32
        %dma_wait3A_94 = tpu.memref_slice %arg2[%dma_wait3A_92, %dma_wait3A_93] : memref<2x320000xi32, #tpu.memory_space<hbm>> -> memref<1x400xi32, #tpu.memory_space<hbm>>
        %dma_wait3A_95 = tpu.memref_squeeze %dma_wait3A_94 : memref<1x400xi32, #tpu.memory_space<hbm>> -> memref<400xi32, #tpu.memory_space<hbm>>
        %dma_wait3A_96 = arith.constant 0 : i32
        %dma_wait3A_97 = tpu.memref_slice %arg2[%dma_wait3A_92, %dma_wait3A_96] : memref<2x320000xi32, #tpu.memory_space<hbm>> -> memref<1x400xi32, #tpu.memory_space<hbm>>
        %dma_wait3A_98 = tpu.memref_squeeze %dma_wait3A_97 : memref<1x400xi32, #tpu.memory_space<hbm>> -> memref<400xi32, #tpu.memory_space<hbm>>
        tpu.wait_dma2 semaphore(%arg12 : memref<!tpu.dma_semaphore, #tpu.memory_space<semaphore_mem>>) src(%dma_wait3A_98 : memref<400xi32, #tpu.memory_space<hbm>>) dst(%arg5 : memref<400xi32, #tpu.memory_space<vmem>>)
        %get3A = arith.constant 0 : index
        %get3A_99 = tpu.vector_load %arg5[%get3A] {strides = array<i32>} : memref<400xi32, #tpu.memory_space<vmem>>, vector<16xi32>,
        %shift_right_logical3A = arith.constant 7 : i32
        %shift_right_logical3A_100 = vector.broadcast %shift_right_logical3A : i32 to vector<16xi32>
        %shift_right_logical3A_101 = arith.shrui %get3A_99, %shift_right_logical3A_100 : vector<16xi32>
        %and3A_102 = arith.constant 127 : i32
        %and3A_103 = vector.broadcast %and3A_102 : i32 to vector<16xi32>
        %and3A_104 = arith.andi %get3A_99, %and3A_103 : vector<16xi32>
        tpu.vector_store_idx %arg9[%shift_right_logical3A_101, %and3A_104], %broadcast_in_dim3A_10 {add = true} : memref<80x128xf32, #tpu.memory_space<vmem>>[vector<16xi32>, vector<16xi32>], vector<16xf32>,
        %get3A_105 = arith.constant 16 : index
        %get3A_106 = tpu.vector_load %arg5[%get3A_105] {strides = array<i32>} : memref<400xi32, #tpu.memory_space<vmem>>, vector<16xi32>,
        %shift_right_logical3A_107 = arith.constant 7 : i32
        %shift_right_logical3A_108 = vector.broadcast %shift_right_logical3A_107 : i32 to vector<16xi32>
        %shift_right_logical3A_109 = arith.shrui %get3A_106, %shift_right_logical3A_108 : vector<16xi32>
        %and3A_110 = arith.constant 127 : i32
        %and3A_111 = vector.broadcast %and3A_110 : i32 to vector<16xi32>
        %and3A_112 = arith.andi %get3A_106, %and3A_111 : vector<16xi32>
        tpu.vector_store_idx %arg9[%shift_right_logical3A_109, %and3A_112], %broadcast_in_dim3A_10 {add = true} : memref<80x128xf32, #tpu.memory_space<vmem>>[vector<16xi32>, vector<16xi32>], vector<16xf32>,
        %get3A_113 = arith.constant 32 : index
        %get3A_114 = tpu.vector_load %arg5[%get3A_113] {strides = array<i32>} : memref<400xi32, #tpu.memory_space<vmem>>, vector<16xi32>,
        %shift_right_logical3A_115 = arith.constant 7 : i32
        %shift_right_logical3A_116 = vector.broadcast %shift_right_logical3A_115 : i32 to vector<16xi32>
        %shift_right_logical3A_117 = arith.shrui %get3A_114, %shift_right_logical3A_116 : vector<16xi32>
        %and3A_118 = arith.constant 127 : i32
        %and3A_119 = vector.broadcast %and3A_118 : i32 to vector<16xi32>
        %and3A_120 = arith.andi %get3A_114, %and3A_119 : vector<16xi32>
        tpu.vector_store_idx %arg9[%shift_right_logical3A_117, %and3A_120], %broadcast_in_dim3A_10 {add = true} : memref<80x128xf32, #tpu.memory_space<vmem>>[vector<16xi32>, vector<16xi32>], vector<16xf32>,
        %get3A_121 = arith.constant 48 : index
        %get3A_122 = tpu.vector_load %arg5[%get3A_121] {strides = array<i32>} : memref<400xi32, #tpu.memory_space<vmem>>, vector<16xi32>,
        %shift_right_logical3A_123 = arith.constant 7 : i32
        %shift_right_logical3A_124 = vector.broadcast %shift_right_logical3A_123 : i32 to vector<16xi32>
        %shift_right_logical3A_125 = arith.shrui %get3A_122, %shift_right_logical3A_124 : vector<16xi32>
        %and3A_126 = arith.constant 127 : i32
        %and3A_127 = vector.broadcast %and3A_126 : i32 to vector<16xi32>
        %and3A_128 = arith.andi %get3A_122, %and3A_127 : vector<16xi32>
        tpu.vector_store_idx %arg9[%shift_right_logical3A_125, %and3A_128], %broadcast_in_dim3A_10 {add = true} : memref<80x128xf32, #tpu.memory_space<vmem>>[vector<16xi32>, vector<16xi32>], vector<16xf32>,
        %get3A_129 = arith.constant 64 : index
        %get3A_130 = tpu.vector_load %arg5[%get3A_129] {strides = array<i32>} : memref<400xi32, #tpu.memory_space<vmem>>, vector<16xi32>,
        %shift_right_logical3A_131 = arith.constant 7 : i32
        %shift_right_logical3A_132 = vector.broadcast %shift_right_logical3A_131 : i32 to vector<16xi32>
        %shift_right_logical3A_133 = arith.shrui %get3A_130, %shift_right_logical3A_132 : vector<16xi32>
        %and3A_134 = arith.constant 127 : i32
        %and3A_135 = vector.broadcast %and3A_134 : i32 to vector<16xi32>
        %and3A_136 = arith.andi %get3A_130, %and3A_135 : vector<16xi32>
        tpu.vector_store_idx %arg9[%shift_right_logical3A_133, %and3A_136], %broadcast_in_dim3A_10 {add = true} : memref<80x128xf32, #tpu.memory_space<vmem>>[vector<16xi32>, vector<16xi32>], vector<16xf32>,
        %get3A_137 = arith.constant 80 : index
        %get3A_138 = tpu.vector_load %arg5[%get3A_137] {strides = array<i32>} : memref<400xi32, #tpu.memory_space<vmem>>, vector<16xi32>,
        %shift_right_logical3A_139 = arith.constant 7 : i32
        %shift_right_logical3A_140 = vector.broadcast %shift_right_logical3A_139 : i32 to vector<16xi32>
        %shift_right_logical3A_141 = arith.shrui %get3A_138, %shift_right_logical3A_140 : vector<16xi32>
        %and3A_142 = arith.constant 127 : i32
        %and3A_143 = vector.broadcast %and3A_142 : i32 to vector<16xi32>
        %and3A_144 = arith.andi %get3A_138, %and3A_143 : vector<16xi32>
        tpu.vector_store_idx %arg9[%shift_right_logical3A_141, %and3A_144], %broadcast_in_dim3A_10 {add = true} : memref<80x128xf32, #tpu.memory_space<vmem>>[vector<16xi32>, vector<16xi32>], vector<16xf32>,
        %get3A_145 = arith.constant 96 : index
        %get3A_146 = tpu.vector_load %arg5[%get3A_145] {strides = array<i32>} : memref<400xi32, #tpu.memory_space<vmem>>, vector<16xi32>,
        %shift_right_logical3A_147 = arith.constant 7 : i32
        %shift_right_logical3A_148 = vector.broadcast %shift_right_logical3A_147 : i32 to vector<16xi32>
        %shift_right_logical3A_149 = arith.shrui %get3A_146, %shift_right_logical3A_148 : vector<16xi32>
        %and3A_150 = arith.constant 127 : i32
        %and3A_151 = vector.broadcast %and3A_150 : i32 to vector<16xi32>
        %and3A_152 = arith.andi %get3A_146, %and3A_151 : vector<16xi32>
        tpu.vector_store_idx %arg9[%shift_right_logical3A_149, %and3A_152], %broadcast_in_dim3A_10 {add = true} : memref<80x128xf32, #tpu.memory_space<vmem>>[vector<16xi32>, vector<16xi32>], vector<16xf32>,
        %get3A_153 = arith.constant 112 : index
        %get3A_154 = tpu.vector_load %arg5[%get3A_153] {strides = array<i32>} : memref<400xi32, #tpu.memory_space<vmem>>, vector<16xi32>,
        %shift_right_logical3A_155 = arith.constant 7 : i32
        %shift_right_logical3A_156 = vector.broadcast %shift_right_logical3A_155 : i32 to vector<16xi32>
        %shift_right_logical3A_157 = arith.shrui %get3A_154, %shift_right_logical3A_156 : vector<16xi32>
        %and3A_158 = arith.constant 127 : i32
        %and3A_159 = vector.broadcast %and3A_158 : i32 to vector<16xi32>
        %and3A_160 = arith.andi %get3A_154, %and3A_159 : vector<16xi32>
        tpu.vector_store_idx %arg9[%shift_right_logical3A_157, %and3A_160], %broadcast_in_dim3A_10 {add = true} : memref<80x128xf32, #tpu.memory_space<vmem>>[vector<16xi32>, vector<16xi32>], vector<16xf32>,
        %get3A_161 = arith.constant 128 : index
        %get3A_162 = tpu.vector_load %arg5[%get3A_161] {strides = array<i32>} : memref<400xi32, #tpu.memory_space<vmem>>, vector<16xi32>,
        %shift_right_logical3A_163 = arith.constant 7 : i32
        %shift_right_logical3A_164 = vector.broadcast %shift_right_logical3A_163 : i32 to vector<16xi32>
        %shift_right_logical3A_165 = arith.shrui %get3A_162, %shift_right_logical3A_164 : vector<16xi32>
        %and3A_166 = arith.constant 127 : i32
        %and3A_167 = vector.broadcast %and3A_166 : i32 to vector<16xi32>
        %and3A_168 = arith.andi %get3A_162, %and3A_167 : vector<16xi32>
        tpu.vector_store_idx %arg9[%shift_right_logical3A_165, %and3A_168], %broadcast_in_dim3A_10 {add = true} : memref<80x128xf32, #tpu.memory_space<vmem>>[vector<16xi32>, vector<16xi32>], vector<16xf32>,
        %get3A_169 = arith.constant 144 : index
        %get3A_170 = tpu.vector_load %arg5[%get3A_169] {strides = array<i32>} : memref<400xi32, #tpu.memory_space<vmem>>, vector<16xi32>,
        %shift_right_logical3A_171 = arith.constant 7 : i32
        %shift_right_logical3A_172 = vector.broadcast %shift_right_logical3A_171 : i32 to vector<16xi32>
        %shift_right_logical3A_173 = arith.shrui %get3A_170, %shift_right_logical3A_172 : vector<16xi32>
        %and3A_174 = arith.constant 127 : i32
        %and3A_175 = vector.broadcast %and3A_174 : i32 to vector<16xi32>
        %and3A_176 = arith.andi %get3A_170, %and3A_175 : vector<16xi32>
        tpu.vector_store_idx %arg9[%shift_right_logical3A_173, %and3A_176], %broadcast_in_dim3A_10 {add = true} : memref<80x128xf32, #tpu.memory_space<vmem>>[vector<16xi32>, vector<16xi32>], vector<16xf32>,
        %get3A_177 = arith.constant 160 : index
        %get3A_178 = tpu.vector_load %arg5[%get3A_177] {strides = array<i32>} : memref<400xi32, #tpu.memory_space<vmem>>, vector<16xi32>,
        %shift_right_logical3A_179 = arith.constant 7 : i32
        %shift_right_logical3A_180 = vector.broadcast %shift_right_logical3A_179 : i32 to vector<16xi32>
        %shift_right_logical3A_181 = arith.shrui %get3A_178, %shift_right_logical3A_180 : vector<16xi32>
        %and3A_182 = arith.constant 127 : i32
        %and3A_183 = vector.broadcast %and3A_182 : i32 to vector<16xi32>
        %and3A_184 = arith.andi %get3A_178, %and3A_183 : vector<16xi32>
        tpu.vector_store_idx %arg9[%shift_right_logical3A_181, %and3A_184], %broadcast_in_dim3A_10 {add = true} : memref<80x128xf32, #tpu.memory_space<vmem>>[vector<16xi32>, vector<16xi32>], vector<16xf32>,
        %get3A_185 = arith.constant 176 : index
        %get3A_186 = tpu.vector_load %arg5[%get3A_185] {strides = array<i32>} : memref<400xi32, #tpu.memory_space<vmem>>, vector<16xi32>,
        %shift_right_logical3A_187 = arith.constant 7 : i32
        %shift_right_logical3A_188 = vector.broadcast %shift_right_logical3A_187 : i32 to vector<16xi32>
        %shift_right_logical3A_189 = arith.shrui %get3A_186, %shift_right_logical3A_188 : vector<16xi32>
        %and3A_190 = arith.constant 127 : i32
        %and3A_191 = vector.broadcast %and3A_190 : i32 to vector<16xi32>
        %and3A_192 = arith.andi %get3A_186, %and3A_191 : vector<16xi32>
        tpu.vector_store_idx %arg9[%shift_right_logical3A_189, %and3A_192], %broadcast_in_dim3A_10 {add = true} : memref<80x128xf32, #tpu.memory_space<vmem>>[vector<16xi32>, vector<16xi32>], vector<16xf32>,
        %get3A_193 = arith.constant 192 : index
        %get3A_194 = tpu.vector_load %arg5[%get3A_193] {strides = array<i32>} : memref<400xi32, #tpu.memory_space<vmem>>, vector<16xi32>,
        %shift_right_logical3A_195 = arith.constant 7 : i32
        %shift_right_logical3A_196 = vector.broadcast %shift_right_logical3A_195 : i32 to vector<16xi32>
        %shift_right_logical3A_197 = arith.shrui %get3A_194, %shift_right_logical3A_196 : vector<16xi32>
        %and3A_198 = arith.constant 127 : i32
        %and3A_199 = vector.broadcast %and3A_198 : i32 to vector<16xi32>
        %and3A_200 = arith.andi %get3A_194, %and3A_199 : vector<16xi32>
        tpu.vector_store_idx %arg9[%shift_right_logical3A_197, %and3A_200], %broadcast_in_dim3A_10 {add = true} : memref<80x128xf32, #tpu.memory_space<vmem>>[vector<16xi32>, vector<16xi32>], vector<16xf32>,
        %get3A_201 = arith.constant 208 : index
        %get3A_202 = tpu.vector_load %arg5[%get3A_201] {strides = array<i32>} : memref<400xi32, #tpu.memory_space<vmem>>, vector<16xi32>,
        %shift_right_logical3A_203 = arith.constant 7 : i32
        %shift_right_logical3A_204 = vector.broadcast %shift_right_logical3A_203 : i32 to vector<16xi32>
        %shift_right_logical3A_205 = arith.shrui %get3A_202, %shift_right_logical3A_204 : vector<16xi32>
        %and3A_206 = arith.constant 127 : i32
        %and3A_207 = vector.broadcast %and3A_206 : i32 to vector<16xi32>
        %and3A_208 = arith.andi %get3A_202, %and3A_207 : vector<16xi32>
        tpu.vector_store_idx %arg9[%shift_right_logical3A_205, %and3A_208], %broadcast_in_dim3A_10 {add = true} : memref<80x128xf32, #tpu.memory_space<vmem>>[vector<16xi32>, vector<16xi32>], vector<16xf32>,
        %get3A_209 = arith.constant 224 : index
        %get3A_210 = tpu.vector_load %arg5[%get3A_209] {strides = array<i32>} : memref<400xi32, #tpu.memory_space<vmem>>, vector<16xi32>,
        %shift_right_logical3A_211 = arith.constant 7 : i32
        %shift_right_logical3A_212 = vector.broadcast %shift_right_logical3A_211 : i32 to vector<16xi32>
        %shift_right_logical3A_213 = arith.shrui %get3A_210, %shift_right_logical3A_212 : vector<16xi32>
        %and3A_214 = arith.constant 127 : i32
        %and3A_215 = vector.broadcast %and3A_214 : i32 to vector<16xi32>
        %and3A_216 = arith.andi %get3A_210, %and3A_215 : vector<16xi32>
        tpu.vector_store_idx %arg9[%shift_right_logical3A_213, %and3A_216], %broadcast_in_dim3A_10 {add = true} : memref<80x128xf32, #tpu.memory_space<vmem>>[vector<16xi32>, vector<16xi32>], vector<16xf32>,
        %get3A_217 = arith.constant 240 : index
        %get3A_218 = tpu.vector_load %arg5[%get3A_217] {strides = array<i32>} : memref<400xi32, #tpu.memory_space<vmem>>, vector<16xi32>,
        %shift_right_logical3A_219 = arith.constant 7 : i32
        %shift_right_logical3A_220 = vector.broadcast %shift_right_logical3A_219 : i32 to vector<16xi32>
        %shift_right_logical3A_221 = arith.shrui %get3A_218, %shift_right_logical3A_220 : vector<16xi32>
        %and3A_222 = arith.constant 127 : i32
        %and3A_223 = vector.broadcast %and3A_222 : i32 to vector<16xi32>
        %and3A_224 = arith.andi %get3A_218, %and3A_223 : vector<16xi32>
        tpu.vector_store_idx %arg9[%shift_right_logical3A_221, %and3A_224], %broadcast_in_dim3A_10 {add = true} : memref<80x128xf32, #tpu.memory_space<vmem>>[vector<16xi32>, vector<16xi32>], vector<16xf32>,
        %get3A_225 = arith.constant 256 : index
        %get3A_226 = tpu.vector_load %arg5[%get3A_225] {strides = array<i32>} : memref<400xi32, #tpu.memory_space<vmem>>, vector<16xi32>,
        %shift_right_logical3A_227 = arith.constant 7 : i32
        %shift_right_logical3A_228 = vector.broadcast %shift_right_logical3A_227 : i32 to vector<16xi32>
        %shift_right_logical3A_229 = arith.shrui %get3A_226, %shift_right_logical3A_228 : vector<16xi32>
        %and3A_230 = arith.constant 127 : i32
        %and3A_231 = vector.broadcast %and3A_230 : i32 to vector<16xi32>
        %and3A_232 = arith.andi %get3A_226, %and3A_231 : vector<16xi32>
        tpu.vector_store_idx %arg9[%shift_right_logical3A_229, %and3A_232], %broadcast_in_dim3A_10 {add = true} : memref<80x128xf32, #tpu.memory_space<vmem>>[vector<16xi32>, vector<16xi32>], vector<16xf32>,
        %get3A_233 = arith.constant 272 : index
        %get3A_234 = tpu.vector_load %arg5[%get3A_233] {strides = array<i32>} : memref<400xi32, #tpu.memory_space<vmem>>, vector<16xi32>,
        %shift_right_logical3A_235 = arith.constant 7 : i32
        %shift_right_logical3A_236 = vector.broadcast %shift_right_logical3A_235 : i32 to vector<16xi32>
        %shift_right_logical3A_237 = arith.shrui %get3A_234, %shift_right_logical3A_236 : vector<16xi32>
        %and3A_238 = arith.constant 127 : i32
        %and3A_239 = vector.broadcast %and3A_238 : i32 to vector<16xi32>
        %and3A_240 = arith.andi %get3A_234, %and3A_239 : vector<16xi32>
        tpu.vector_store_idx %arg9[%shift_right_logical3A_237, %and3A_240], %broadcast_in_dim3A_10 {add = true} : memref<80x128xf32, #tpu.memory_space<vmem>>[vector<16xi32>, vector<16xi32>], vector<16xf32>,
        %get3A_241 = arith.constant 288 : index
        %get3A_242 = tpu.vector_load %arg5[%get3A_241] {strides = array<i32>} : memref<400xi32, #tpu.memory_space<vmem>>, vector<16xi32>,
        %shift_right_logical3A_243 = arith.constant 7 : i32
        %shift_right_logical3A_244 = vector.broadcast %shift_right_logical3A_243 : i32 to vector<16xi32>
        %shift_right_logical3A_245 = arith.shrui %get3A_242, %shift_right_logical3A_244 : vector<16xi32>
        %and3A_246 = arith.constant 127 : i32
        %and3A_247 = vector.broadcast %and3A_246 : i32 to vector<16xi32>
        %and3A_248 = arith.andi %get3A_242, %and3A_247 : vector<16xi32>
        tpu.vector_store_idx %arg9[%shift_right_logical3A_245, %and3A_248], %broadcast_in_dim3A_10 {add = true} : memref<80x128xf32, #tpu.memory_space<vmem>>[vector<16xi32>, vector<16xi32>], vector<16xf32>,
        %get3A_249 = arith.constant 304 : index
        %get3A_250 = tpu.vector_load %arg5[%get3A_249] {strides = array<i32>} : memref<400xi32, #tpu.memory_space<vmem>>, vector<16xi32>,
        %shift_right_logical3A_251 = arith.constant 7 : i32
        %shift_right_logical3A_252 = vector.broadcast %shift_right_logical3A_251 : i32 to vector<16xi32>
        %shift_right_logical3A_253 = arith.shrui %get3A_250, %shift_right_logical3A_252 : vector<16xi32>
        %and3A_254 = arith.constant 127 : i32
        %and3A_255 = vector.broadcast %and3A_254 : i32 to vector<16xi32>
        %and3A_256 = arith.andi %get3A_250, %and3A_255 : vector<16xi32>
        tpu.vector_store_idx %arg9[%shift_right_logical3A_253, %and3A_256], %broadcast_in_dim3A_10 {add = true} : memref<80x128xf32, #tpu.memory_space<vmem>>[vector<16xi32>, vector<16xi32>], vector<16xf32>,
        %get3A_257 = arith.constant 320 : index
        %get3A_258 = tpu.vector_load %arg5[%get3A_257] {strides = array<i32>} : memref<400xi32, #tpu.memory_space<vmem>>, vector<16xi32>,
        %shift_right_logical3A_259 = arith.constant 7 : i32
        %shift_right_logical3A_260 = vector.broadcast %shift_right_logical3A_259 : i32 to vector<16xi32>
        %shift_right_logical3A_261 = arith.shrui %get3A_258, %shift_right_logical3A_260 : vector<16xi32>
        %and3A_262 = arith.constant 127 : i32
        %and3A_263 = vector.broadcast %and3A_262 : i32 to vector<16xi32>
        %and3A_264 = arith.andi %get3A_258, %and3A_263 : vector<16xi32>
        tpu.vector_store_idx %arg9[%shift_right_logical3A_261, %and3A_264], %broadcast_in_dim3A_10 {add = true} : memref<80x128xf32, #tpu.memory_space<vmem>>[vector<16xi32>, vector<16xi32>], vector<16xf32>,
        %get3A_265 = arith.constant 336 : index
        %get3A_266 = tpu.vector_load %arg5[%get3A_265] {strides = array<i32>} : memref<400xi32, #tpu.memory_space<vmem>>, vector<16xi32>,
        %shift_right_logical3A_267 = arith.constant 7 : i32
        %shift_right_logical3A_268 = vector.broadcast %shift_right_logical3A_267 : i32 to vector<16xi32>
        %shift_right_logical3A_269 = arith.shrui %get3A_266, %shift_right_logical3A_268 : vector<16xi32>
        %and3A_270 = arith.constant 127 : i32
        %and3A_271 = vector.broadcast %and3A_270 : i32 to vector<16xi32>
        %and3A_272 = arith.andi %get3A_266, %and3A_271 : vector<16xi32>
        tpu.vector_store_idx %arg9[%shift_right_logical3A_269, %and3A_272], %broadcast_in_dim3A_10 {add = true} : memref<80x128xf32, #tpu.memory_space<vmem>>[vector<16xi32>, vector<16xi32>], vector<16xf32>,
        %get3A_273 = arith.constant 352 : index
        %get3A_274 = tpu.vector_load %arg5[%get3A_273] {strides = array<i32>} : memref<400xi32, #tpu.memory_space<vmem>>, vector<16xi32>,
        %shift_right_logical3A_275 = arith.constant 7 : i32
        %shift_right_logical3A_276 = vector.broadcast %shift_right_logical3A_275 : i32 to vector<16xi32>
        %shift_right_logical3A_277 = arith.shrui %get3A_274, %shift_right_logical3A_276 : vector<16xi32>
        %and3A_278 = arith.constant 127 : i32
        %and3A_279 = vector.broadcast %and3A_278 : i32 to vector<16xi32>
        %and3A_280 = arith.andi %get3A_274, %and3A_279 : vector<16xi32>
        tpu.vector_store_idx %arg9[%shift_right_logical3A_277, %and3A_280], %broadcast_in_dim3A_10 {add = true} : memref<80x128xf32, #tpu.memory_space<vmem>>[vector<16xi32>, vector<16xi32>], vector<16xf32>,
        %get3A_281 = arith.constant 368 : index
        %get3A_282 = tpu.vector_load %arg5[%get3A_281] {strides = array<i32>} : memref<400xi32, #tpu.memory_space<vmem>>, vector<16xi32>,
        %shift_right_logical3A_283 = arith.constant 7 : i32
        %shift_right_logical3A_284 = vector.broadcast %shift_right_logical3A_283 : i32 to vector<16xi32>
        %shift_right_logical3A_285 = arith.shrui %get3A_282, %shift_right_logical3A_284 : vector<16xi32>
        %and3A_286 = arith.constant 127 : i32
        %and3A_287 = vector.broadcast %and3A_286 : i32 to vector<16xi32>
        %and3A_288 = arith.andi %get3A_282, %and3A_287 : vector<16xi32>
        tpu.vector_store_idx %arg9[%shift_right_logical3A_285, %and3A_288], %broadcast_in_dim3A_10 {add = true} : memref<80x128xf32, #tpu.memory_space<vmem>>[vector<16xi32>, vector<16xi32>], vector<16xf32>,
        %get3A_289 = arith.constant 384 : index
        %get3A_290 = tpu.vector_load %arg5[%get3A_289] {strides = array<i32>} : memref<400xi32, #tpu.memory_space<vmem>>, vector<16xi32>,
        %shift_right_logical3A_291 = arith.constant 7 : i32
        %shift_right_logical3A_292 = vector.broadcast %shift_right_logical3A_291 : i32 to vector<16xi32>
        %shift_right_logical3A_293 = arith.shrui %get3A_290, %shift_right_logical3A_292 : vector<16xi32>
        %and3A_294 = arith.constant 127 : i32
        %and3A_295 = vector.broadcast %and3A_294 : i32 to vector<16xi32>
        %and3A_296 = arith.andi %get3A_290, %and3A_295 : vector<16xi32>
        tpu.vector_store_idx %arg9[%shift_right_logical3A_293, %and3A_296], %broadcast_in_dim3A_10 {add = true} : memref<80x128xf32, #tpu.memory_space<vmem>>[vector<16xi32>, vector<16xi32>], vector<16xf32>,
      } else {
      }
      %mul3A_58 = arith.constant 4 : i32
      %mul3A_59 = arith.muli %scan3A_26, %mul3A_58 : i32
      %add3A_60 = arith.constant 2 : i32
      %add3A_61 = arith.addi %mul3A_59, %add3A_60 : i32
      %lt3A_62 = arith.constant 25 : i32
      %lt3A_63 = arith.cmpi slt, %add3A_61, %lt3A_62 : i32
      %convert_element_type3A_64 = arith.extui %lt3A_63 : i1 to i32
      %cond3A_65 = arith.constant 0 : i32
      %cond3A_66 = arith.cmpi ne, %convert_element_type3A_64, %cond3A_65 : i32
      scf.if %cond3A_66 {
        %mul3A_92 = arith.constant 400 : i32
        %mul3A_93 = arith.muli %add3A_61, %mul3A_92 : i32
        %add3A_94 = arith.addi %mul3A_2, %mul3A_93 : i32
        %dma_start3A_95 = arith.constant 1 : i32
        %dma_start3A_96 = tpu.memref_slice %arg2[%dma_start3A_95, %add3A_94] : memref<2x320000xi32, #tpu.memory_space<hbm>> -> memref<1x400xi32, #tpu.memory_space<hbm>>
        %dma_start3A_97 = tpu.memref_squeeze %dma_start3A_96 : memref<1x400xi32, #tpu.memory_space<hbm>> -> memref<400xi32, #tpu.memory_space<hbm>>
        %dma_start3A_98 = tpu.memref_slice %arg2[%dma_start3A_95, %add3A_94] : memref<2x320000xi32, #tpu.memory_space<hbm>> -> memref<1x400xi32, #tpu.memory_space<hbm>>
        %dma_start3A_99 = tpu.memref_squeeze %dma_start3A_98 : memref<1x400xi32, #tpu.memory_space<hbm>> -> memref<400xi32, #tpu.memory_space<hbm>>
        tpu.enqueue_dma source(%dma_start3A_99 : memref<400xi32, #tpu.memory_space<hbm>>) target(%arg7 : memref<400xi32, #tpu.memory_space<vmem>>) target_semaphore(%arg14 : memref<!tpu.dma_semaphore, #tpu.memory_space<semaphore_mem>>)
      } else {
      }
      %ge3A_67 = arith.constant 1 : i32
      %ge3A_68 = arith.cmpi sge, %add3A_61, %ge3A_67 : i32
      %le3A_69 = arith.constant 25 : i32
      %le3A_70 = arith.cmpi sle, %add3A_61, %le3A_69 : i32
      %and3A_71 = arith.andi %ge3A_68, %le3A_70 : i1
      %convert_element_type3A_72 = arith.extui %and3A_71 : i1 to i32
      %cond3A_73 = arith.constant 0 : i32
      %cond3A_74 = arith.cmpi ne, %convert_element_type3A_72, %cond3A_73 : i32
      scf.if %cond3A_74 {
        %dma_wait3A_92 = arith.constant 1 : i32
        %dma_wait3A_93 = arith.constant 0 : i32
        %dma_wait3A_94 = tpu.memref_slice %arg2[%dma_wait3A_92, %dma_wait3A_93] : memref<2x320000xi32, #tpu.memory_space<hbm>> -> memref<1x400xi32, #tpu.memory_space<hbm>>
        %dma_wait3A_95 = tpu.memref_squeeze %dma_wait3A_94 : memref<1x400xi32, #tpu.memory_space<hbm>> -> memref<400xi32, #tpu.memory_space<hbm>>
        %dma_wait3A_96 = arith.constant 0 : i32
        %dma_wait3A_97 = tpu.memref_slice %arg2[%dma_wait3A_92, %dma_wait3A_96] : memref<2x320000xi32, #tpu.memory_space<hbm>> -> memref<1x400xi32, #tpu.memory_space<hbm>>
        %dma_wait3A_98 = tpu.memref_squeeze %dma_wait3A_97 : memref<1x400xi32, #tpu.memory_space<hbm>> -> memref<400xi32, #tpu.memory_space<hbm>>
        tpu.wait_dma2 semaphore(%arg13 : memref<!tpu.dma_semaphore, #tpu.memory_space<semaphore_mem>>) src(%dma_wait3A_98 : memref<400xi32, #tpu.memory_space<hbm>>) dst(%arg6 : memref<400xi32, #tpu.memory_space<vmem>>)
        %get3A = arith.constant 0 : index
        %get3A_99 = tpu.vector_load %arg6[%get3A] {strides = array<i32>} : memref<400xi32, #tpu.memory_space<vmem>>, vector<16xi32>,
        %shift_right_logical3A = arith.constant 7 : i32
        %shift_right_logical3A_100 = vector.broadcast %shift_right_logical3A : i32 to vector<16xi32>
        %shift_right_logical3A_101 = arith.shrui %get3A_99, %shift_right_logical3A_100 : vector<16xi32>
        %and3A_102 = arith.constant 127 : i32
        %and3A_103 = vector.broadcast %and3A_102 : i32 to vector<16xi32>
        %and3A_104 = arith.andi %get3A_99, %and3A_103 : vector<16xi32>
        tpu.vector_store_idx %arg9[%shift_right_logical3A_101, %and3A_104], %broadcast_in_dim3A_10 {add = true} : memref<80x128xf32, #tpu.memory_space<vmem>>[vector<16xi32>, vector<16xi32>], vector<16xf32>,
        %get3A_105 = arith.constant 16 : index
        %get3A_106 = tpu.vector_load %arg6[%get3A_105] {strides = array<i32>} : memref<400xi32, #tpu.memory_space<vmem>>, vector<16xi32>,
        %shift_right_logical3A_107 = arith.constant 7 : i32
        %shift_right_logical3A_108 = vector.broadcast %shift_right_logical3A_107 : i32 to vector<16xi32>
        %shift_right_logical3A_109 = arith.shrui %get3A_106, %shift_right_logical3A_108 : vector<16xi32>
        %and3A_110 = arith.constant 127 : i32
        %and3A_111 = vector.broadcast %and3A_110 : i32 to vector<16xi32>
        %and3A_112 = arith.andi %get3A_106, %and3A_111 : vector<16xi32>
        tpu.vector_store_idx %arg9[%shift_right_logical3A_109, %and3A_112], %broadcast_in_dim3A_10 {add = true} : memref<80x128xf32, #tpu.memory_space<vmem>>[vector<16xi32>, vector<16xi32>], vector<16xf32>,
        %get3A_113 = arith.constant 32 : index
        %get3A_114 = tpu.vector_load %arg6[%get3A_113] {strides = array<i32>} : memref<400xi32, #tpu.memory_space<vmem>>, vector<16xi32>,
        %shift_right_logical3A_115 = arith.constant 7 : i32
        %shift_right_logical3A_116 = vector.broadcast %shift_right_logical3A_115 : i32 to vector<16xi32>
        %shift_right_logical3A_117 = arith.shrui %get3A_114, %shift_right_logical3A_116 : vector<16xi32>
        %and3A_118 = arith.constant 127 : i32
        %and3A_119 = vector.broadcast %and3A_118 : i32 to vector<16xi32>
        %and3A_120 = arith.andi %get3A_114, %and3A_119 : vector<16xi32>
        tpu.vector_store_idx %arg9[%shift_right_logical3A_117, %and3A_120], %broadcast_in_dim3A_10 {add = true} : memref<80x128xf32, #tpu.memory_space<vmem>>[vector<16xi32>, vector<16xi32>], vector<16xf32>,
        %get3A_121 = arith.constant 48 : index
        %get3A_122 = tpu.vector_load %arg6[%get3A_121] {strides = array<i32>} : memref<400xi32, #tpu.memory_space<vmem>>, vector<16xi32>,
        %shift_right_logical3A_123 = arith.constant 7 : i32
        %shift_right_logical3A_124 = vector.broadcast %shift_right_logical3A_123 : i32 to vector<16xi32>
        %shift_right_logical3A_125 = arith.shrui %get3A_122, %shift_right_logical3A_124 : vector<16xi32>
        %and3A_126 = arith.constant 127 : i32
        %and3A_127 = vector.broadcast %and3A_126 : i32 to vector<16xi32>
        %and3A_128 = arith.andi %get3A_122, %and3A_127 : vector<16xi32>
        tpu.vector_store_idx %arg9[%shift_right_logical3A_125, %and3A_128], %broadcast_in_dim3A_10 {add = true} : memref<80x128xf32, #tpu.memory_space<vmem>>[vector<16xi32>, vector<16xi32>], vector<16xf32>,
        %get3A_129 = arith.constant 64 : index
        %get3A_130 = tpu.vector_load %arg6[%get3A_129] {strides = array<i32>} : memref<400xi32, #tpu.memory_space<vmem>>, vector<16xi32>,
        %shift_right_logical3A_131 = arith.constant 7 : i32
        %shift_right_logical3A_132 = vector.broadcast %shift_right_logical3A_131 : i32 to vector<16xi32>
        %shift_right_logical3A_133 = arith.shrui %get3A_130, %shift_right_logical3A_132 : vector<16xi32>
        %and3A_134 = arith.constant 127 : i32
        %and3A_135 = vector.broadcast %and3A_134 : i32 to vector<16xi32>
        %and3A_136 = arith.andi %get3A_130, %and3A_135 : vector<16xi32>
        tpu.vector_store_idx %arg9[%shift_right_logical3A_133, %and3A_136], %broadcast_in_dim3A_10 {add = true} : memref<80x128xf32, #tpu.memory_space<vmem>>[vector<16xi32>, vector<16xi32>], vector<16xf32>,
        %get3A_137 = arith.constant 80 : index
        %get3A_138 = tpu.vector_load %arg6[%get3A_137] {strides = array<i32>} : memref<400xi32, #tpu.memory_space<vmem>>, vector<16xi32>,
        %shift_right_logical3A_139 = arith.constant 7 : i32
        %shift_right_logical3A_140 = vector.broadcast %shift_right_logical3A_139 : i32 to vector<16xi32>
        %shift_right_logical3A_141 = arith.shrui %get3A_138, %shift_right_logical3A_140 : vector<16xi32>
        %and3A_142 = arith.constant 127 : i32
        %and3A_143 = vector.broadcast %and3A_142 : i32 to vector<16xi32>
        %and3A_144 = arith.andi %get3A_138, %and3A_143 : vector<16xi32>
        tpu.vector_store_idx %arg9[%shift_right_logical3A_141, %and3A_144], %broadcast_in_dim3A_10 {add = true} : memref<80x128xf32, #tpu.memory_space<vmem>>[vector<16xi32>, vector<16xi32>], vector<16xf32>,
        %get3A_145 = arith.constant 96 : index
        %get3A_146 = tpu.vector_load %arg6[%get3A_145] {strides = array<i32>} : memref<400xi32, #tpu.memory_space<vmem>>, vector<16xi32>,
        %shift_right_logical3A_147 = arith.constant 7 : i32
        %shift_right_logical3A_148 = vector.broadcast %shift_right_logical3A_147 : i32 to vector<16xi32>
        %shift_right_logical3A_149 = arith.shrui %get3A_146, %shift_right_logical3A_148 : vector<16xi32>
        %and3A_150 = arith.constant 127 : i32
        %and3A_151 = vector.broadcast %and3A_150 : i32 to vector<16xi32>
        %and3A_152 = arith.andi %get3A_146, %and3A_151 : vector<16xi32>
        tpu.vector_store_idx %arg9[%shift_right_logical3A_149, %and3A_152], %broadcast_in_dim3A_10 {add = true} : memref<80x128xf32, #tpu.memory_space<vmem>>[vector<16xi32>, vector<16xi32>], vector<16xf32>,
        %get3A_153 = arith.constant 112 : index
        %get3A_154 = tpu.vector_load %arg6[%get3A_153] {strides = array<i32>} : memref<400xi32, #tpu.memory_space<vmem>>, vector<16xi32>,
        %shift_right_logical3A_155 = arith.constant 7 : i32
        %shift_right_logical3A_156 = vector.broadcast %shift_right_logical3A_155 : i32 to vector<16xi32>
        %shift_right_logical3A_157 = arith.shrui %get3A_154, %shift_right_logical3A_156 : vector<16xi32>
        %and3A_158 = arith.constant 127 : i32
        %and3A_159 = vector.broadcast %and3A_158 : i32 to vector<16xi32>
        %and3A_160 = arith.andi %get3A_154, %and3A_159 : vector<16xi32>
        tpu.vector_store_idx %arg9[%shift_right_logical3A_157, %and3A_160], %broadcast_in_dim3A_10 {add = true} : memref<80x128xf32, #tpu.memory_space<vmem>>[vector<16xi32>, vector<16xi32>], vector<16xf32>,
        %get3A_161 = arith.constant 128 : index
        %get3A_162 = tpu.vector_load %arg6[%get3A_161] {strides = array<i32>} : memref<400xi32, #tpu.memory_space<vmem>>, vector<16xi32>,
        %shift_right_logical3A_163 = arith.constant 7 : i32
        %shift_right_logical3A_164 = vector.broadcast %shift_right_logical3A_163 : i32 to vector<16xi32>
        %shift_right_logical3A_165 = arith.shrui %get3A_162, %shift_right_logical3A_164 : vector<16xi32>
        %and3A_166 = arith.constant 127 : i32
        %and3A_167 = vector.broadcast %and3A_166 : i32 to vector<16xi32>
        %and3A_168 = arith.andi %get3A_162, %and3A_167 : vector<16xi32>
        tpu.vector_store_idx %arg9[%shift_right_logical3A_165, %and3A_168], %broadcast_in_dim3A_10 {add = true} : memref<80x128xf32, #tpu.memory_space<vmem>>[vector<16xi32>, vector<16xi32>], vector<16xf32>,
        %get3A_169 = arith.constant 144 : index
        %get3A_170 = tpu.vector_load %arg6[%get3A_169] {strides = array<i32>} : memref<400xi32, #tpu.memory_space<vmem>>, vector<16xi32>,
        %shift_right_logical3A_171 = arith.constant 7 : i32
        %shift_right_logical3A_172 = vector.broadcast %shift_right_logical3A_171 : i32 to vector<16xi32>
        %shift_right_logical3A_173 = arith.shrui %get3A_170, %shift_right_logical3A_172 : vector<16xi32>
        %and3A_174 = arith.constant 127 : i32
        %and3A_175 = vector.broadcast %and3A_174 : i32 to vector<16xi32>
        %and3A_176 = arith.andi %get3A_170, %and3A_175 : vector<16xi32>
        tpu.vector_store_idx %arg9[%shift_right_logical3A_173, %and3A_176], %broadcast_in_dim3A_10 {add = true} : memref<80x128xf32, #tpu.memory_space<vmem>>[vector<16xi32>, vector<16xi32>], vector<16xf32>,
        %get3A_177 = arith.constant 160 : index
        %get3A_178 = tpu.vector_load %arg6[%get3A_177] {strides = array<i32>} : memref<400xi32, #tpu.memory_space<vmem>>, vector<16xi32>,
        %shift_right_logical3A_179 = arith.constant 7 : i32
        %shift_right_logical3A_180 = vector.broadcast %shift_right_logical3A_179 : i32 to vector<16xi32>
        %shift_right_logical3A_181 = arith.shrui %get3A_178, %shift_right_logical3A_180 : vector<16xi32>
        %and3A_182 = arith.constant 127 : i32
        %and3A_183 = vector.broadcast %and3A_182 : i32 to vector<16xi32>
        %and3A_184 = arith.andi %get3A_178, %and3A_183 : vector<16xi32>
        tpu.vector_store_idx %arg9[%shift_right_logical3A_181, %and3A_184], %broadcast_in_dim3A_10 {add = true} : memref<80x128xf32, #tpu.memory_space<vmem>>[vector<16xi32>, vector<16xi32>], vector<16xf32>,
        %get3A_185 = arith.constant 176 : index
        %get3A_186 = tpu.vector_load %arg6[%get3A_185] {strides = array<i32>} : memref<400xi32, #tpu.memory_space<vmem>>, vector<16xi32>,
        %shift_right_logical3A_187 = arith.constant 7 : i32
        %shift_right_logical3A_188 = vector.broadcast %shift_right_logical3A_187 : i32 to vector<16xi32>
        %shift_right_logical3A_189 = arith.shrui %get3A_186, %shift_right_logical3A_188 : vector<16xi32>
        %and3A_190 = arith.constant 127 : i32
        %and3A_191 = vector.broadcast %and3A_190 : i32 to vector<16xi32>
        %and3A_192 = arith.andi %get3A_186, %and3A_191 : vector<16xi32>
        tpu.vector_store_idx %arg9[%shift_right_logical3A_189, %and3A_192], %broadcast_in_dim3A_10 {add = true} : memref<80x128xf32, #tpu.memory_space<vmem>>[vector<16xi32>, vector<16xi32>], vector<16xf32>,
        %get3A_193 = arith.constant 192 : index
        %get3A_194 = tpu.vector_load %arg6[%get3A_193] {strides = array<i32>} : memref<400xi32, #tpu.memory_space<vmem>>, vector<16xi32>,
        %shift_right_logical3A_195 = arith.constant 7 : i32
        %shift_right_logical3A_196 = vector.broadcast %shift_right_logical3A_195 : i32 to vector<16xi32>
        %shift_right_logical3A_197 = arith.shrui %get3A_194, %shift_right_logical3A_196 : vector<16xi32>
        %and3A_198 = arith.constant 127 : i32
        %and3A_199 = vector.broadcast %and3A_198 : i32 to vector<16xi32>
        %and3A_200 = arith.andi %get3A_194, %and3A_199 : vector<16xi32>
        tpu.vector_store_idx %arg9[%shift_right_logical3A_197, %and3A_200], %broadcast_in_dim3A_10 {add = true} : memref<80x128xf32, #tpu.memory_space<vmem>>[vector<16xi32>, vector<16xi32>], vector<16xf32>,
        %get3A_201 = arith.constant 208 : index
        %get3A_202 = tpu.vector_load %arg6[%get3A_201] {strides = array<i32>} : memref<400xi32, #tpu.memory_space<vmem>>, vector<16xi32>,
        %shift_right_logical3A_203 = arith.constant 7 : i32
        %shift_right_logical3A_204 = vector.broadcast %shift_right_logical3A_203 : i32 to vector<16xi32>
        %shift_right_logical3A_205 = arith.shrui %get3A_202, %shift_right_logical3A_204 : vector<16xi32>
        %and3A_206 = arith.constant 127 : i32
        %and3A_207 = vector.broadcast %and3A_206 : i32 to vector<16xi32>
        %and3A_208 = arith.andi %get3A_202, %and3A_207 : vector<16xi32>
        tpu.vector_store_idx %arg9[%shift_right_logical3A_205, %and3A_208], %broadcast_in_dim3A_10 {add = true} : memref<80x128xf32, #tpu.memory_space<vmem>>[vector<16xi32>, vector<16xi32>], vector<16xf32>,
        %get3A_209 = arith.constant 224 : index
        %get3A_210 = tpu.vector_load %arg6[%get3A_209] {strides = array<i32>} : memref<400xi32, #tpu.memory_space<vmem>>, vector<16xi32>,
        %shift_right_logical3A_211 = arith.constant 7 : i32
        %shift_right_logical3A_212 = vector.broadcast %shift_right_logical3A_211 : i32 to vector<16xi32>
        %shift_right_logical3A_213 = arith.shrui %get3A_210, %shift_right_logical3A_212 : vector<16xi32>
        %and3A_214 = arith.constant 127 : i32
        %and3A_215 = vector.broadcast %and3A_214 : i32 to vector<16xi32>
        %and3A_216 = arith.andi %get3A_210, %and3A_215 : vector<16xi32>
        tpu.vector_store_idx %arg9[%shift_right_logical3A_213, %and3A_216], %broadcast_in_dim3A_10 {add = true} : memref<80x128xf32, #tpu.memory_space<vmem>>[vector<16xi32>, vector<16xi32>], vector<16xf32>,
        %get3A_217 = arith.constant 240 : index
        %get3A_218 = tpu.vector_load %arg6[%get3A_217] {strides = array<i32>} : memref<400xi32, #tpu.memory_space<vmem>>, vector<16xi32>,
        %shift_right_logical3A_219 = arith.constant 7 : i32
        %shift_right_logical3A_220 = vector.broadcast %shift_right_logical3A_219 : i32 to vector<16xi32>
        %shift_right_logical3A_221 = arith.shrui %get3A_218, %shift_right_logical3A_220 : vector<16xi32>
        %and3A_222 = arith.constant 127 : i32
        %and3A_223 = vector.broadcast %and3A_222 : i32 to vector<16xi32>
        %and3A_224 = arith.andi %get3A_218, %and3A_223 : vector<16xi32>
        tpu.vector_store_idx %arg9[%shift_right_logical3A_221, %and3A_224], %broadcast_in_dim3A_10 {add = true} : memref<80x128xf32, #tpu.memory_space<vmem>>[vector<16xi32>, vector<16xi32>], vector<16xf32>,
        %get3A_225 = arith.constant 256 : index
        %get3A_226 = tpu.vector_load %arg6[%get3A_225] {strides = array<i32>} : memref<400xi32, #tpu.memory_space<vmem>>, vector<16xi32>,
        %shift_right_logical3A_227 = arith.constant 7 : i32
        %shift_right_logical3A_228 = vector.broadcast %shift_right_logical3A_227 : i32 to vector<16xi32>
        %shift_right_logical3A_229 = arith.shrui %get3A_226, %shift_right_logical3A_228 : vector<16xi32>
        %and3A_230 = arith.constant 127 : i32
        %and3A_231 = vector.broadcast %and3A_230 : i32 to vector<16xi32>
        %and3A_232 = arith.andi %get3A_226, %and3A_231 : vector<16xi32>
        tpu.vector_store_idx %arg9[%shift_right_logical3A_229, %and3A_232], %broadcast_in_dim3A_10 {add = true} : memref<80x128xf32, #tpu.memory_space<vmem>>[vector<16xi32>, vector<16xi32>], vector<16xf32>,
        %get3A_233 = arith.constant 272 : index
        %get3A_234 = tpu.vector_load %arg6[%get3A_233] {strides = array<i32>} : memref<400xi32, #tpu.memory_space<vmem>>, vector<16xi32>,
        %shift_right_logical3A_235 = arith.constant 7 : i32
        %shift_right_logical3A_236 = vector.broadcast %shift_right_logical3A_235 : i32 to vector<16xi32>
        %shift_right_logical3A_237 = arith.shrui %get3A_234, %shift_right_logical3A_236 : vector<16xi32>
        %and3A_238 = arith.constant 127 : i32
        %and3A_239 = vector.broadcast %and3A_238 : i32 to vector<16xi32>
        %and3A_240 = arith.andi %get3A_234, %and3A_239 : vector<16xi32>
        tpu.vector_store_idx %arg9[%shift_right_logical3A_237, %and3A_240], %broadcast_in_dim3A_10 {add = true} : memref<80x128xf32, #tpu.memory_space<vmem>>[vector<16xi32>, vector<16xi32>], vector<16xf32>,
        %get3A_241 = arith.constant 288 : index
        %get3A_242 = tpu.vector_load %arg6[%get3A_241] {strides = array<i32>} : memref<400xi32, #tpu.memory_space<vmem>>, vector<16xi32>,
        %shift_right_logical3A_243 = arith.constant 7 : i32
        %shift_right_logical3A_244 = vector.broadcast %shift_right_logical3A_243 : i32 to vector<16xi32>
        %shift_right_logical3A_245 = arith.shrui %get3A_242, %shift_right_logical3A_244 : vector<16xi32>
        %and3A_246 = arith.constant 127 : i32
        %and3A_247 = vector.broadcast %and3A_246 : i32 to vector<16xi32>
        %and3A_248 = arith.andi %get3A_242, %and3A_247 : vector<16xi32>
        tpu.vector_store_idx %arg9[%shift_right_logical3A_245, %and3A_248], %broadcast_in_dim3A_10 {add = true} : memref<80x128xf32, #tpu.memory_space<vmem>>[vector<16xi32>, vector<16xi32>], vector<16xf32>,
        %get3A_249 = arith.constant 304 : index
        %get3A_250 = tpu.vector_load %arg6[%get3A_249] {strides = array<i32>} : memref<400xi32, #tpu.memory_space<vmem>>, vector<16xi32>,
        %shift_right_logical3A_251 = arith.constant 7 : i32
        %shift_right_logical3A_252 = vector.broadcast %shift_right_logical3A_251 : i32 to vector<16xi32>
        %shift_right_logical3A_253 = arith.shrui %get3A_250, %shift_right_logical3A_252 : vector<16xi32>
        %and3A_254 = arith.constant 127 : i32
        %and3A_255 = vector.broadcast %and3A_254 : i32 to vector<16xi32>
        %and3A_256 = arith.andi %get3A_250, %and3A_255 : vector<16xi32>
        tpu.vector_store_idx %arg9[%shift_right_logical3A_253, %and3A_256], %broadcast_in_dim3A_10 {add = true} : memref<80x128xf32, #tpu.memory_space<vmem>>[vector<16xi32>, vector<16xi32>], vector<16xf32>,
        %get3A_257 = arith.constant 320 : index
        %get3A_258 = tpu.vector_load %arg6[%get3A_257] {strides = array<i32>} : memref<400xi32, #tpu.memory_space<vmem>>, vector<16xi32>,
        %shift_right_logical3A_259 = arith.constant 7 : i32
        %shift_right_logical3A_260 = vector.broadcast %shift_right_logical3A_259 : i32 to vector<16xi32>
        %shift_right_logical3A_261 = arith.shrui %get3A_258, %shift_right_logical3A_260 : vector<16xi32>
        %and3A_262 = arith.constant 127 : i32
        %and3A_263 = vector.broadcast %and3A_262 : i32 to vector<16xi32>
        %and3A_264 = arith.andi %get3A_258, %and3A_263 : vector<16xi32>
        tpu.vector_store_idx %arg9[%shift_right_logical3A_261, %and3A_264], %broadcast_in_dim3A_10 {add = true} : memref<80x128xf32, #tpu.memory_space<vmem>>[vector<16xi32>, vector<16xi32>], vector<16xf32>,
        %get3A_265 = arith.constant 336 : index
        %get3A_266 = tpu.vector_load %arg6[%get3A_265] {strides = array<i32>} : memref<400xi32, #tpu.memory_space<vmem>>, vector<16xi32>,
        %shift_right_logical3A_267 = arith.constant 7 : i32
        %shift_right_logical3A_268 = vector.broadcast %shift_right_logical3A_267 : i32 to vector<16xi32>
        %shift_right_logical3A_269 = arith.shrui %get3A_266, %shift_right_logical3A_268 : vector<16xi32>
        %and3A_270 = arith.constant 127 : i32
        %and3A_271 = vector.broadcast %and3A_270 : i32 to vector<16xi32>
        %and3A_272 = arith.andi %get3A_266, %and3A_271 : vector<16xi32>
        tpu.vector_store_idx %arg9[%shift_right_logical3A_269, %and3A_272], %broadcast_in_dim3A_10 {add = true} : memref<80x128xf32, #tpu.memory_space<vmem>>[vector<16xi32>, vector<16xi32>], vector<16xf32>,
        %get3A_273 = arith.constant 352 : index
        %get3A_274 = tpu.vector_load %arg6[%get3A_273] {strides = array<i32>} : memref<400xi32, #tpu.memory_space<vmem>>, vector<16xi32>,
        %shift_right_logical3A_275 = arith.constant 7 : i32
        %shift_right_logical3A_276 = vector.broadcast %shift_right_logical3A_275 : i32 to vector<16xi32>
        %shift_right_logical3A_277 = arith.shrui %get3A_274, %shift_right_logical3A_276 : vector<16xi32>
        %and3A_278 = arith.constant 127 : i32
        %and3A_279 = vector.broadcast %and3A_278 : i32 to vector<16xi32>
        %and3A_280 = arith.andi %get3A_274, %and3A_279 : vector<16xi32>
        tpu.vector_store_idx %arg9[%shift_right_logical3A_277, %and3A_280], %broadcast_in_dim3A_10 {add = true} : memref<80x128xf32, #tpu.memory_space<vmem>>[vector<16xi32>, vector<16xi32>], vector<16xf32>,
        %get3A_281 = arith.constant 368 : index
        %get3A_282 = tpu.vector_load %arg6[%get3A_281] {strides = array<i32>} : memref<400xi32, #tpu.memory_space<vmem>>, vector<16xi32>,
        %shift_right_logical3A_283 = arith.constant 7 : i32
        %shift_right_logical3A_284 = vector.broadcast %shift_right_logical3A_283 : i32 to vector<16xi32>
        %shift_right_logical3A_285 = arith.shrui %get3A_282, %shift_right_logical3A_284 : vector<16xi32>
        %and3A_286 = arith.constant 127 : i32
        %and3A_287 = vector.broadcast %and3A_286 : i32 to vector<16xi32>
        %and3A_288 = arith.andi %get3A_282, %and3A_287 : vector<16xi32>
        tpu.vector_store_idx %arg9[%shift_right_logical3A_285, %and3A_288], %broadcast_in_dim3A_10 {add = true} : memref<80x128xf32, #tpu.memory_space<vmem>>[vector<16xi32>, vector<16xi32>], vector<16xf32>,
        %get3A_289 = arith.constant 384 : index
        %get3A_290 = tpu.vector_load %arg6[%get3A_289] {strides = array<i32>} : memref<400xi32, #tpu.memory_space<vmem>>, vector<16xi32>,
        %shift_right_logical3A_291 = arith.constant 7 : i32
        %shift_right_logical3A_292 = vector.broadcast %shift_right_logical3A_291 : i32 to vector<16xi32>
        %shift_right_logical3A_293 = arith.shrui %get3A_290, %shift_right_logical3A_292 : vector<16xi32>
        %and3A_294 = arith.constant 127 : i32
        %and3A_295 = vector.broadcast %and3A_294 : i32 to vector<16xi32>
        %and3A_296 = arith.andi %get3A_290, %and3A_295 : vector<16xi32>
        tpu.vector_store_idx %arg9[%shift_right_logical3A_293, %and3A_296], %broadcast_in_dim3A_10 {add = true} : memref<80x128xf32, #tpu.memory_space<vmem>>[vector<16xi32>, vector<16xi32>], vector<16xf32>,
      } else {
      }
      %mul3A_75 = arith.constant 4 : i32
      %mul3A_76 = arith.muli %scan3A_26, %mul3A_75 : i32
      %add3A_77 = arith.constant 3 : i32
      %add3A_78 = arith.addi %mul3A_76, %add3A_77 : i32
      %lt3A_79 = arith.constant 25 : i32
      %lt3A_80 = arith.cmpi slt, %add3A_78, %lt3A_79 : i32
      %convert_element_type3A_81 = arith.extui %lt3A_80 : i1 to i32
      %cond3A_82 = arith.constant 0 : i32
      %cond3A_83 = arith.cmpi ne, %convert_element_type3A_81, %cond3A_82 : i32
      scf.if %cond3A_83 {
        %mul3A_92 = arith.constant 400 : i32
        %mul3A_93 = arith.muli %add3A_78, %mul3A_92 : i32
        %add3A_94 = arith.addi %mul3A_2, %mul3A_93 : i32
        %dma_start3A_95 = arith.constant 1 : i32
        %dma_start3A_96 = tpu.memref_slice %arg2[%dma_start3A_95, %add3A_94] : memref<2x320000xi32, #tpu.memory_space<hbm>> -> memref<1x400xi32, #tpu.memory_space<hbm>>
        %dma_start3A_97 = tpu.memref_squeeze %dma_start3A_96 : memref<1x400xi32, #tpu.memory_space<hbm>> -> memref<400xi32, #tpu.memory_space<hbm>>
        %dma_start3A_98 = tpu.memref_slice %arg2[%dma_start3A_95, %add3A_94] : memref<2x320000xi32, #tpu.memory_space<hbm>> -> memref<1x400xi32, #tpu.memory_space<hbm>>
        %dma_start3A_99 = tpu.memref_squeeze %dma_start3A_98 : memref<1x400xi32, #tpu.memory_space<hbm>> -> memref<400xi32, #tpu.memory_space<hbm>>
        tpu.enqueue_dma source(%dma_start3A_99 : memref<400xi32, #tpu.memory_space<hbm>>) target(%arg8 : memref<400xi32, #tpu.memory_space<vmem>>) target_semaphore(%arg15 : memref<!tpu.dma_semaphore, #tpu.memory_space<semaphore_mem>>)
      } else {
      }
      %ge3A_84 = arith.constant 1 : i32
      %ge3A_85 = arith.cmpi sge, %add3A_78, %ge3A_84 : i32
      %le3A_86 = arith.constant 25 : i32
      %le3A_87 = arith.cmpi sle, %add3A_78, %le3A_86 : i32
      %and3A_88 = arith.andi %ge3A_85, %le3A_87 : i1
      %convert_element_type3A_89 = arith.extui %and3A_88 : i1 to i32
      %cond3A_90 = arith.constant 0 : i32
      %cond3A_91 = arith.cmpi ne, %convert_element_type3A_89, %cond3A_90 : i32
      scf.if %cond3A_91 {
        %dma_wait3A_92 = arith.constant 1 : i32
        %dma_wait3A_93 = arith.constant 0 : i32
        %dma_wait3A_94 = tpu.memref_slice %arg2[%dma_wait3A_92, %dma_wait3A_93] : memref<2x320000xi32, #tpu.memory_space<hbm>> -> memref<1x400xi32, #tpu.memory_space<hbm>>
        %dma_wait3A_95 = tpu.memref_squeeze %dma_wait3A_94 : memref<1x400xi32, #tpu.memory_space<hbm>> -> memref<400xi32, #tpu.memory_space<hbm>>
        %dma_wait3A_96 = arith.constant 0 : i32
        %dma_wait3A_97 = tpu.memref_slice %arg2[%dma_wait3A_92, %dma_wait3A_96] : memref<2x320000xi32, #tpu.memory_space<hbm>> -> memref<1x400xi32, #tpu.memory_space<hbm>>
        %dma_wait3A_98 = tpu.memref_squeeze %dma_wait3A_97 : memref<1x400xi32, #tpu.memory_space<hbm>> -> memref<400xi32, #tpu.memory_space<hbm>>
        tpu.wait_dma2 semaphore(%arg14 : memref<!tpu.dma_semaphore, #tpu.memory_space<semaphore_mem>>) src(%dma_wait3A_98 : memref<400xi32, #tpu.memory_space<hbm>>) dst(%arg7 : memref<400xi32, #tpu.memory_space<vmem>>)
        %get3A = arith.constant 0 : index
        %get3A_99 = tpu.vector_load %arg7[%get3A] {strides = array<i32>} : memref<400xi32, #tpu.memory_space<vmem>>, vector<16xi32>,
        %shift_right_logical3A = arith.constant 7 : i32
        %shift_right_logical3A_100 = vector.broadcast %shift_right_logical3A : i32 to vector<16xi32>
        %shift_right_logical3A_101 = arith.shrui %get3A_99, %shift_right_logical3A_100 : vector<16xi32>
        %and3A_102 = arith.constant 127 : i32
        %and3A_103 = vector.broadcast %and3A_102 : i32 to vector<16xi32>
        %and3A_104 = arith.andi %get3A_99, %and3A_103 : vector<16xi32>
        tpu.vector_store_idx %arg9[%shift_right_logical3A_101, %and3A_104], %broadcast_in_dim3A_10 {add = true} : memref<80x128xf32, #tpu.memory_space<vmem>>[vector<16xi32>, vector<16xi32>], vector<16xf32>,
        %get3A_105 = arith.constant 16 : index
        %get3A_106 = tpu.vector_load %arg7[%get3A_105] {strides = array<i32>} : memref<400xi32, #tpu.memory_space<vmem>>, vector<16xi32>,
        %shift_right_logical3A_107 = arith.constant 7 : i32
        %shift_right_logical3A_108 = vector.broadcast %shift_right_logical3A_107 : i32 to vector<16xi32>
        %shift_right_logical3A_109 = arith.shrui %get3A_106, %shift_right_logical3A_108 : vector<16xi32>
        %and3A_110 = arith.constant 127 : i32
        %and3A_111 = vector.broadcast %and3A_110 : i32 to vector<16xi32>
        %and3A_112 = arith.andi %get3A_106, %and3A_111 : vector<16xi32>
        tpu.vector_store_idx %arg9[%shift_right_logical3A_109, %and3A_112], %broadcast_in_dim3A_10 {add = true} : memref<80x128xf32, #tpu.memory_space<vmem>>[vector<16xi32>, vector<16xi32>], vector<16xf32>,
        %get3A_113 = arith.constant 32 : index
        %get3A_114 = tpu.vector_load %arg7[%get3A_113] {strides = array<i32>} : memref<400xi32, #tpu.memory_space<vmem>>, vector<16xi32>,
        %shift_right_logical3A_115 = arith.constant 7 : i32
        %shift_right_logical3A_116 = vector.broadcast %shift_right_logical3A_115 : i32 to vector<16xi32>
        %shift_right_logical3A_117 = arith.shrui %get3A_114, %shift_right_logical3A_116 : vector<16xi32>
        %and3A_118 = arith.constant 127 : i32
        %and3A_119 = vector.broadcast %and3A_118 : i32 to vector<16xi32>
        %and3A_120 = arith.andi %get3A_114, %and3A_119 : vector<16xi32>
        tpu.vector_store_idx %arg9[%shift_right_logical3A_117, %and3A_120], %broadcast_in_dim3A_10 {add = true} : memref<80x128xf32, #tpu.memory_space<vmem>>[vector<16xi32>, vector<16xi32>], vector<16xf32>,
        %get3A_121 = arith.constant 48 : index
        %get3A_122 = tpu.vector_load %arg7[%get3A_121] {strides = array<i32>} : memref<400xi32, #tpu.memory_space<vmem>>, vector<16xi32>,
        %shift_right_logical3A_123 = arith.constant 7 : i32
        %shift_right_logical3A_124 = vector.broadcast %shift_right_logical3A_123 : i32 to vector<16xi32>
        %shift_right_logical3A_125 = arith.shrui %get3A_122, %shift_right_logical3A_124 : vector<16xi32>
        %and3A_126 = arith.constant 127 : i32
        %and3A_127 = vector.broadcast %and3A_126 : i32 to vector<16xi32>
        %and3A_128 = arith.andi %get3A_122, %and3A_127 : vector<16xi32>
        tpu.vector_store_idx %arg9[%shift_right_logical3A_125, %and3A_128], %broadcast_in_dim3A_10 {add = true} : memref<80x128xf32, #tpu.memory_space<vmem>>[vector<16xi32>, vector<16xi32>], vector<16xf32>,
        %get3A_129 = arith.constant 64 : index
        %get3A_130 = tpu.vector_load %arg7[%get3A_129] {strides = array<i32>} : memref<400xi32, #tpu.memory_space<vmem>>, vector<16xi32>,
        %shift_right_logical3A_131 = arith.constant 7 : i32
        %shift_right_logical3A_132 = vector.broadcast %shift_right_logical3A_131 : i32 to vector<16xi32>
        %shift_right_logical3A_133 = arith.shrui %get3A_130, %shift_right_logical3A_132 : vector<16xi32>
        %and3A_134 = arith.constant 127 : i32
        %and3A_135 = vector.broadcast %and3A_134 : i32 to vector<16xi32>
        %and3A_136 = arith.andi %get3A_130, %and3A_135 : vector<16xi32>
        tpu.vector_store_idx %arg9[%shift_right_logical3A_133, %and3A_136], %broadcast_in_dim3A_10 {add = true} : memref<80x128xf32, #tpu.memory_space<vmem>>[vector<16xi32>, vector<16xi32>], vector<16xf32>,
        %get3A_137 = arith.constant 80 : index
        %get3A_138 = tpu.vector_load %arg7[%get3A_137] {strides = array<i32>} : memref<400xi32, #tpu.memory_space<vmem>>, vector<16xi32>,
        %shift_right_logical3A_139 = arith.constant 7 : i32
        %shift_right_logical3A_140 = vector.broadcast %shift_right_logical3A_139 : i32 to vector<16xi32>
        %shift_right_logical3A_141 = arith.shrui %get3A_138, %shift_right_logical3A_140 : vector<16xi32>
        %and3A_142 = arith.constant 127 : i32
        %and3A_143 = vector.broadcast %and3A_142 : i32 to vector<16xi32>
        %and3A_144 = arith.andi %get3A_138, %and3A_143 : vector<16xi32>
        tpu.vector_store_idx %arg9[%shift_right_logical3A_141, %and3A_144], %broadcast_in_dim3A_10 {add = true} : memref<80x128xf32, #tpu.memory_space<vmem>>[vector<16xi32>, vector<16xi32>], vector<16xf32>,
        %get3A_145 = arith.constant 96 : index
        %get3A_146 = tpu.vector_load %arg7[%get3A_145] {strides = array<i32>} : memref<400xi32, #tpu.memory_space<vmem>>, vector<16xi32>,
        %shift_right_logical3A_147 = arith.constant 7 : i32
        %shift_right_logical3A_148 = vector.broadcast %shift_right_logical3A_147 : i32 to vector<16xi32>
        %shift_right_logical3A_149 = arith.shrui %get3A_146, %shift_right_logical3A_148 : vector<16xi32>
        %and3A_150 = arith.constant 127 : i32
        %and3A_151 = vector.broadcast %and3A_150 : i32 to vector<16xi32>
        %and3A_152 = arith.andi %get3A_146, %and3A_151 : vector<16xi32>
        tpu.vector_store_idx %arg9[%shift_right_logical3A_149, %and3A_152], %broadcast_in_dim3A_10 {add = true} : memref<80x128xf32, #tpu.memory_space<vmem>>[vector<16xi32>, vector<16xi32>], vector<16xf32>,
        %get3A_153 = arith.constant 112 : index
        %get3A_154 = tpu.vector_load %arg7[%get3A_153] {strides = array<i32>} : memref<400xi32, #tpu.memory_space<vmem>>, vector<16xi32>,
        %shift_right_logical3A_155 = arith.constant 7 : i32
        %shift_right_logical3A_156 = vector.broadcast %shift_right_logical3A_155 : i32 to vector<16xi32>
        %shift_right_logical3A_157 = arith.shrui %get3A_154, %shift_right_logical3A_156 : vector<16xi32>
        %and3A_158 = arith.constant 127 : i32
        %and3A_159 = vector.broadcast %and3A_158 : i32 to vector<16xi32>
        %and3A_160 = arith.andi %get3A_154, %and3A_159 : vector<16xi32>
        tpu.vector_store_idx %arg9[%shift_right_logical3A_157, %and3A_160], %broadcast_in_dim3A_10 {add = true} : memref<80x128xf32, #tpu.memory_space<vmem>>[vector<16xi32>, vector<16xi32>], vector<16xf32>,
        %get3A_161 = arith.constant 128 : index
        %get3A_162 = tpu.vector_load %arg7[%get3A_161] {strides = array<i32>} : memref<400xi32, #tpu.memory_space<vmem>>, vector<16xi32>,
        %shift_right_logical3A_163 = arith.constant 7 : i32
        %shift_right_logical3A_164 = vector.broadcast %shift_right_logical3A_163 : i32 to vector<16xi32>
        %shift_right_logical3A_165 = arith.shrui %get3A_162, %shift_right_logical3A_164 : vector<16xi32>
        %and3A_166 = arith.constant 127 : i32
        %and3A_167 = vector.broadcast %and3A_166 : i32 to vector<16xi32>
        %and3A_168 = arith.andi %get3A_162, %and3A_167 : vector<16xi32>
        tpu.vector_store_idx %arg9[%shift_right_logical3A_165, %and3A_168], %broadcast_in_dim3A_10 {add = true} : memref<80x128xf32, #tpu.memory_space<vmem>>[vector<16xi32>, vector<16xi32>], vector<16xf32>,
        %get3A_169 = arith.constant 144 : index
        %get3A_170 = tpu.vector_load %arg7[%get3A_169] {strides = array<i32>} : memref<400xi32, #tpu.memory_space<vmem>>, vector<16xi32>,
        %shift_right_logical3A_171 = arith.constant 7 : i32
        %shift_right_logical3A_172 = vector.broadcast %shift_right_logical3A_171 : i32 to vector<16xi32>
        %shift_right_logical3A_173 = arith.shrui %get3A_170, %shift_right_logical3A_172 : vector<16xi32>
        %and3A_174 = arith.constant 127 : i32
        %and3A_175 = vector.broadcast %and3A_174 : i32 to vector<16xi32>
        %and3A_176 = arith.andi %get3A_170, %and3A_175 : vector<16xi32>
        tpu.vector_store_idx %arg9[%shift_right_logical3A_173, %and3A_176], %broadcast_in_dim3A_10 {add = true} : memref<80x128xf32, #tpu.memory_space<vmem>>[vector<16xi32>, vector<16xi32>], vector<16xf32>,
        %get3A_177 = arith.constant 160 : index
        %get3A_178 = tpu.vector_load %arg7[%get3A_177] {strides = array<i32>} : memref<400xi32, #tpu.memory_space<vmem>>, vector<16xi32>,
        %shift_right_logical3A_179 = arith.constant 7 : i32
        %shift_right_logical3A_180 = vector.broadcast %shift_right_logical3A_179 : i32 to vector<16xi32>
        %shift_right_logical3A_181 = arith.shrui %get3A_178, %shift_right_logical3A_180 : vector<16xi32>
        %and3A_182 = arith.constant 127 : i32
        %and3A_183 = vector.broadcast %and3A_182 : i32 to vector<16xi32>
        %and3A_184 = arith.andi %get3A_178, %and3A_183 : vector<16xi32>
        tpu.vector_store_idx %arg9[%shift_right_logical3A_181, %and3A_184], %broadcast_in_dim3A_10 {add = true} : memref<80x128xf32, #tpu.memory_space<vmem>>[vector<16xi32>, vector<16xi32>], vector<16xf32>,
        %get3A_185 = arith.constant 176 : index
        %get3A_186 = tpu.vector_load %arg7[%get3A_185] {strides = array<i32>} : memref<400xi32, #tpu.memory_space<vmem>>, vector<16xi32>,
        %shift_right_logical3A_187 = arith.constant 7 : i32
        %shift_right_logical3A_188 = vector.broadcast %shift_right_logical3A_187 : i32 to vector<16xi32>
        %shift_right_logical3A_189 = arith.shrui %get3A_186, %shift_right_logical3A_188 : vector<16xi32>
        %and3A_190 = arith.constant 127 : i32
        %and3A_191 = vector.broadcast %and3A_190 : i32 to vector<16xi32>
        %and3A_192 = arith.andi %get3A_186, %and3A_191 : vector<16xi32>
        tpu.vector_store_idx %arg9[%shift_right_logical3A_189, %and3A_192], %broadcast_in_dim3A_10 {add = true} : memref<80x128xf32, #tpu.memory_space<vmem>>[vector<16xi32>, vector<16xi32>], vector<16xf32>,
        %get3A_193 = arith.constant 192 : index
        %get3A_194 = tpu.vector_load %arg7[%get3A_193] {strides = array<i32>} : memref<400xi32, #tpu.memory_space<vmem>>, vector<16xi32>,
        %shift_right_logical3A_195 = arith.constant 7 : i32
        %shift_right_logical3A_196 = vector.broadcast %shift_right_logical3A_195 : i32 to vector<16xi32>
        %shift_right_logical3A_197 = arith.shrui %get3A_194, %shift_right_logical3A_196 : vector<16xi32>
        %and3A_198 = arith.constant 127 : i32
        %and3A_199 = vector.broadcast %and3A_198 : i32 to vector<16xi32>
        %and3A_200 = arith.andi %get3A_194, %and3A_199 : vector<16xi32>
        tpu.vector_store_idx %arg9[%shift_right_logical3A_197, %and3A_200], %broadcast_in_dim3A_10 {add = true} : memref<80x128xf32, #tpu.memory_space<vmem>>[vector<16xi32>, vector<16xi32>], vector<16xf32>,
        %get3A_201 = arith.constant 208 : index
        %get3A_202 = tpu.vector_load %arg7[%get3A_201] {strides = array<i32>} : memref<400xi32, #tpu.memory_space<vmem>>, vector<16xi32>,
        %shift_right_logical3A_203 = arith.constant 7 : i32
        %shift_right_logical3A_204 = vector.broadcast %shift_right_logical3A_203 : i32 to vector<16xi32>
        %shift_right_logical3A_205 = arith.shrui %get3A_202, %shift_right_logical3A_204 : vector<16xi32>
        %and3A_206 = arith.constant 127 : i32
        %and3A_207 = vector.broadcast %and3A_206 : i32 to vector<16xi32>
        %and3A_208 = arith.andi %get3A_202, %and3A_207 : vector<16xi32>
        tpu.vector_store_idx %arg9[%shift_right_logical3A_205, %and3A_208], %broadcast_in_dim3A_10 {add = true} : memref<80x128xf32, #tpu.memory_space<vmem>>[vector<16xi32>, vector<16xi32>], vector<16xf32>,
        %get3A_209 = arith.constant 224 : index
        %get3A_210 = tpu.vector_load %arg7[%get3A_209] {strides = array<i32>} : memref<400xi32, #tpu.memory_space<vmem>>, vector<16xi32>,
        %shift_right_logical3A_211 = arith.constant 7 : i32
        %shift_right_logical3A_212 = vector.broadcast %shift_right_logical3A_211 : i32 to vector<16xi32>
        %shift_right_logical3A_213 = arith.shrui %get3A_210, %shift_right_logical3A_212 : vector<16xi32>
        %and3A_214 = arith.constant 127 : i32
        %and3A_215 = vector.broadcast %and3A_214 : i32 to vector<16xi32>
        %and3A_216 = arith.andi %get3A_210, %and3A_215 : vector<16xi32>
        tpu.vector_store_idx %arg9[%shift_right_logical3A_213, %and3A_216], %broadcast_in_dim3A_10 {add = true} : memref<80x128xf32, #tpu.memory_space<vmem>>[vector<16xi32>, vector<16xi32>], vector<16xf32>,
        %get3A_217 = arith.constant 240 : index
        %get3A_218 = tpu.vector_load %arg7[%get3A_217] {strides = array<i32>} : memref<400xi32, #tpu.memory_space<vmem>>, vector<16xi32>,
        %shift_right_logical3A_219 = arith.constant 7 : i32
        %shift_right_logical3A_220 = vector.broadcast %shift_right_logical3A_219 : i32 to vector<16xi32>
        %shift_right_logical3A_221 = arith.shrui %get3A_218, %shift_right_logical3A_220 : vector<16xi32>
        %and3A_222 = arith.constant 127 : i32
        %and3A_223 = vector.broadcast %and3A_222 : i32 to vector<16xi32>
        %and3A_224 = arith.andi %get3A_218, %and3A_223 : vector<16xi32>
        tpu.vector_store_idx %arg9[%shift_right_logical3A_221, %and3A_224], %broadcast_in_dim3A_10 {add = true} : memref<80x128xf32, #tpu.memory_space<vmem>>[vector<16xi32>, vector<16xi32>], vector<16xf32>,
        %get3A_225 = arith.constant 256 : index
        %get3A_226 = tpu.vector_load %arg7[%get3A_225] {strides = array<i32>} : memref<400xi32, #tpu.memory_space<vmem>>, vector<16xi32>,
        %shift_right_logical3A_227 = arith.constant 7 : i32
        %shift_right_logical3A_228 = vector.broadcast %shift_right_logical3A_227 : i32 to vector<16xi32>
        %shift_right_logical3A_229 = arith.shrui %get3A_226, %shift_right_logical3A_228 : vector<16xi32>
        %and3A_230 = arith.constant 127 : i32
        %and3A_231 = vector.broadcast %and3A_230 : i32 to vector<16xi32>
        %and3A_232 = arith.andi %get3A_226, %and3A_231 : vector<16xi32>
        tpu.vector_store_idx %arg9[%shift_right_logical3A_229, %and3A_232], %broadcast_in_dim3A_10 {add = true} : memref<80x128xf32, #tpu.memory_space<vmem>>[vector<16xi32>, vector<16xi32>], vector<16xf32>,
        %get3A_233 = arith.constant 272 : index
        %get3A_234 = tpu.vector_load %arg7[%get3A_233] {strides = array<i32>} : memref<400xi32, #tpu.memory_space<vmem>>, vector<16xi32>,
        %shift_right_logical3A_235 = arith.constant 7 : i32
        %shift_right_logical3A_236 = vector.broadcast %shift_right_logical3A_235 : i32 to vector<16xi32>
        %shift_right_logical3A_237 = arith.shrui %get3A_234, %shift_right_logical3A_236 : vector<16xi32>
        %and3A_238 = arith.constant 127 : i32
        %and3A_239 = vector.broadcast %and3A_238 : i32 to vector<16xi32>
        %and3A_240 = arith.andi %get3A_234, %and3A_239 : vector<16xi32>
        tpu.vector_store_idx %arg9[%shift_right_logical3A_237, %and3A_240], %broadcast_in_dim3A_10 {add = true} : memref<80x128xf32, #tpu.memory_space<vmem>>[vector<16xi32>, vector<16xi32>], vector<16xf32>,
        %get3A_241 = arith.constant 288 : index
        %get3A_242 = tpu.vector_load %arg7[%get3A_241] {strides = array<i32>} : memref<400xi32, #tpu.memory_space<vmem>>, vector<16xi32>,
        %shift_right_logical3A_243 = arith.constant 7 : i32
        %shift_right_logical3A_244 = vector.broadcast %shift_right_logical3A_243 : i32 to vector<16xi32>
        %shift_right_logical3A_245 = arith.shrui %get3A_242, %shift_right_logical3A_244 : vector<16xi32>
        %and3A_246 = arith.constant 127 : i32
        %and3A_247 = vector.broadcast %and3A_246 : i32 to vector<16xi32>
        %and3A_248 = arith.andi %get3A_242, %and3A_247 : vector<16xi32>
        tpu.vector_store_idx %arg9[%shift_right_logical3A_245, %and3A_248], %broadcast_in_dim3A_10 {add = true} : memref<80x128xf32, #tpu.memory_space<vmem>>[vector<16xi32>, vector<16xi32>], vector<16xf32>,
        %get3A_249 = arith.constant 304 : index
        %get3A_250 = tpu.vector_load %arg7[%get3A_249] {strides = array<i32>} : memref<400xi32, #tpu.memory_space<vmem>>, vector<16xi32>,
        %shift_right_logical3A_251 = arith.constant 7 : i32
        %shift_right_logical3A_252 = vector.broadcast %shift_right_logical3A_251 : i32 to vector<16xi32>
        %shift_right_logical3A_253 = arith.shrui %get3A_250, %shift_right_logical3A_252 : vector<16xi32>
        %and3A_254 = arith.constant 127 : i32
        %and3A_255 = vector.broadcast %and3A_254 : i32 to vector<16xi32>
        %and3A_256 = arith.andi %get3A_250, %and3A_255 : vector<16xi32>
        tpu.vector_store_idx %arg9[%shift_right_logical3A_253, %and3A_256], %broadcast_in_dim3A_10 {add = true} : memref<80x128xf32, #tpu.memory_space<vmem>>[vector<16xi32>, vector<16xi32>], vector<16xf32>,
        %get3A_257 = arith.constant 320 : index
        %get3A_258 = tpu.vector_load %arg7[%get3A_257] {strides = array<i32>} : memref<400xi32, #tpu.memory_space<vmem>>, vector<16xi32>,
        %shift_right_logical3A_259 = arith.constant 7 : i32
        %shift_right_logical3A_260 = vector.broadcast %shift_right_logical3A_259 : i32 to vector<16xi32>
        %shift_right_logical3A_261 = arith.shrui %get3A_258, %shift_right_logical3A_260 : vector<16xi32>
        %and3A_262 = arith.constant 127 : i32
        %and3A_263 = vector.broadcast %and3A_262 : i32 to vector<16xi32>
        %and3A_264 = arith.andi %get3A_258, %and3A_263 : vector<16xi32>
        tpu.vector_store_idx %arg9[%shift_right_logical3A_261, %and3A_264], %broadcast_in_dim3A_10 {add = true} : memref<80x128xf32, #tpu.memory_space<vmem>>[vector<16xi32>, vector<16xi32>], vector<16xf32>,
        %get3A_265 = arith.constant 336 : index
        %get3A_266 = tpu.vector_load %arg7[%get3A_265] {strides = array<i32>} : memref<400xi32, #tpu.memory_space<vmem>>, vector<16xi32>,
        %shift_right_logical3A_267 = arith.constant 7 : i32
        %shift_right_logical3A_268 = vector.broadcast %shift_right_logical3A_267 : i32 to vector<16xi32>
        %shift_right_logical3A_269 = arith.shrui %get3A_266, %shift_right_logical3A_268 : vector<16xi32>
        %and3A_270 = arith.constant 127 : i32
        %and3A_271 = vector.broadcast %and3A_270 : i32 to vector<16xi32>
        %and3A_272 = arith.andi %get3A_266, %and3A_271 : vector<16xi32>
        tpu.vector_store_idx %arg9[%shift_right_logical3A_269, %and3A_272], %broadcast_in_dim3A_10 {add = true} : memref<80x128xf32, #tpu.memory_space<vmem>>[vector<16xi32>, vector<16xi32>], vector<16xf32>,
        %get3A_273 = arith.constant 352 : index
        %get3A_274 = tpu.vector_load %arg7[%get3A_273] {strides = array<i32>} : memref<400xi32, #tpu.memory_space<vmem>>, vector<16xi32>,
        %shift_right_logical3A_275 = arith.constant 7 : i32
        %shift_right_logical3A_276 = vector.broadcast %shift_right_logical3A_275 : i32 to vector<16xi32>
        %shift_right_logical3A_277 = arith.shrui %get3A_274, %shift_right_logical3A_276 : vector<16xi32>
        %and3A_278 = arith.constant 127 : i32
        %and3A_279 = vector.broadcast %and3A_278 : i32 to vector<16xi32>
        %and3A_280 = arith.andi %get3A_274, %and3A_279 : vector<16xi32>
        tpu.vector_store_idx %arg9[%shift_right_logical3A_277, %and3A_280], %broadcast_in_dim3A_10 {add = true} : memref<80x128xf32, #tpu.memory_space<vmem>>[vector<16xi32>, vector<16xi32>], vector<16xf32>,
        %get3A_281 = arith.constant 368 : index
        %get3A_282 = tpu.vector_load %arg7[%get3A_281] {strides = array<i32>} : memref<400xi32, #tpu.memory_space<vmem>>, vector<16xi32>,
        %shift_right_logical3A_283 = arith.constant 7 : i32
        %shift_right_logical3A_284 = vector.broadcast %shift_right_logical3A_283 : i32 to vector<16xi32>
        %shift_right_logical3A_285 = arith.shrui %get3A_282, %shift_right_logical3A_284 : vector<16xi32>
        %and3A_286 = arith.constant 127 : i32
        %and3A_287 = vector.broadcast %and3A_286 : i32 to vector<16xi32>
        %and3A_288 = arith.andi %get3A_282, %and3A_287 : vector<16xi32>
        tpu.vector_store_idx %arg9[%shift_right_logical3A_285, %and3A_288], %broadcast_in_dim3A_10 {add = true} : memref<80x128xf32, #tpu.memory_space<vmem>>[vector<16xi32>, vector<16xi32>], vector<16xf32>,
        %get3A_289 = arith.constant 384 : index
        %get3A_290 = tpu.vector_load %arg7[%get3A_289] {strides = array<i32>} : memref<400xi32, #tpu.memory_space<vmem>>, vector<16xi32>,
        %shift_right_logical3A_291 = arith.constant 7 : i32
        %shift_right_logical3A_292 = vector.broadcast %shift_right_logical3A_291 : i32 to vector<16xi32>
        %shift_right_logical3A_293 = arith.shrui %get3A_290, %shift_right_logical3A_292 : vector<16xi32>
        %and3A_294 = arith.constant 127 : i32
        %and3A_295 = vector.broadcast %and3A_294 : i32 to vector<16xi32>
        %and3A_296 = arith.andi %get3A_290, %and3A_295 : vector<16xi32>
        tpu.vector_store_idx %arg9[%shift_right_logical3A_293, %and3A_296], %broadcast_in_dim3A_10 {add = true} : memref<80x128xf32, #tpu.memory_space<vmem>>[vector<16xi32>, vector<16xi32>], vector<16xf32>,
      } else {
      }
    }
    %scan3A_16 = arith.constant 7 : i32
    %dma_start3A = arith.constant 0 : i32
    %dma_start3A_17 = arith.constant 0 : i32
    %dma_start3A_18 = tpu.memref_slice %arg11[%dma_start3A, %dma_start3A_17] : memref<80x128xf32, #tpu.memory_space<vmem_shared>> -> memref<80x128xf32, #tpu.memory_space<vmem_shared>>
    tpu.enqueue_indirect_dma source(%arg9 : memref<80x128xf32, #tpu.memory_space<vmem>>) target(%dma_start3A_18 : memref<80x128xf32, #tpu.memory_space<vmem_shared>>) offsets(%arg10 : memref<80xi32, #tpu.memory_space<vmem>>) semaphore(%arg16 : memref<!tpu.dma_semaphore, #tpu.memory_space<semaphore_mem>>) {add = true}
    %dma_wait3A = arith.constant 0 : i32
    %dma_wait3A_19 = arith.constant 0 : i32
    %dma_wait3A_20 = tpu.memref_slice %arg11[%dma_wait3A, %dma_wait3A_19] : memref<80x128xf32, #tpu.memory_space<vmem_shared>> -> memref<80x128xf32, #tpu.memory_space<vmem_shared>>
    tpu.wait_indirect_dma semaphore(%arg16 : memref<!tpu.dma_semaphore, #tpu.memory_space<semaphore_mem>>) src(%arg9 : memref<80x128xf32, #tpu.memory_space<vmem>>) dst(%dma_wait3A_20 : memref<80x128xf32, #tpu.memory_space<vmem_shared>>)
    %barrier3A_21 = arith.constant 0 : index
    tpu.barrier barrier_id(%barrier3A_21)
    %lt3A = arith.constant 10 : i32
    %lt3A_22 = arith.cmpi slt, %arg1, %lt3A : i32
    %convert_element_type3A_23 = arith.extui %lt3A_22 : i1 to i32
    %cond3A_24 = arith.constant 0 : i32
    %cond3A_25 = arith.cmpi ne, %convert_element_type3A_23, %cond3A_24 : i32
    scf.if %cond3A_25 {
      %mul3A_26 = arith.constant 8 : i32
      %mul3A_27 = arith.muli %arg1, %mul3A_26 : i32
      %mul3A_28 = arith.constant 80 : i32
      %mul3A_29 = arith.muli %arg0, %mul3A_28 : i32
      %mul3A_30 = arith.constant 8 : i32
      %mul3A_31 = arith.muli %arg1, %mul3A_30 : i32
      %add3A_32 = arith.addi %mul3A_29, %mul3A_31 : i32
      "tpu.region"() ({
        %run_scoped3A = tpu.sem_alloc : memref<!tpu.dma_semaphore, #tpu.memory_space<semaphore_mem>>
        %dma_start3A_33 = arith.constant 0 : i32
        %dma_start3A_34 = tpu.memref_slice %arg4[%add3A_32, %dma_start3A_33] : memref<160x128xf32, #tpu.memory_space<hbm>> -> memref<8x128xf32, #tpu.memory_space<hbm>>
        %dma_start3A_35 = arith.constant 0 : i32
        %dma_start3A_36 = tpu.memref_slice %arg11[%mul3A_27, %dma_start3A_35] : memref<80x128xf32, #tpu.memory_space<vmem_shared>> -> memref<8x128xf32, #tpu.memory_space<vmem_shared>>
        tpu.enqueue_dma source(%dma_start3A_36 : memref<8x128xf32, #tpu.memory_space<vmem_shared>>) target(%dma_start3A_34 : memref<8x128xf32, #tpu.memory_space<hbm>>) target_semaphore(%run_scoped3A : memref<!tpu.dma_semaphore, #tpu.memory_space<semaphore_mem>>)
        %dma_wait3A_37 = arith.constant 0 : i32
        %dma_wait3A_38 = tpu.memref_slice %arg4[%add3A_32, %dma_wait3A_37] : memref<160x128xf32, #tpu.memory_space<hbm>> -> memref<8x128xf32, #tpu.memory_space<hbm>>
        %dma_wait3A_39 = arith.constant 0 : i32
        %dma_wait3A_40 = tpu.memref_slice %arg11[%mul3A_27, %dma_wait3A_39] : memref<80x128xf32, #tpu.memory_space<vmem_shared>> -> memref<8x128xf32, #tpu.memory_space<vmem_shared>>
        tpu.wait_dma2 semaphore(%run_scoped3A : memref<!tpu.dma_semaphore, #tpu.memory_space<semaphore_mem>>) src(%dma_wait3A_40 : memref<8x128xf32, #tpu.memory_space<vmem_shared>>) dst(%dma_wait3A_38 : memref<8x128xf32, #tpu.memory_space<hbm>>)
        tpu.yield
      }) : () -> ()
    } else {
    }
    return
  }
}

#map = affine_map<(d0, d1) -> (0, 0)>
module attributes {stable_mosaic.version = 14 : i64} {
  func.func @seg(%arg0: i32, %arg1: i32, %arg2: memref<2x320000xi32, #tpu.memory_space<hbm>>, %arg3: memref<10000x128xf32, #tpu.memory_space<hbm>>, %arg4: memref<625x128xf32, #tpu.memory_space<hbm>>, %arg5: memref<20000x128xf32, #tpu.memory_space<hbm>>, %arg6: memref<80xi32, #tpu.memory_space<vmem>>, %arg7: memref<80xi32, #tpu.memory_space<vmem>>, %arg8: memref<80xi32, #tpu.memory_space<vmem>>, %arg9: memref<80xi32, #tpu.memory_space<vmem>>, %arg10: memref<80xi32, #tpu.memory_space<vmem>>, %arg11: memref<80xi32, #tpu.memory_space<vmem>>, %arg12: memref<80xi32, #tpu.memory_space<vmem>>, %arg13: memref<80xi32, #tpu.memory_space<vmem>>, %arg14: memref<80x128xf32, #tpu.memory_space<vmem>>, %arg15: memref<80x128xf32, #tpu.memory_space<vmem>>, %arg16: memref<80x128xf32, #tpu.memory_space<vmem>>, %arg17: memref<80x128xf32, #tpu.memory_space<vmem>>, %arg18: memref<10000x128xf32, #tpu.memory_space<vmem_shared>>, %arg19: memref<!tpu.dma_semaphore, #tpu.memory_space<semaphore_mem>>, %arg20: memref<!tpu.dma_semaphore, #tpu.memory_space<semaphore_mem>>, %arg21: memref<!tpu.dma_semaphore, #tpu.memory_space<semaphore_mem>>, %arg22: memref<!tpu.dma_semaphore, #tpu.memory_space<semaphore_mem>>, %arg23: memref<!tpu.dma_semaphore, #tpu.memory_space<semaphore_mem>>, %arg24: memref<!tpu.dma_semaphore, #tpu.memory_space<semaphore_mem>>, %arg25: memref<!tpu.dma_semaphore, #tpu.memory_space<semaphore_mem>>, %arg26: memref<!tpu.dma_semaphore, #tpu.memory_space<semaphore_mem>>, %arg27: memref<!tpu.dma_semaphore, #tpu.memory_space<semaphore_mem>>, %arg28: memref<!tpu.dma_semaphore, #tpu.memory_space<semaphore_mem>>, %arg29: memref<!tpu.dma_semaphore, #tpu.memory_space<semaphore_mem>>, %arg30: memref<!tpu.dma_semaphore, #tpu.memory_space<semaphore_mem>>) attributes {dimension_semantics = [#tpu.dimension_semantics<core_parallel>, #tpu.dimension_semantics<subcore_parallel>], iteration_bounds = array<i64: 2, 16>, scalar_prefetch = 0 : i64, scratch_operands = 25 : i64, tpu.core_type = #tpu.core_type<sc_vector_subcore>, window_params = [{transform_indices = #map}, {transform_indices = #map}, {transform_indices = #map}, {transform_indices = #map}]} {
    %mul3A = arith.constant 16 : i32
    %mul3A_0 = arith.muli %arg0, %mul3A : i32
    %add3A = arith.addi %mul3A_0, %arg1 : i32
    %mul3A_1 = arith.constant 10000 : i32
    %mul3A_2 = arith.muli %add3A, %mul3A_1 : i32
    %mul3A_3 = arith.constant 625 : i32
    %mul3A_4 = arith.muli %arg1, %mul3A_3 : i32
    "tpu.region"() ({
      %run_scoped3A = tpu.sem_alloc : memref<!tpu.dma_semaphore, #tpu.memory_space<semaphore_mem>>
      %dma_start3A = arith.constant 0 : i32
      %dma_start3A_19 = tpu.memref_slice %arg18[%mul3A_4, %dma_start3A] : memref<10000x128xf32, #tpu.memory_space<vmem_shared>> -> memref<625x128xf32, #tpu.memory_space<vmem_shared>>
      tpu.enqueue_dma source(%arg4 : memref<625x128xf32, #tpu.memory_space<hbm>>) target(%dma_start3A_19 : memref<625x128xf32, #tpu.memory_space<vmem_shared>>) target_semaphore(%run_scoped3A : memref<!tpu.dma_semaphore, #tpu.memory_space<semaphore_mem>>)
      %dma_wait3A_20 = arith.constant 0 : i32
      %dma_wait3A_21 = tpu.memref_slice %arg18[%mul3A_4, %dma_wait3A_20] : memref<10000x128xf32, #tpu.memory_space<vmem_shared>> -> memref<625x128xf32, #tpu.memory_space<vmem_shared>>
      tpu.wait_dma2 semaphore(%run_scoped3A : memref<!tpu.dma_semaphore, #tpu.memory_space<semaphore_mem>>) src(%arg4 : memref<625x128xf32, #tpu.memory_space<hbm>>) dst(%dma_wait3A_21 : memref<625x128xf32, #tpu.memory_space<vmem_shared>>)
      tpu.yield
    }) : () -> ()
    %barrier3A = arith.constant 0 : index
    tpu.barrier barrier_id(%barrier3A)
    %scan3A = arith.constant 0 : i32
    %scan3A_5 = arith.constant 0 : i32
    %scan3A_6 = arith.constant 32 : i32
    %scan3A_7 = arith.addi %scan3A_5, %scan3A_6 : i32
    %scan3A_8 = arith.constant 1 : i32
    scf.for %scan3A_19 = %scan3A_5 to %scan3A_7 step %scan3A_8  : i32 {
      %mul3A_20 = arith.constant 4 : i32
      %mul3A_21 = arith.muli %scan3A_19, %mul3A_20 : i32
      %add3A_22 = arith.constant 0 : i32
      %add3A_23 = arith.addi %mul3A_21, %add3A_22 : i32
      %ge3A = arith.constant 4 : i32
      %ge3A_24 = arith.cmpi sge, %add3A_23, %ge3A : i32
      %convert_element_type3A_25 = arith.extui %ge3A_24 : i1 to i32
      %cond3A_26 = arith.constant 0 : i32
      %cond3A_27 = arith.cmpi ne, %convert_element_type3A_25, %cond3A_26 : i32
      scf.if %cond3A_27 {
        %dma_wait3A_125 = arith.constant 0 : i32
        %dma_wait3A_126 = arith.constant 0 : i32
        %dma_wait3A_127 = tpu.memref_slice %arg18[%dma_wait3A_125, %dma_wait3A_126] : memref<10000x128xf32, #tpu.memory_space<vmem_shared>> -> memref<10000x128xf32, #tpu.memory_space<vmem_shared>>
        tpu.wait_indirect_dma semaphore(%arg27 : memref<!tpu.dma_semaphore, #tpu.memory_space<semaphore_mem>>) src(%arg14 : memref<80x128xf32, #tpu.memory_space<vmem>>) dst(%dma_wait3A_127 : memref<10000x128xf32, #tpu.memory_space<vmem_shared>>)
      } else {
      }
      %lt3A_28 = arith.constant 125 : i32
      %lt3A_29 = arith.cmpi slt, %add3A_23, %lt3A_28 : i32
      %convert_element_type3A_30 = arith.extui %lt3A_29 : i1 to i32
      %cond3A_31 = arith.constant 0 : i32
      %cond3A_32 = arith.cmpi ne, %convert_element_type3A_30, %cond3A_31 : i32
      scf.if %cond3A_32 {
        %mul3A_125 = arith.constant 80 : i32
        %mul3A_126 = arith.muli %add3A_23, %mul3A_125 : i32
        %add3A_127 = arith.addi %mul3A_2, %mul3A_126 : i32
        %dma_start3A = arith.constant 1 : i32
        %dma_start3A_128 = tpu.memref_slice %arg2[%dma_start3A, %add3A_127] : memref<2x320000xi32, #tpu.memory_space<hbm>> -> memref<1x80xi32, #tpu.memory_space<hbm>>
        %dma_start3A_129 = tpu.memref_squeeze %dma_start3A_128 : memref<1x80xi32, #tpu.memory_space<hbm>> -> memref<80xi32, #tpu.memory_space<hbm>>
        %dma_start3A_130 = tpu.memref_slice %arg2[%dma_start3A, %add3A_127] : memref<2x320000xi32, #tpu.memory_space<hbm>> -> memref<1x80xi32, #tpu.memory_space<hbm>>
        %dma_start3A_131 = tpu.memref_squeeze %dma_start3A_130 : memref<1x80xi32, #tpu.memory_space<hbm>> -> memref<80xi32, #tpu.memory_space<hbm>>
        tpu.enqueue_dma source(%dma_start3A_131 : memref<80xi32, #tpu.memory_space<hbm>>) target(%arg10 : memref<80xi32, #tpu.memory_space<vmem>>) target_semaphore(%arg19 : memref<!tpu.dma_semaphore, #tpu.memory_space<semaphore_mem>>)
        %dma_start3A_132 = arith.constant 0 : i32
        %dma_start3A_133 = tpu.memref_slice %arg2[%dma_start3A_132, %add3A_127] : memref<2x320000xi32, #tpu.memory_space<hbm>> -> memref<1x80xi32, #tpu.memory_space<hbm>>
        %dma_start3A_134 = tpu.memref_squeeze %dma_start3A_133 : memref<1x80xi32, #tpu.memory_space<hbm>> -> memref<80xi32, #tpu.memory_space<hbm>>
        %dma_start3A_135 = tpu.memref_slice %arg2[%dma_start3A_132, %add3A_127] : memref<2x320000xi32, #tpu.memory_space<hbm>> -> memref<1x80xi32, #tpu.memory_space<hbm>>
        %dma_start3A_136 = tpu.memref_squeeze %dma_start3A_135 : memref<1x80xi32, #tpu.memory_space<hbm>> -> memref<80xi32, #tpu.memory_space<hbm>>
        tpu.enqueue_dma source(%dma_start3A_136 : memref<80xi32, #tpu.memory_space<hbm>>) target(%arg6 : memref<80xi32, #tpu.memory_space<vmem>>) target_semaphore(%arg19 : memref<!tpu.dma_semaphore, #tpu.memory_space<semaphore_mem>>)
      } else {
      }
      %ge3A_33 = arith.constant 1 : i32
      %ge3A_34 = arith.cmpi sge, %add3A_23, %ge3A_33 : i32
      %le3A = arith.constant 125 : i32
      %le3A_35 = arith.cmpi sle, %add3A_23, %le3A : i32
      %and3A = arith.andi %ge3A_34, %le3A_35 : i1
      %convert_element_type3A_36 = arith.extui %and3A : i1 to i32
      %cond3A_37 = arith.constant 0 : i32
      %cond3A_38 = arith.cmpi ne, %convert_element_type3A_36, %cond3A_37 : i32
      scf.if %cond3A_38 {
        %dma_wait3A_125 = arith.constant 1 : i32
        %dma_wait3A_126 = arith.constant 0 : i32
        %dma_wait3A_127 = tpu.memref_slice %arg2[%dma_wait3A_125, %dma_wait3A_126] : memref<2x320000xi32, #tpu.memory_space<hbm>> -> memref<1x80xi32, #tpu.memory_space<hbm>>
        %dma_wait3A_128 = tpu.memref_squeeze %dma_wait3A_127 : memref<1x80xi32, #tpu.memory_space<hbm>> -> memref<80xi32, #tpu.memory_space<hbm>>
        %dma_wait3A_129 = arith.constant 0 : i32
        %dma_wait3A_130 = tpu.memref_slice %arg2[%dma_wait3A_125, %dma_wait3A_129] : memref<2x320000xi32, #tpu.memory_space<hbm>> -> memref<1x80xi32, #tpu.memory_space<hbm>>
        %dma_wait3A_131 = tpu.memref_squeeze %dma_wait3A_130 : memref<1x80xi32, #tpu.memory_space<hbm>> -> memref<80xi32, #tpu.memory_space<hbm>>
        tpu.wait_dma2 semaphore(%arg22 : memref<!tpu.dma_semaphore, #tpu.memory_space<semaphore_mem>>) src(%dma_wait3A_131 : memref<80xi32, #tpu.memory_space<hbm>>) dst(%arg13 : memref<80xi32, #tpu.memory_space<vmem>>)
        %dma_wait3A_132 = arith.constant 0 : i32
        %dma_wait3A_133 = arith.constant 0 : i32
        %dma_wait3A_134 = tpu.memref_slice %arg2[%dma_wait3A_132, %dma_wait3A_133] : memref<2x320000xi32, #tpu.memory_space<hbm>> -> memref<1x80xi32, #tpu.memory_space<hbm>>
        %dma_wait3A_135 = tpu.memref_squeeze %dma_wait3A_134 : memref<1x80xi32, #tpu.memory_space<hbm>> -> memref<80xi32, #tpu.memory_space<hbm>>
        %dma_wait3A_136 = arith.constant 0 : i32
        %dma_wait3A_137 = tpu.memref_slice %arg2[%dma_wait3A_132, %dma_wait3A_136] : memref<2x320000xi32, #tpu.memory_space<hbm>> -> memref<1x80xi32, #tpu.memory_space<hbm>>
        %dma_wait3A_138 = tpu.memref_squeeze %dma_wait3A_137 : memref<1x80xi32, #tpu.memory_space<hbm>> -> memref<80xi32, #tpu.memory_space<hbm>>
        tpu.wait_dma2 semaphore(%arg22 : memref<!tpu.dma_semaphore, #tpu.memory_space<semaphore_mem>>) src(%dma_wait3A_138 : memref<80xi32, #tpu.memory_space<hbm>>) dst(%arg9 : memref<80xi32, #tpu.memory_space<vmem>>)
        %dma_start3A = arith.constant 0 : i32
        %dma_start3A_139 = arith.constant 0 : i32
        %dma_start3A_140 = tpu.memref_slice %arg3[%dma_start3A, %dma_start3A_139] : memref<10000x128xf32, #tpu.memory_space<hbm>> -> memref<10000x128xf32, #tpu.memory_space<hbm>>
        tpu.enqueue_indirect_dma source(%dma_start3A_140 : memref<10000x128xf32, #tpu.memory_space<hbm>>) target(%arg17 : memref<80x128xf32, #tpu.memory_space<vmem>>) offsets(%arg9 : memref<80xi32, #tpu.memory_space<vmem>>) semaphore(%arg26 : memref<!tpu.dma_semaphore, #tpu.memory_space<semaphore_mem>>)
      } else {
      }
      %ge3A_39 = arith.constant 3 : i32
      %ge3A_40 = arith.cmpi sge, %add3A_23, %ge3A_39 : i32
      %convert_element_type3A_41 = arith.extui %ge3A_40 : i1 to i32
      %cond3A_42 = arith.constant 0 : i32
      %cond3A_43 = arith.cmpi ne, %convert_element_type3A_41, %cond3A_42 : i32
      scf.if %cond3A_43 {
        %dma_wait3A_125 = arith.constant 0 : i32
        %dma_wait3A_126 = arith.constant 0 : i32
        %dma_wait3A_127 = tpu.memref_slice %arg3[%dma_wait3A_125, %dma_wait3A_126] : memref<10000x128xf32, #tpu.memory_space<hbm>> -> memref<10000x128xf32, #tpu.memory_space<hbm>>
        tpu.wait_indirect_dma semaphore(%arg24 : memref<!tpu.dma_semaphore, #tpu.memory_space<semaphore_mem>>) src(%dma_wait3A_127 : memref<10000x128xf32, #tpu.memory_space<hbm>>) dst(%arg15 : memref<80x128xf32, #tpu.memory_space<vmem>>)
        %dma_start3A = arith.constant 0 : i32
        %dma_start3A_128 = arith.constant 0 : i32
        %dma_start3A_129 = tpu.memref_slice %arg18[%dma_start3A, %dma_start3A_128] : memref<10000x128xf32, #tpu.memory_space<vmem_shared>> -> memref<10000x128xf32, #tpu.memory_space<vmem_shared>>
        tpu.enqueue_indirect_dma source(%arg15 : memref<80x128xf32, #tpu.memory_space<vmem>>) target(%dma_start3A_129 : memref<10000x128xf32, #tpu.memory_space<vmem_shared>>) offsets(%arg11 : memref<80xi32, #tpu.memory_space<vmem>>) semaphore(%arg28 : memref<!tpu.dma_semaphore, #tpu.memory_space<semaphore_mem>>) {add = true}
      } else {
      }
      %mul3A_44 = arith.constant 4 : i32
      %mul3A_45 = arith.muli %scan3A_19, %mul3A_44 : i32
      %add3A_46 = arith.constant 1 : i32
      %add3A_47 = arith.addi %mul3A_45, %add3A_46 : i32
      %ge3A_48 = arith.constant 4 : i32
      %ge3A_49 = arith.cmpi sge, %add3A_47, %ge3A_48 : i32
      %convert_element_type3A_50 = arith.extui %ge3A_49 : i1 to i32
      %cond3A_51 = arith.constant 0 : i32
      %cond3A_52 = arith.cmpi ne, %convert_element_type3A_50, %cond3A_51 : i32
      scf.if %cond3A_52 {
        %dma_wait3A_125 = arith.constant 0 : i32
        %dma_wait3A_126 = arith.constant 0 : i32
        %dma_wait3A_127 = tpu.memref_slice %arg18[%dma_wait3A_125, %dma_wait3A_126] : memref<10000x128xf32, #tpu.memory_space<vmem_shared>> -> memref<10000x128xf32, #tpu.memory_space<vmem_shared>>
        tpu.wait_indirect_dma semaphore(%arg28 : memref<!tpu.dma_semaphore, #tpu.memory_space<semaphore_mem>>) src(%arg15 : memref<80x128xf32, #tpu.memory_space<vmem>>) dst(%dma_wait3A_127 : memref<10000x128xf32, #tpu.memory_space<vmem_shared>>)
      } else {
      }
      %lt3A_53 = arith.constant 125 : i32
      %lt3A_54 = arith.cmpi slt, %add3A_47, %lt3A_53 : i32
      %convert_element_type3A_55 = arith.extui %lt3A_54 : i1 to i32
      %cond3A_56 = arith.constant 0 : i32
      %cond3A_57 = arith.cmpi ne, %convert_element_type3A_55, %cond3A_56 : i32
      scf.if %cond3A_57 {
        %mul3A_125 = arith.constant 80 : i32
        %mul3A_126 = arith.muli %add3A_47, %mul3A_125 : i32
        %add3A_127 = arith.addi %mul3A_2, %mul3A_126 : i32
        %dma_start3A = arith.constant 1 : i32
        %dma_start3A_128 = tpu.memref_slice %arg2[%dma_start3A, %add3A_127] : memref<2x320000xi32, #tpu.memory_space<hbm>> -> memref<1x80xi32, #tpu.memory_space<hbm>>
        %dma_start3A_129 = tpu.memref_squeeze %dma_start3A_128 : memref<1x80xi32, #tpu.memory_space<hbm>> -> memref<80xi32, #tpu.memory_space<hbm>>
        %dma_start3A_130 = tpu.memref_slice %arg2[%dma_start3A, %add3A_127] : memref<2x320000xi32, #tpu.memory_space<hbm>> -> memref<1x80xi32, #tpu.memory_space<hbm>>
        %dma_start3A_131 = tpu.memref_squeeze %dma_start3A_130 : memref<1x80xi32, #tpu.memory_space<hbm>> -> memref<80xi32, #tpu.memory_space<hbm>>
        tpu.enqueue_dma source(%dma_start3A_131 : memref<80xi32, #tpu.memory_space<hbm>>) target(%arg11 : memref<80xi32, #tpu.memory_space<vmem>>) target_semaphore(%arg20 : memref<!tpu.dma_semaphore, #tpu.memory_space<semaphore_mem>>)
        %dma_start3A_132 = arith.constant 0 : i32
        %dma_start3A_133 = tpu.memref_slice %arg2[%dma_start3A_132, %add3A_127] : memref<2x320000xi32, #tpu.memory_space<hbm>> -> memref<1x80xi32, #tpu.memory_space<hbm>>
        %dma_start3A_134 = tpu.memref_squeeze %dma_start3A_133 : memref<1x80xi32, #tpu.memory_space<hbm>> -> memref<80xi32, #tpu.memory_space<hbm>>
        %dma_start3A_135 = tpu.memref_slice %arg2[%dma_start3A_132, %add3A_127] : memref<2x320000xi32, #tpu.memory_space<hbm>> -> memref<1x80xi32, #tpu.memory_space<hbm>>
        %dma_start3A_136 = tpu.memref_squeeze %dma_start3A_135 : memref<1x80xi32, #tpu.memory_space<hbm>> -> memref<80xi32, #tpu.memory_space<hbm>>
        tpu.enqueue_dma source(%dma_start3A_136 : memref<80xi32, #tpu.memory_space<hbm>>) target(%arg7 : memref<80xi32, #tpu.memory_space<vmem>>) target_semaphore(%arg20 : memref<!tpu.dma_semaphore, #tpu.memory_space<semaphore_mem>>)
      } else {
      }
      %ge3A_58 = arith.constant 1 : i32
      %ge3A_59 = arith.cmpi sge, %add3A_47, %ge3A_58 : i32
      %le3A_60 = arith.constant 125 : i32
      %le3A_61 = arith.cmpi sle, %add3A_47, %le3A_60 : i32
      %and3A_62 = arith.andi %ge3A_59, %le3A_61 : i1
      %convert_element_type3A_63 = arith.extui %and3A_62 : i1 to i32
      %cond3A_64 = arith.constant 0 : i32
      %cond3A_65 = arith.cmpi ne, %convert_element_type3A_63, %cond3A_64 : i32
      scf.if %cond3A_65 {
        %dma_wait3A_125 = arith.constant 1 : i32
        %dma_wait3A_126 = arith.constant 0 : i32
        %dma_wait3A_127 = tpu.memref_slice %arg2[%dma_wait3A_125, %dma_wait3A_126] : memref<2x320000xi32, #tpu.memory_space<hbm>> -> memref<1x80xi32, #tpu.memory_space<hbm>>
        %dma_wait3A_128 = tpu.memref_squeeze %dma_wait3A_127 : memref<1x80xi32, #tpu.memory_space<hbm>> -> memref<80xi32, #tpu.memory_space<hbm>>
        %dma_wait3A_129 = arith.constant 0 : i32
        %dma_wait3A_130 = tpu.memref_slice %arg2[%dma_wait3A_125, %dma_wait3A_129] : memref<2x320000xi32, #tpu.memory_space<hbm>> -> memref<1x80xi32, #tpu.memory_space<hbm>>
        %dma_wait3A_131 = tpu.memref_squeeze %dma_wait3A_130 : memref<1x80xi32, #tpu.memory_space<hbm>> -> memref<80xi32, #tpu.memory_space<hbm>>
        tpu.wait_dma2 semaphore(%arg19 : memref<!tpu.dma_semaphore, #tpu.memory_space<semaphore_mem>>) src(%dma_wait3A_131 : memref<80xi32, #tpu.memory_space<hbm>>) dst(%arg10 : memref<80xi32, #tpu.memory_space<vmem>>)
        %dma_wait3A_132 = arith.constant 0 : i32
        %dma_wait3A_133 = arith.constant 0 : i32
        %dma_wait3A_134 = tpu.memref_slice %arg2[%dma_wait3A_132, %dma_wait3A_133] : memref<2x320000xi32, #tpu.memory_space<hbm>> -> memref<1x80xi32, #tpu.memory_space<hbm>>
        %dma_wait3A_135 = tpu.memref_squeeze %dma_wait3A_134 : memref<1x80xi32, #tpu.memory_space<hbm>> -> memref<80xi32, #tpu.memory_space<hbm>>
        %dma_wait3A_136 = arith.constant 0 : i32
        %dma_wait3A_137 = tpu.memref_slice %arg2[%dma_wait3A_132, %dma_wait3A_136] : memref<2x320000xi32, #tpu.memory_space<hbm>> -> memref<1x80xi32, #tpu.memory_space<hbm>>
        %dma_wait3A_138 = tpu.memref_squeeze %dma_wait3A_137 : memref<1x80xi32, #tpu.memory_space<hbm>> -> memref<80xi32, #tpu.memory_space<hbm>>
        tpu.wait_dma2 semaphore(%arg19 : memref<!tpu.dma_semaphore, #tpu.memory_space<semaphore_mem>>) src(%dma_wait3A_138 : memref<80xi32, #tpu.memory_space<hbm>>) dst(%arg6 : memref<80xi32, #tpu.memory_space<vmem>>)
        %dma_start3A = arith.constant 0 : i32
        %dma_start3A_139 = arith.constant 0 : i32
        %dma_start3A_140 = tpu.memref_slice %arg3[%dma_start3A, %dma_start3A_139] : memref<10000x128xf32, #tpu.memory_space<hbm>> -> memref<10000x128xf32, #tpu.memory_space<hbm>>
        tpu.enqueue_indirect_dma source(%dma_start3A_140 : memref<10000x128xf32, #tpu.memory_space<hbm>>) target(%arg14 : memref<80x128xf32, #tpu.memory_space<vmem>>) offsets(%arg6 : memref<80xi32, #tpu.memory_space<vmem>>) semaphore(%arg23 : memref<!tpu.dma_semaphore, #tpu.memory_space<semaphore_mem>>)
      } else {
      }
      %ge3A_66 = arith.constant 3 : i32
      %ge3A_67 = arith.cmpi sge, %add3A_47, %ge3A_66 : i32
      %convert_element_type3A_68 = arith.extui %ge3A_67 : i1 to i32
      %cond3A_69 = arith.constant 0 : i32
      %cond3A_70 = arith.cmpi ne, %convert_element_type3A_68, %cond3A_69 : i32
      scf.if %cond3A_70 {
        %dma_wait3A_125 = arith.constant 0 : i32
        %dma_wait3A_126 = arith.constant 0 : i32
        %dma_wait3A_127 = tpu.memref_slice %arg3[%dma_wait3A_125, %dma_wait3A_126] : memref<10000x128xf32, #tpu.memory_space<hbm>> -> memref<10000x128xf32, #tpu.memory_space<hbm>>
        tpu.wait_indirect_dma semaphore(%arg25 : memref<!tpu.dma_semaphore, #tpu.memory_space<semaphore_mem>>) src(%dma_wait3A_127 : memref<10000x128xf32, #tpu.memory_space<hbm>>) dst(%arg16 : memref<80x128xf32, #tpu.memory_space<vmem>>)
        %dma_start3A = arith.constant 0 : i32
        %dma_start3A_128 = arith.constant 0 : i32
        %dma_start3A_129 = tpu.memref_slice %arg18[%dma_start3A, %dma_start3A_128] : memref<10000x128xf32, #tpu.memory_space<vmem_shared>> -> memref<10000x128xf32, #tpu.memory_space<vmem_shared>>
        tpu.enqueue_indirect_dma source(%arg16 : memref<80x128xf32, #tpu.memory_space<vmem>>) target(%dma_start3A_129 : memref<10000x128xf32, #tpu.memory_space<vmem_shared>>) offsets(%arg12 : memref<80xi32, #tpu.memory_space<vmem>>) semaphore(%arg29 : memref<!tpu.dma_semaphore, #tpu.memory_space<semaphore_mem>>) {add = true}
      } else {
      }
      %mul3A_71 = arith.constant 4 : i32
      %mul3A_72 = arith.muli %scan3A_19, %mul3A_71 : i32
      %add3A_73 = arith.constant 2 : i32
      %add3A_74 = arith.addi %mul3A_72, %add3A_73 : i32
      %ge3A_75 = arith.constant 4 : i32
      %ge3A_76 = arith.cmpi sge, %add3A_74, %ge3A_75 : i32
      %convert_element_type3A_77 = arith.extui %ge3A_76 : i1 to i32
      %cond3A_78 = arith.constant 0 : i32
      %cond3A_79 = arith.cmpi ne, %convert_element_type3A_77, %cond3A_78 : i32
      scf.if %cond3A_79 {
        %dma_wait3A_125 = arith.constant 0 : i32
        %dma_wait3A_126 = arith.constant 0 : i32
        %dma_wait3A_127 = tpu.memref_slice %arg18[%dma_wait3A_125, %dma_wait3A_126] : memref<10000x128xf32, #tpu.memory_space<vmem_shared>> -> memref<10000x128xf32, #tpu.memory_space<vmem_shared>>
        tpu.wait_indirect_dma semaphore(%arg29 : memref<!tpu.dma_semaphore, #tpu.memory_space<semaphore_mem>>) src(%arg16 : memref<80x128xf32, #tpu.memory_space<vmem>>) dst(%dma_wait3A_127 : memref<10000x128xf32, #tpu.memory_space<vmem_shared>>)
      } else {
      }
      %lt3A_80 = arith.constant 125 : i32
      %lt3A_81 = arith.cmpi slt, %add3A_74, %lt3A_80 : i32
      %convert_element_type3A_82 = arith.extui %lt3A_81 : i1 to i32
      %cond3A_83 = arith.constant 0 : i32
      %cond3A_84 = arith.cmpi ne, %convert_element_type3A_82, %cond3A_83 : i32
      scf.if %cond3A_84 {
        %mul3A_125 = arith.constant 80 : i32
        %mul3A_126 = arith.muli %add3A_74, %mul3A_125 : i32
        %add3A_127 = arith.addi %mul3A_2, %mul3A_126 : i32
        %dma_start3A = arith.constant 1 : i32
        %dma_start3A_128 = tpu.memref_slice %arg2[%dma_start3A, %add3A_127] : memref<2x320000xi32, #tpu.memory_space<hbm>> -> memref<1x80xi32, #tpu.memory_space<hbm>>
        %dma_start3A_129 = tpu.memref_squeeze %dma_start3A_128 : memref<1x80xi32, #tpu.memory_space<hbm>> -> memref<80xi32, #tpu.memory_space<hbm>>
        %dma_start3A_130 = tpu.memref_slice %arg2[%dma_start3A, %add3A_127] : memref<2x320000xi32, #tpu.memory_space<hbm>> -> memref<1x80xi32, #tpu.memory_space<hbm>>
        %dma_start3A_131 = tpu.memref_squeeze %dma_start3A_130 : memref<1x80xi32, #tpu.memory_space<hbm>> -> memref<80xi32, #tpu.memory_space<hbm>>
        tpu.enqueue_dma source(%dma_start3A_131 : memref<80xi32, #tpu.memory_space<hbm>>) target(%arg12 : memref<80xi32, #tpu.memory_space<vmem>>) target_semaphore(%arg21 : memref<!tpu.dma_semaphore, #tpu.memory_space<semaphore_mem>>)
        %dma_start3A_132 = arith.constant 0 : i32
        %dma_start3A_133 = tpu.memref_slice %arg2[%dma_start3A_132, %add3A_127] : memref<2x320000xi32, #tpu.memory_space<hbm>> -> memref<1x80xi32, #tpu.memory_space<hbm>>
        %dma_start3A_134 = tpu.memref_squeeze %dma_start3A_133 : memref<1x80xi32, #tpu.memory_space<hbm>> -> memref<80xi32, #tpu.memory_space<hbm>>
        %dma_start3A_135 = tpu.memref_slice %arg2[%dma_start3A_132, %add3A_127] : memref<2x320000xi32, #tpu.memory_space<hbm>> -> memref<1x80xi32, #tpu.memory_space<hbm>>
        %dma_start3A_136 = tpu.memref_squeeze %dma_start3A_135 : memref<1x80xi32, #tpu.memory_space<hbm>> -> memref<80xi32, #tpu.memory_space<hbm>>
        tpu.enqueue_dma source(%dma_start3A_136 : memref<80xi32, #tpu.memory_space<hbm>>) target(%arg8 : memref<80xi32, #tpu.memory_space<vmem>>) target_semaphore(%arg21 : memref<!tpu.dma_semaphore, #tpu.memory_space<semaphore_mem>>)
      } else {
      }
      %ge3A_85 = arith.constant 1 : i32
      %ge3A_86 = arith.cmpi sge, %add3A_74, %ge3A_85 : i32
      %le3A_87 = arith.constant 125 : i32
      %le3A_88 = arith.cmpi sle, %add3A_74, %le3A_87 : i32
      %and3A_89 = arith.andi %ge3A_86, %le3A_88 : i1
      %convert_element_type3A_90 = arith.extui %and3A_89 : i1 to i32
      %cond3A_91 = arith.constant 0 : i32
      %cond3A_92 = arith.cmpi ne, %convert_element_type3A_90, %cond3A_91 : i32
      scf.if %cond3A_92 {
        %dma_wait3A_125 = arith.constant 1 : i32
        %dma_wait3A_126 = arith.constant 0 : i32
        %dma_wait3A_127 = tpu.memref_slice %arg2[%dma_wait3A_125, %dma_wait3A_126] : memref<2x320000xi32, #tpu.memory_space<hbm>> -> memref<1x80xi32, #tpu.memory_space<hbm>>
        %dma_wait3A_128 = tpu.memref_squeeze %dma_wait3A_127 : memref<1x80xi32, #tpu.memory_space<hbm>> -> memref<80xi32, #tpu.memory_space<hbm>>
        %dma_wait3A_129 = arith.constant 0 : i32
        %dma_wait3A_130 = tpu.memref_slice %arg2[%dma_wait3A_125, %dma_wait3A_129] : memref<2x320000xi32, #tpu.memory_space<hbm>> -> memref<1x80xi32, #tpu.memory_space<hbm>>
        %dma_wait3A_131 = tpu.memref_squeeze %dma_wait3A_130 : memref<1x80xi32, #tpu.memory_space<hbm>> -> memref<80xi32, #tpu.memory_space<hbm>>
        tpu.wait_dma2 semaphore(%arg20 : memref<!tpu.dma_semaphore, #tpu.memory_space<semaphore_mem>>) src(%dma_wait3A_131 : memref<80xi32, #tpu.memory_space<hbm>>) dst(%arg11 : memref<80xi32, #tpu.memory_space<vmem>>)
        %dma_wait3A_132 = arith.constant 0 : i32
        %dma_wait3A_133 = arith.constant 0 : i32
        %dma_wait3A_134 = tpu.memref_slice %arg2[%dma_wait3A_132, %dma_wait3A_133] : memref<2x320000xi32, #tpu.memory_space<hbm>> -> memref<1x80xi32, #tpu.memory_space<hbm>>
        %dma_wait3A_135 = tpu.memref_squeeze %dma_wait3A_134 : memref<1x80xi32, #tpu.memory_space<hbm>> -> memref<80xi32, #tpu.memory_space<hbm>>
        %dma_wait3A_136 = arith.constant 0 : i32
        %dma_wait3A_137 = tpu.memref_slice %arg2[%dma_wait3A_132, %dma_wait3A_136] : memref<2x320000xi32, #tpu.memory_space<hbm>> -> memref<1x80xi32, #tpu.memory_space<hbm>>
        %dma_wait3A_138 = tpu.memref_squeeze %dma_wait3A_137 : memref<1x80xi32, #tpu.memory_space<hbm>> -> memref<80xi32, #tpu.memory_space<hbm>>
        tpu.wait_dma2 semaphore(%arg20 : memref<!tpu.dma_semaphore, #tpu.memory_space<semaphore_mem>>) src(%dma_wait3A_138 : memref<80xi32, #tpu.memory_space<hbm>>) dst(%arg7 : memref<80xi32, #tpu.memory_space<vmem>>)
        %dma_start3A = arith.constant 0 : i32
        %dma_start3A_139 = arith.constant 0 : i32
        %dma_start3A_140 = tpu.memref_slice %arg3[%dma_start3A, %dma_start3A_139] : memref<10000x128xf32, #tpu.memory_space<hbm>> -> memref<10000x128xf32, #tpu.memory_space<hbm>>
        tpu.enqueue_indirect_dma source(%dma_start3A_140 : memref<10000x128xf32, #tpu.memory_space<hbm>>) target(%arg15 : memref<80x128xf32, #tpu.memory_space<vmem>>) offsets(%arg7 : memref<80xi32, #tpu.memory_space<vmem>>) semaphore(%arg24 : memref<!tpu.dma_semaphore, #tpu.memory_space<semaphore_mem>>)
      } else {
      }
      %ge3A_93 = arith.constant 3 : i32
      %ge3A_94 = arith.cmpi sge, %add3A_74, %ge3A_93 : i32
      %convert_element_type3A_95 = arith.extui %ge3A_94 : i1 to i32
      %cond3A_96 = arith.constant 0 : i32
      %cond3A_97 = arith.cmpi ne, %convert_element_type3A_95, %cond3A_96 : i32
      scf.if %cond3A_97 {
        %dma_wait3A_125 = arith.constant 0 : i32
        %dma_wait3A_126 = arith.constant 0 : i32
        %dma_wait3A_127 = tpu.memref_slice %arg3[%dma_wait3A_125, %dma_wait3A_126] : memref<10000x128xf32, #tpu.memory_space<hbm>> -> memref<10000x128xf32, #tpu.memory_space<hbm>>
        tpu.wait_indirect_dma semaphore(%arg26 : memref<!tpu.dma_semaphore, #tpu.memory_space<semaphore_mem>>) src(%dma_wait3A_127 : memref<10000x128xf32, #tpu.memory_space<hbm>>) dst(%arg17 : memref<80x128xf32, #tpu.memory_space<vmem>>)
        %dma_start3A = arith.constant 0 : i32
        %dma_start3A_128 = arith.constant 0 : i32
        %dma_start3A_129 = tpu.memref_slice %arg18[%dma_start3A, %dma_start3A_128] : memref<10000x128xf32, #tpu.memory_space<vmem_shared>> -> memref<10000x128xf32, #tpu.memory_space<vmem_shared>>
        tpu.enqueue_indirect_dma source(%arg17 : memref<80x128xf32, #tpu.memory_space<vmem>>) target(%dma_start3A_129 : memref<10000x128xf32, #tpu.memory_space<vmem_shared>>) offsets(%arg13 : memref<80xi32, #tpu.memory_space<vmem>>) semaphore(%arg30 : memref<!tpu.dma_semaphore, #tpu.memory_space<semaphore_mem>>) {add = true}
      } else {
      }
      %mul3A_98 = arith.constant 4 : i32
      %mul3A_99 = arith.muli %scan3A_19, %mul3A_98 : i32
      %add3A_100 = arith.constant 3 : i32
      %add3A_101 = arith.addi %mul3A_99, %add3A_100 : i32
      %ge3A_102 = arith.constant 4 : i32
      %ge3A_103 = arith.cmpi sge, %add3A_101, %ge3A_102 : i32
      %convert_element_type3A_104 = arith.extui %ge3A_103 : i1 to i32
      %cond3A_105 = arith.constant 0 : i32
      %cond3A_106 = arith.cmpi ne, %convert_element_type3A_104, %cond3A_105 : i32
      scf.if %cond3A_106 {
        %dma_wait3A_125 = arith.constant 0 : i32
        %dma_wait3A_126 = arith.constant 0 : i32
        %dma_wait3A_127 = tpu.memref_slice %arg18[%dma_wait3A_125, %dma_wait3A_126] : memref<10000x128xf32, #tpu.memory_space<vmem_shared>> -> memref<10000x128xf32, #tpu.memory_space<vmem_shared>>
        tpu.wait_indirect_dma semaphore(%arg30 : memref<!tpu.dma_semaphore, #tpu.memory_space<semaphore_mem>>) src(%arg17 : memref<80x128xf32, #tpu.memory_space<vmem>>) dst(%dma_wait3A_127 : memref<10000x128xf32, #tpu.memory_space<vmem_shared>>)
      } else {
      }
      %lt3A_107 = arith.constant 125 : i32
      %lt3A_108 = arith.cmpi slt, %add3A_101, %lt3A_107 : i32
      %convert_element_type3A_109 = arith.extui %lt3A_108 : i1 to i32
      %cond3A_110 = arith.constant 0 : i32
      %cond3A_111 = arith.cmpi ne, %convert_element_type3A_109, %cond3A_110 : i32
      scf.if %cond3A_111 {
        %mul3A_125 = arith.constant 80 : i32
        %mul3A_126 = arith.muli %add3A_101, %mul3A_125 : i32
        %add3A_127 = arith.addi %mul3A_2, %mul3A_126 : i32
        %dma_start3A = arith.constant 1 : i32
        %dma_start3A_128 = tpu.memref_slice %arg2[%dma_start3A, %add3A_127] : memref<2x320000xi32, #tpu.memory_space<hbm>> -> memref<1x80xi32, #tpu.memory_space<hbm>>
        %dma_start3A_129 = tpu.memref_squeeze %dma_start3A_128 : memref<1x80xi32, #tpu.memory_space<hbm>> -> memref<80xi32, #tpu.memory_space<hbm>>
        %dma_start3A_130 = tpu.memref_slice %arg2[%dma_start3A, %add3A_127] : memref<2x320000xi32, #tpu.memory_space<hbm>> -> memref<1x80xi32, #tpu.memory_space<hbm>>
        %dma_start3A_131 = tpu.memref_squeeze %dma_start3A_130 : memref<1x80xi32, #tpu.memory_space<hbm>> -> memref<80xi32, #tpu.memory_space<hbm>>
        tpu.enqueue_dma source(%dma_start3A_131 : memref<80xi32, #tpu.memory_space<hbm>>) target(%arg13 : memref<80xi32, #tpu.memory_space<vmem>>) target_semaphore(%arg22 : memref<!tpu.dma_semaphore, #tpu.memory_space<semaphore_mem>>)
        %dma_start3A_132 = arith.constant 0 : i32
        %dma_start3A_133 = tpu.memref_slice %arg2[%dma_start3A_132, %add3A_127] : memref<2x320000xi32, #tpu.memory_space<hbm>> -> memref<1x80xi32, #tpu.memory_space<hbm>>
        %dma_start3A_134 = tpu.memref_squeeze %dma_start3A_133 : memref<1x80xi32, #tpu.memory_space<hbm>> -> memref<80xi32, #tpu.memory_space<hbm>>
        %dma_start3A_135 = tpu.memref_slice %arg2[%dma_start3A_132, %add3A_127] : memref<2x320000xi32, #tpu.memory_space<hbm>> -> memref<1x80xi32, #tpu.memory_space<hbm>>
        %dma_start3A_136 = tpu.memref_squeeze %dma_start3A_135 : memref<1x80xi32, #tpu.memory_space<hbm>> -> memref<80xi32, #tpu.memory_space<hbm>>
        tpu.enqueue_dma source(%dma_start3A_136 : memref<80xi32, #tpu.memory_space<hbm>>) target(%arg9 : memref<80xi32, #tpu.memory_space<vmem>>) target_semaphore(%arg22 : memref<!tpu.dma_semaphore, #tpu.memory_space<semaphore_mem>>)
      } else {
      }
      %ge3A_112 = arith.constant 1 : i32
      %ge3A_113 = arith.cmpi sge, %add3A_101, %ge3A_112 : i32
      %le3A_114 = arith.constant 125 : i32
      %le3A_115 = arith.cmpi sle, %add3A_101, %le3A_114 : i32
      %and3A_116 = arith.andi %ge3A_113, %le3A_115 : i1
      %convert_element_type3A_117 = arith.extui %and3A_116 : i1 to i32
      %cond3A_118 = arith.constant 0 : i32
      %cond3A_119 = arith.cmpi ne, %convert_element_type3A_117, %cond3A_118 : i32
      scf.if %cond3A_119 {
        %dma_wait3A_125 = arith.constant 1 : i32
        %dma_wait3A_126 = arith.constant 0 : i32
        %dma_wait3A_127 = tpu.memref_slice %arg2[%dma_wait3A_125, %dma_wait3A_126] : memref<2x320000xi32, #tpu.memory_space<hbm>> -> memref<1x80xi32, #tpu.memory_space<hbm>>
        %dma_wait3A_128 = tpu.memref_squeeze %dma_wait3A_127 : memref<1x80xi32, #tpu.memory_space<hbm>> -> memref<80xi32, #tpu.memory_space<hbm>>
        %dma_wait3A_129 = arith.constant 0 : i32
        %dma_wait3A_130 = tpu.memref_slice %arg2[%dma_wait3A_125, %dma_wait3A_129] : memref<2x320000xi32, #tpu.memory_space<hbm>> -> memref<1x80xi32, #tpu.memory_space<hbm>>
        %dma_wait3A_131 = tpu.memref_squeeze %dma_wait3A_130 : memref<1x80xi32, #tpu.memory_space<hbm>> -> memref<80xi32, #tpu.memory_space<hbm>>
        tpu.wait_dma2 semaphore(%arg21 : memref<!tpu.dma_semaphore, #tpu.memory_space<semaphore_mem>>) src(%dma_wait3A_131 : memref<80xi32, #tpu.memory_space<hbm>>) dst(%arg12 : memref<80xi32, #tpu.memory_space<vmem>>)
        %dma_wait3A_132 = arith.constant 0 : i32
        %dma_wait3A_133 = arith.constant 0 : i32
        %dma_wait3A_134 = tpu.memref_slice %arg2[%dma_wait3A_132, %dma_wait3A_133] : memref<2x320000xi32, #tpu.memory_space<hbm>> -> memref<1x80xi32, #tpu.memory_space<hbm>>
        %dma_wait3A_135 = tpu.memref_squeeze %dma_wait3A_134 : memref<1x80xi32, #tpu.memory_space<hbm>> -> memref<80xi32, #tpu.memory_space<hbm>>
        %dma_wait3A_136 = arith.constant 0 : i32
        %dma_wait3A_137 = tpu.memref_slice %arg2[%dma_wait3A_132, %dma_wait3A_136] : memref<2x320000xi32, #tpu.memory_space<hbm>> -> memref<1x80xi32, #tpu.memory_space<hbm>>
        %dma_wait3A_138 = tpu.memref_squeeze %dma_wait3A_137 : memref<1x80xi32, #tpu.memory_space<hbm>> -> memref<80xi32, #tpu.memory_space<hbm>>
        tpu.wait_dma2 semaphore(%arg21 : memref<!tpu.dma_semaphore, #tpu.memory_space<semaphore_mem>>) src(%dma_wait3A_138 : memref<80xi32, #tpu.memory_space<hbm>>) dst(%arg8 : memref<80xi32, #tpu.memory_space<vmem>>)
        %dma_start3A = arith.constant 0 : i32
        %dma_start3A_139 = arith.constant 0 : i32
        %dma_start3A_140 = tpu.memref_slice %arg3[%dma_start3A, %dma_start3A_139] : memref<10000x128xf32, #tpu.memory_space<hbm>> -> memref<10000x128xf32, #tpu.memory_space<hbm>>
        tpu.enqueue_indirect_dma source(%dma_start3A_140 : memref<10000x128xf32, #tpu.memory_space<hbm>>) target(%arg16 : memref<80x128xf32, #tpu.memory_space<vmem>>) offsets(%arg8 : memref<80xi32, #tpu.memory_space<vmem>>) semaphore(%arg25 : memref<!tpu.dma_semaphore, #tpu.memory_space<semaphore_mem>>)
      } else {
      }
      %ge3A_120 = arith.constant 3 : i32
      %ge3A_121 = arith.cmpi sge, %add3A_101, %ge3A_120 : i32
      %convert_element_type3A_122 = arith.extui %ge3A_121 : i1 to i32
      %cond3A_123 = arith.constant 0 : i32
      %cond3A_124 = arith.cmpi ne, %convert_element_type3A_122, %cond3A_123 : i32
      scf.if %cond3A_124 {
        %dma_wait3A_125 = arith.constant 0 : i32
        %dma_wait3A_126 = arith.constant 0 : i32
        %dma_wait3A_127 = tpu.memref_slice %arg3[%dma_wait3A_125, %dma_wait3A_126] : memref<10000x128xf32, #tpu.memory_space<hbm>> -> memref<10000x128xf32, #tpu.memory_space<hbm>>
        tpu.wait_indirect_dma semaphore(%arg23 : memref<!tpu.dma_semaphore, #tpu.memory_space<semaphore_mem>>) src(%dma_wait3A_127 : memref<10000x128xf32, #tpu.memory_space<hbm>>) dst(%arg14 : memref<80x128xf32, #tpu.memory_space<vmem>>)
        %dma_start3A = arith.constant 0 : i32
        %dma_start3A_128 = arith.constant 0 : i32
        %dma_start3A_129 = tpu.memref_slice %arg18[%dma_start3A, %dma_start3A_128] : memref<10000x128xf32, #tpu.memory_space<vmem_shared>> -> memref<10000x128xf32, #tpu.memory_space<vmem_shared>>
        tpu.enqueue_indirect_dma source(%arg14 : memref<80x128xf32, #tpu.memory_space<vmem>>) target(%dma_start3A_129 : memref<10000x128xf32, #tpu.memory_space<vmem_shared>>) offsets(%arg10 : memref<80xi32, #tpu.memory_space<vmem>>) semaphore(%arg27 : memref<!tpu.dma_semaphore, #tpu.memory_space<semaphore_mem>>) {add = true}
      } else {
      }
    }
    %scan3A_9 = arith.constant 32 : i32
    %dma_wait3A = arith.constant 0 : i32
    %dma_wait3A_10 = arith.constant 0 : i32
    %dma_wait3A_11 = tpu.memref_slice %arg18[%dma_wait3A, %dma_wait3A_10] : memref<10000x128xf32, #tpu.memory_space<vmem_shared>> -> memref<10000x128xf32, #tpu.memory_space<vmem_shared>>
    tpu.wait_indirect_dma semaphore(%arg27 : memref<!tpu.dma_semaphore, #tpu.memory_space<semaphore_mem>>) src(%arg14 : memref<80x128xf32, #tpu.memory_space<vmem>>) dst(%dma_wait3A_11 : memref<10000x128xf32, #tpu.memory_space<vmem_shared>>)
    %barrier3A_12 = arith.constant 0 : index
    tpu.barrier barrier_id(%barrier3A_12)
    %lt3A = arith.constant 15 : i32
    %lt3A_13 = arith.cmpi slt, %arg1, %lt3A : i32
    %convert_element_type3A = arith.extui %lt3A_13 : i1 to i32
    %cond3A = arith.constant 0 : i32
    %cond3A_14 = arith.cmpi ne, %convert_element_type3A, %cond3A : i32
    scf.if %cond3A_14 {
      %mul3A_19 = arith.constant 632 : i32
      %mul3A_20 = arith.muli %arg1, %mul3A_19 : i32
      %mul3A_21 = arith.constant 10000 : i32
      %mul3A_22 = arith.muli %arg0, %mul3A_21 : i32
      %mul3A_23 = arith.constant 632 : i32
      %mul3A_24 = arith.muli %arg1, %mul3A_23 : i32
      %add3A_25 = arith.addi %mul3A_22, %mul3A_24 : i32
      "tpu.region"() ({
        %run_scoped3A = tpu.sem_alloc : memref<!tpu.dma_semaphore, #tpu.memory_space<semaphore_mem>>
        %dma_start3A = arith.constant 0 : i32
        %dma_start3A_26 = tpu.memref_slice %arg5[%add3A_25, %dma_start3A] : memref<20000x128xf32, #tpu.memory_space<hbm>> -> memref<632x128xf32, #tpu.memory_space<hbm>>
        %dma_start3A_27 = arith.constant 0 : i32
        %dma_start3A_28 = tpu.memref_slice %arg18[%mul3A_20, %dma_start3A_27] : memref<10000x128xf32, #tpu.memory_space<vmem_shared>> -> memref<632x128xf32, #tpu.memory_space<vmem_shared>>
        tpu.enqueue_dma source(%dma_start3A_28 : memref<632x128xf32, #tpu.memory_space<vmem_shared>>) target(%dma_start3A_26 : memref<632x128xf32, #tpu.memory_space<hbm>>) target_semaphore(%run_scoped3A : memref<!tpu.dma_semaphore, #tpu.memory_space<semaphore_mem>>)
        %dma_wait3A_29 = arith.constant 0 : i32
        %dma_wait3A_30 = tpu.memref_slice %arg5[%add3A_25, %dma_wait3A_29] : memref<20000x128xf32, #tpu.memory_space<hbm>> -> memref<632x128xf32, #tpu.memory_space<hbm>>
        %dma_wait3A_31 = arith.constant 0 : i32
        %dma_wait3A_32 = tpu.memref_slice %arg18[%mul3A_20, %dma_wait3A_31] : memref<10000x128xf32, #tpu.memory_space<vmem_shared>> -> memref<632x128xf32, #tpu.memory_space<vmem_shared>>
        tpu.wait_dma2 semaphore(%run_scoped3A : memref<!tpu.dma_semaphore, #tpu.memory_space<semaphore_mem>>) src(%dma_wait3A_32 : memref<632x128xf32, #tpu.memory_space<vmem_shared>>) dst(%dma_wait3A_30 : memref<632x128xf32, #tpu.memory_space<hbm>>)
        tpu.yield
      }) : () -> ()
    } else {
    }
    %eq3A = arith.constant 15 : i32
    %eq3A_15 = arith.cmpi eq, %arg1, %eq3A : i32
    %convert_element_type3A_16 = arith.extui %eq3A_15 : i1 to i32
    %cond3A_17 = arith.constant 0 : i32
    %cond3A_18 = arith.cmpi ne, %convert_element_type3A_16, %cond3A_17 : i32
    scf.if %cond3A_18 {
      %mul3A_19 = arith.constant 10000 : i32
      %mul3A_20 = arith.muli %arg0, %mul3A_19 : i32
      %add3A_21 = arith.constant 9480 : i32
      %add3A_22 = arith.addi %mul3A_20, %add3A_21 : i32
      "tpu.region"() ({
        %run_scoped3A = tpu.sem_alloc : memref<!tpu.dma_semaphore, #tpu.memory_space<semaphore_mem>>
        %dma_start3A = arith.constant 0 : i32
        %dma_start3A_23 = tpu.memref_slice %arg5[%add3A_22, %dma_start3A] : memref<20000x128xf32, #tpu.memory_space<hbm>> -> memref<520x128xf32, #tpu.memory_space<hbm>>
        %dma_start3A_24 = arith.constant 9480 : i32
        %dma_start3A_25 = arith.constant 0 : i32
        %dma_start3A_26 = tpu.memref_slice %arg18[%dma_start3A_24, %dma_start3A_25] : memref<10000x128xf32, #tpu.memory_space<vmem_shared>> -> memref<520x128xf32, #tpu.memory_space<vmem_shared>>
        tpu.enqueue_dma source(%dma_start3A_26 : memref<520x128xf32, #tpu.memory_space<vmem_shared>>) target(%dma_start3A_23 : memref<520x128xf32, #tpu.memory_space<hbm>>) target_semaphore(%run_scoped3A : memref<!tpu.dma_semaphore, #tpu.memory_space<semaphore_mem>>)
        %dma_wait3A_27 = arith.constant 0 : i32
        %dma_wait3A_28 = tpu.memref_slice %arg5[%add3A_22, %dma_wait3A_27] : memref<20000x128xf32, #tpu.memory_space<hbm>> -> memref<520x128xf32, #tpu.memory_space<hbm>>
        %dma_wait3A_29 = arith.constant 9480 : i32
        %dma_wait3A_30 = arith.constant 0 : i32
        %dma_wait3A_31 = tpu.memref_slice %arg18[%dma_wait3A_29, %dma_wait3A_30] : memref<10000x128xf32, #tpu.memory_space<vmem_shared>> -> memref<520x128xf32, #tpu.memory_space<vmem_shared>>
        tpu.wait_dma2 semaphore(%run_scoped3A : memref<!tpu.dma_semaphore, #tpu.memory_space<semaphore_mem>>) src(%dma_wait3A_31 : memref<520x128xf32, #tpu.memory_space<vmem_shared>>) dst(%dma_wait3A_28 : memref<520x128xf32, #tpu.memory_space<hbm>>)
        tpu.yield
      }) : () -> ()
    } else {
    }
    return
  }
}

module attributes {stable_mosaic.version = 14 : i64} {
  func.func @_tc_b_kernel(%arg0: memref<10000x1xf32, #tpu.memory_space<vmem>>, %arg1: memref<10000x1xf32, #tpu.memory_space<vmem>>, %arg2: memref<10000x128xf32, #tpu.memory_space<vmem>>, %arg3: memref<128x128xf32, #tpu.memory_space<vmem>>, %arg4: memref<10000x128xf32, #tpu.memory_space<vmem>>, %arg5: memref<10000x1xf32, #tpu.memory_space<vmem>>) attributes {dimension_semantics = [], scalar_prefetch = 0 : i64, scratch_operands = 0 : i64, tpu.core_type = #tpu.core_type<tc>} {
    %get3A = arith.constant 0 : index
    %get3A_0 = arith.constant 0 : index
    %get3A_1 = vector.load %arg0[%get3A, %get3A_0] : memref<10000x1xf32, #tpu.memory_space<vmem>>, vector<10000x1xf32>
    %get3A_2 = arith.constant 0 : index
    %get3A_3 = arith.constant 0 : index
    %get3A_4 = vector.load %arg1[%get3A_2, %get3A_3] : memref<10000x1xf32, #tpu.memory_space<vmem>>, vector<10000x1xf32>
    %add3A = arith.addf %get3A_1, %get3A_4 : vector<10000x1xf32>
    %add3A_5 = arith.constant 1.000000e+00 : f32
    %add3A_6 = vector.broadcast %add3A_5 : f32 to vector<10000x1xf32>
    %add3A_7 = arith.addf %add3A, %add3A_6 : vector<10000x1xf32>
    %rsqrt3A = math.rsqrt %add3A_7 : vector<10000x1xf32>
    %get3A_8 = arith.constant 0 : index
    %get3A_9 = arith.constant 0 : index
    %get3A_10 = vector.load %arg2[%get3A_8, %get3A_9] : memref<10000x128xf32, #tpu.memory_space<vmem>>, vector<10000x128xf32>
    %get3A_11 = arith.constant 0 : index
    %get3A_12 = arith.constant 0 : index
    %get3A_13 = vector.load %arg3[%get3A_11, %get3A_12] : memref<128x128xf32, #tpu.memory_space<vmem>>, vector<128x128xf32>
    %dot_general3A = arith.constant dense<0.000000e+00> : vector<10000x128xf32>
    %dot_general3A_14 = tpu.matmul %get3A_10, %get3A_13, %dot_general3A {dimension_numbers = #tpu.dot_dimension_numbers<[1], [0], [0], [1], [0, 0, 1, 1], [], []>, transpose_lhs_hint = false} : vector<10000x128xf32>, vector<128x128xf32>, vector<10000x128xf32> -> vector<10000x128xf32>
    %mul3A = vector.broadcast %rsqrt3A : vector<10000x1xf32> to vector<10000x128xf32>
    %mul3A_15 = arith.mulf %dot_general3A_14, %mul3A : vector<10000x128xf32>
    %swap3A = arith.constant 0 : index
    %swap3A_16 = arith.constant 0 : index
    %swap3A_17 = vector.load %arg4[%swap3A, %swap3A_16] : memref<10000x128xf32, #tpu.memory_space<vmem>>, vector<10000x128xf32>
    tpu.vector_store %arg4[%swap3A, %swap3A_16], %mul3A_15 {strides = array<i32>} : memref<10000x128xf32, #tpu.memory_space<vmem>>, vector<10000x128xf32>,
    %swap3A_18 = arith.constant 0 : index
    %swap3A_19 = arith.constant 0 : index
    %swap3A_20 = vector.load %arg5[%swap3A_18, %swap3A_19] : memref<10000x1xf32, #tpu.memory_space<vmem>>, vector<10000x1xf32>
    tpu.vector_store %arg5[%swap3A_18, %swap3A_19], %rsqrt3A {strides = array<i32>} : memref<10000x1xf32, #tpu.memory_space<vmem>>, vector<10000x1xf32>,
    return
  }
}

module attributes {stable_mosaic.version = 14 : i64} {
  func.func @_tc_d_kernel(%arg0: memref<20000x128xf32, #tpu.memory_space<vmem>>, %arg1: memref<10000x128xf32, #tpu.memory_space<vmem>>, %arg2: memref<10000x1xf32, #tpu.memory_space<vmem>>, %arg3: memref<1x128xf32, #tpu.memory_space<vmem>>, %arg4: memref<128x48xf32, #tpu.memory_space<vmem>>, %arg5: memref<10000x48xf32, #tpu.memory_space<vmem>>) attributes {dimension_semantics = [], scalar_prefetch = 0 : i64, scratch_operands = 0 : i64, tpu.core_type = #tpu.core_type<tc>} {
    %get3A = arith.constant 0 : index
    %get3A_0 = arith.constant 0 : index
    %get3A_1 = vector.load %arg2[%get3A, %get3A_0] : memref<10000x1xf32, #tpu.memory_space<vmem>>, vector<10000x1xf32>
    %get3A_2 = arith.constant 0 : index
    %get3A_3 = arith.constant 0 : index
    %get3A_4 = vector.load %arg0[%get3A_2, %get3A_3] : memref<20000x128xf32, #tpu.memory_space<vmem>>, vector<10000x128xf32>
    %get3A_5 = arith.constant 10000 : index
    %get3A_6 = arith.constant 0 : index
    %get3A_7 = vector.load %arg0[%get3A_5, %get3A_6] : memref<20000x128xf32, #tpu.memory_space<vmem>>, vector<10000x128xf32>
    %add3A = arith.addf %get3A_4, %get3A_7 : vector<10000x128xf32>
    %get3A_8 = arith.constant 0 : index
    %get3A_9 = arith.constant 0 : index
    %get3A_10 = vector.load %arg1[%get3A_8, %get3A_9] : memref<10000x128xf32, #tpu.memory_space<vmem>>, vector<10000x128xf32>
    %add3A_11 = arith.addf %add3A, %get3A_10 : vector<10000x128xf32>
    %mul3A = vector.broadcast %get3A_1 : vector<10000x1xf32> to vector<10000x128xf32>
    %mul3A_12 = arith.mulf %mul3A, %add3A_11 : vector<10000x128xf32>
    %get3A_13 = arith.constant 0 : index
    %get3A_14 = arith.constant 0 : index
    %get3A_15 = vector.load %arg3[%get3A_13, %get3A_14] : memref<1x128xf32, #tpu.memory_space<vmem>>, vector<1x128xf32>
    %add3A_16 = vector.broadcast %get3A_15 : vector<1x128xf32> to vector<10000x128xf32>
    %add3A_17 = arith.addf %mul3A_12, %add3A_16 : vector<10000x128xf32>
    %max3A = arith.constant 0.000000e+00 : f32
    %max3A_18 = vector.broadcast %max3A : f32 to vector<10000x128xf32>
    %max3A_19 = arith.maximumf %add3A_17, %max3A_18 : vector<10000x128xf32>
    %get3A_20 = arith.constant 0 : index
    %get3A_21 = arith.constant 0 : index
    %get3A_22 = vector.load %arg4[%get3A_20, %get3A_21] : memref<128x48xf32, #tpu.memory_space<vmem>>, vector<128x48xf32>
    %dot_general3A = arith.constant dense<0.000000e+00> : vector<10000x48xf32>
    %dot_general3A_23 = tpu.matmul %max3A_19, %get3A_22, %dot_general3A {dimension_numbers = #tpu.dot_dimension_numbers<[1], [0], [0], [1], [0, 0, 1, 1], [], []>, transpose_lhs_hint = false} : vector<10000x128xf32>, vector<128x48xf32>, vector<10000x48xf32> -> vector<10000x48xf32>
    %mul3A_24 = vector.broadcast %get3A_1 : vector<10000x1xf32> to vector<10000x48xf32>
    %mul3A_25 = arith.mulf %dot_general3A_23, %mul3A_24 : vector<10000x48xf32>
    %swap3A = arith.constant 0 : index
    %swap3A_26 = arith.constant 0 : index
    %swap3A_27 = vector.load %arg5[%swap3A, %swap3A_26] : memref<10000x48xf32, #tpu.memory_space<vmem>>, vector<10000x48xf32>
    tpu.vector_store %arg5[%swap3A, %swap3A_26], %mul3A_25 {strides = array<i32>} : memref<10000x48xf32, #tpu.memory_space<vmem>>, vector<10000x48xf32>,
    return
  }
}

module attributes {stable_mosaic.version = 14 : i64} {
  func.func @_tc_f_kernel(%arg0: memref<20000x48xf32, #tpu.memory_space<vmem>>, %arg1: memref<10000x48xf32, #tpu.memory_space<vmem>>, %arg2: memref<10000x1xf32, #tpu.memory_space<vmem>>, %arg3: memref<1x48xf32, #tpu.memory_space<vmem>>, %arg4: memref<10000x40xf32, #tpu.memory_space<vmem>>) attributes {dimension_semantics = [], scalar_prefetch = 0 : i64, scratch_operands = 0 : i64, tpu.core_type = #tpu.core_type<tc>} {
    %get3A = arith.constant 0 : index
    %get3A_0 = arith.constant 0 : index
    %get3A_1 = vector.load %arg2[%get3A, %get3A_0] : memref<10000x1xf32, #tpu.memory_space<vmem>>, vector<10000x1xf32>
    %get3A_2 = arith.constant 0 : index
    %get3A_3 = arith.constant 0 : index
    %get3A_4 = vector.load %arg0[%get3A_2, %get3A_3] : memref<20000x48xf32, #tpu.memory_space<vmem>>, vector<10000x48xf32>
    %get3A_5 = arith.constant 10000 : index
    %get3A_6 = arith.constant 0 : index
    %get3A_7 = vector.load %arg0[%get3A_5, %get3A_6] : memref<20000x48xf32, #tpu.memory_space<vmem>>, vector<10000x48xf32>
    %add3A = arith.addf %get3A_4, %get3A_7 : vector<10000x48xf32>
    %get3A_8 = arith.constant 0 : index
    %get3A_9 = arith.constant 0 : index
    %get3A_10 = vector.load %arg1[%get3A_8, %get3A_9] : memref<10000x48xf32, #tpu.memory_space<vmem>>, vector<10000x48xf32>
    %add3A_11 = arith.addf %add3A, %get3A_10 : vector<10000x48xf32>
    %mul3A = vector.broadcast %get3A_1 : vector<10000x1xf32> to vector<10000x48xf32>
    %mul3A_12 = arith.mulf %mul3A, %add3A_11 : vector<10000x48xf32>
    %get3A_13 = arith.constant 0 : index
    %get3A_14 = arith.constant 0 : index
    %get3A_15 = vector.load %arg3[%get3A_13, %get3A_14] : memref<1x48xf32, #tpu.memory_space<vmem>>, vector<1x48xf32>
    %add3A_16 = vector.broadcast %get3A_15 : vector<1x48xf32> to vector<10000x48xf32>
    %add3A_17 = arith.addf %mul3A_12, %add3A_16 : vector<10000x48xf32>
    %iota3A = tpu.iota {dimensions = array<i32: 1>} : vector<10000x48xi32>
    %lt3A = arith.constant 40 : i32
    %lt3A_18 = vector.broadcast %lt3A : i32 to vector<10000x48xi32>
    %lt3A_19 = arith.cmpi slt, %iota3A, %lt3A_18 : vector<10000x48xi32>
    %jit3A = arith.constant -1.000000e+30 : f32
    %broadcast_in_dim3A = vector.broadcast %jit3A : f32 to vector<10000x48xf32>
    %select_n3A = arith.select %lt3A_19, %add3A_17, %broadcast_in_dim3A : vector<10000x48xi1>, vector<10000x48xf32>
    %reduce_max3A = arith.constant dense<0xFF800000> : vector<10000xf32>
    %reduce_max3A_20 = vector.multi_reduction <maximumf>, %select_n3A, %reduce_max3A [1] : vector<10000x48xf32> to vector<10000xf32>
    %broadcast_in_dim3A_21 = vector.shape_cast %reduce_max3A_20 : vector<10000xf32> to vector<10000x1xf32>
    %sub3A = vector.broadcast %broadcast_in_dim3A_21 : vector<10000x1xf32> to vector<10000x48xf32>
    %sub3A_22 = arith.subf %add3A_17, %sub3A : vector<10000x48xf32>
    %exp3A = math.exp %sub3A_22 : vector<10000x48xf32>
    %jit3A_23 = arith.constant 0.000000e+00 : f32
    %broadcast_in_dim3A_24 = vector.broadcast %jit3A_23 : f32 to vector<10000x48xf32>
    %select_n3A_25 = arith.select %lt3A_19, %exp3A, %broadcast_in_dim3A_24 : vector<10000x48xi1>, vector<10000x48xf32>
    %reduce_sum3A = arith.constant dense<0.000000e+00> : vector<10000xf32>
    %reduce_sum3A_26 = vector.multi_reduction <add>, %select_n3A_25, %reduce_sum3A [1] : vector<10000x48xf32> to vector<10000xf32>
    %broadcast_in_dim3A_27 = vector.shape_cast %reduce_sum3A_26 : vector<10000xf32> to vector<10000x1xf32>
    %sub3A_28 = vector.broadcast %broadcast_in_dim3A_21 : vector<10000x1xf32> to vector<10000x48xf32>
    %sub3A_29 = arith.subf %add3A_17, %sub3A_28 : vector<10000x48xf32>
    %log3A = math.log %broadcast_in_dim3A_27 : vector<10000x1xf32>
    %sub3A_30 = vector.broadcast %log3A : vector<10000x1xf32> to vector<10000x48xf32>
    %sub3A_31 = arith.subf %sub3A_29, %sub3A_30 : vector<10000x48xf32>
    %slice3A = vector.extract_strided_slice %sub3A_31 {offsets = [0, 0], sizes = [10000, 40], strides = [1, 1]} : vector<10000x48xf32> to vector<10000x40xf32>
    %swap3A = arith.constant 0 : index
    %swap3A_32 = arith.constant 0 : index
    %swap3A_33 = vector.load %arg4[%swap3A, %swap3A_32] : memref<10000x40xf32, #tpu.memory_space<vmem>>, vector<10000x40xf32>
    tpu.vector_store %arg4[%swap3A, %swap3A_32], %slice3A {strides = array<i32>} : memref<10000x40xf32, #tpu.memory_space<vmem>>, vector<10000x40xf32>,
    return
  }
}

</mosaic_0001>

<sc_bundles>
// kernel: kernel.11.cloned.1.call-start
scs
__scs_entry_jumppad:
0x0: {  	(pc) =	sbr.rel $0x88, $3  }
0x1: {  	(tag) =	ssettag $0x0;
	lr =	simm.s32 $0x1  }
0x2: {  	[smem:$0x3F9B] =	sst lr;
	_ =	strace $0xD0000000  }
0x3: {  	_ = 	snop  }
0x4: {  	_ = 	snop  }
0x5: {  	_ = 	snop  }
0x6: {  	_ = 	snop  }
0x7: {  	_ = 	snop  }
__scs_overlays_trampoline_lowered:
0x8: {  	[smem:$0x3FAA] =	sst s0  }
0x9: {  	[smem:$0x3FAB] =	sst s1  }
0xa: {  	[smem:$0x3FAC] =	sst s2  }
0xb: {  	[smem:$0x3FAD] =	sst s3  }
0xc: {  	[smem:$0x3FAE] =	sst s4  }
0xd: {  	[smem:$0x3FAF] =	sst s5  }
0xe: {  	[smem:$0x3FB0] =	sst s6  }
0xf: {  	[smem:$0x3FB1] =	sst s7  }
0x10: {  	[smem:$0x3FB2] =	sst s8  }
0x11: {  	[smem:$0x3FB3] =	sst s9;
	s0 =	simm.s32 @!p0 $0x0  }
0x12: {  	s1 =	sld [smem:$0x3F99];
	s0 =	simm.s32 @p0 $0x1  }
0x13: {  	[smem:$0x3FB4] =	sst s0;
	s0 =	simm.s32 @!p1 $0x0  }
0x14: {  	s2 =	sld [smem:$0x3F98];
	s0 =	simm.s32 @p1 $0x1  }
0x15: {  	[smem:$0x3FB5] =	sst s0;
	s0 =	simm.s32 @!p2 $0x0  }
0x16: {  	s3 =	sld [smem:$0x3FDB];
	s0 =	simm.s32 @p2 $0x1  }
0x17: {  	s4 =	simm.s32 $0x1BF5;
	[smem:$0x3FB7] =	sst s0  }
0x18: {  	s0 =	sld [smem:$0x3F9A];
	_ =	swait.ge [sflag:s4], $0x0  }
0x19: {  	s7 =	sld [smem:$0x3F9B]  }
0x1a: {  	s8 =	sadd.s32 $0xFFFFE003, lr  }
0x1b: {  	s9 =	sadd.s32 $0xFFFFFEF7, lr;
	s5 =	simm.s32 $0xFFFFFFFF;
	p2 =	slt.u32 s8, $0xFFFFF086  }
0x1c: {  	p1 =	slt.u32 s9, $0xF7A;
	s5 =	simm.s32 @!p2 $0x0  }
0x1d: {  	s5 =	simm.s32 @p1 $0x1;
	p0 =	seq.s32 s7, s2  }
0x1e: {  	s7 =	smul.u32 @!p0 $0xF7A, s2;
	p2 =	seq.s32 @!p0 s5, $0x0  }
0x1f: {  	s9 =	smul.u32 $0xF7A, s1;
	s8 =	simm.s32 @!p0 $0x1BF5;
	p2 =	por !p2, p0  }
0x20: {  	[sflag:s8] =	ssyncset.s32 @!p0 $0xFFFFF086;
	s6 =	sadd.s32 @!p0 s3, s7;
	s7 =	simm.s32 @!p0 $0x108  }
0x21: {  	s3 =	sadd.s32 s3, s9;
	s6 =	sadd.s32 @!p0 $0x88, s6;
	s7 =	simm.s32 @p2 $0x1082  }
0x22: {  	[simem:s7], [sflag:s8] =	dma.local @!p0 [hbm:s6], $0xF7A  }
0x23: {  	s9 =	sor.u32 $0xD0000000, s2;
	s6 =	simm.s32 $0x108;
	_ =	swait.ge @!p0 [sflag:s8], $0x0  }
0x24: {  	s3 =	sadd.s32 $0x88, s3;
	s6 =	simm.s32 @!p1 $0x1082;
	[sflag:s4] =	ssyncset.s32 $0xFFFFF086  }
0x25: {  	[simem:s6], [sflag:s4] =	dma.local [hbm:s3], $0xF7A  }
0x26: {  	[smem:$0x3F9B] =	sst s1;
	(tag) =	ssettag s2;
	_ =	strace s9  }
0x27: {  	s1 =	sld [smem:$0x3FAB]  }
0x28: {  	s2 =	sld [smem:$0x3FAC]  }
0x29: {  	s4 =	sld [smem:$0x3FAE]  }
0x2a: {  	p0 =	seq.s32 s5, $0x0;
	s5 =	sld [smem:$0x3FAF]  }
0x2b: {  	s6 =	sld [smem:$0x3FB0]  }
0x2c: {  	s7 =	sld [smem:$0x3FB1]  }
0x2d: {  	s3 =	simm.s32 $0x108;
	s8 =	sld [smem:$0x3FB2]  }
0x2e: {  	s3 =	simm.s32 @!p0 $0x1082;
	s9 =	sld [smem:$0x3FB3]  }
0x2f: {  	lr =	sadd.s32 s0, s3;
	s0 =	sld [smem:$0x3FAA]  }
0x30: {  	s3 =	sld [smem:$0x3FAD]  }
0x31: {  	[smem:$0x3FB6] =	sst s10  }
0x32: {  	s10 =	sld [smem:$0x3FB4];
	_ =	sdelay $0x3  }
0x33: {  	p0 =	seq.s32 s10, $0x1;
	s10 =	sld [smem:$0x3FB6];
	_ =	sdelay $0x3  }
0x34: {  	[smem:$0x3FB6] =	sst s10  }
0x35: {  	s10 =	sld [smem:$0x3FB5];
	_ =	sdelay $0x3  }
0x36: {  	p1 =	seq.s32 s10, $0x1;
	s10 =	sld [smem:$0x3FB6];
	_ =	sdelay $0x3  }
0x37: {  	[smem:$0x3FB6] =	sst s10  }
0x38: {  	s10 =	sld [smem:$0x3FB7]  }
0x39: {  	_ = 	snop;
	(pc) =	sbr.ind lr, $3  }
0x3a: {  	_ = 	snop  }
0x3b: {  	_ = 	snop  }
0x3c: {  	p2 =	seq.s32 s10, $0x1;
	s10 =	sld [smem:$0x3FB6]  }
0x3d: {  	_ =	shalt  }
0x3e: {  	_ =	shalt  }
0x3f: {  	_ =	shalt  }
0x40: {  	_ =	shalt  }
0x41: {  	_ =	shalt  }
0x42: {  	_ =	shalt  }
0x43: {  	_ =	shalt  }
0x44: {  	_ =	shalt  }
0x45: {  	_ =	shalt  }
0x46: {  	_ =	shalt  }
0x47: {  	_ =	shalt  }
0x48: {  	_ =	shalt  }
0x49: {  	_ =	shalt  }
0x4a: {  	_ =	shalt  }
0x4b: {  	_ =	shalt  }
0x4c: {  	_ =	shalt  }
0x4d: {  	_ =	shalt  }
0x4e: {  	_ =	shalt  }
0x4f: {  	_ =	shalt  }
0x50: {  	_ =	shalt  }
0x51: {  	_ =	shalt  }
0x52: {  	_ =	shalt  }
0x53: {  	_ =	shalt  }
0x54: {  	_ =	shalt  }
0x55: {  	_ =	shalt  }
0x56: {  	_ =	shalt  }
0x57: {  	_ =	shalt  }
0x58: {  	_ =	shalt  }
0x59: {  	_ =	shalt  }
0x5a: {  	_ =	shalt  }
0x5b: {  	_ =	shalt  }
0x5c: {  	_ =	shalt  }
0x5d: {  	_ =	shalt  }
0x5e: {  	_ =	shalt  }
0x5f: {  	_ =	shalt  }
0x60: {  	_ =	shalt  }
0x61: {  	_ =	shalt  }
0x62: {  	_ =	shalt  }
0x63: {  	_ =	shalt  }
0x64: {  	_ =	shalt  }
0x65: {  	_ =	shalt  }
0x66: {  	_ =	shalt  }
0x67: {  	_ =	shalt  }
0x68: {  	_ =	shalt  }
0x69: {  	_ =	shalt  }
0x6a: {  	_ =	shalt  }
0x6b: {  	_ =	shalt  }
0x6c: {  	_ =	shalt  }
0x6d: {  	_ =	shalt  }
0x6e: {  	_ =	shalt  }
0x6f: {  	_ =	shalt  }
0x70: {  	_ =	shalt  }
0x71: {  	_ =	shalt  }
0x72: {  	_ =	shalt  }
0x73: {  	_ =	shalt  }
0x74: {  	_ =	shalt  }
0x75: {  	_ =	shalt  }
0x76: {  	_ =	shalt  }
0x77: {  	_ =	shalt  }
0x78: {  	_ =	shalt  }
0x79: {  	_ =	shalt  }
0x7a: {  	_ =	shalt  }
0x7b: {  	_ =	shalt  }
0x7c: {  	_ =	shalt  }
0x7d: {  	_ =	shalt  }
0x7e: {  	_ =	shalt  }
0x7f: {  	_ =	shalt  }
0x80: {  	_ =	shalt  }
0x81: {  	_ =	shalt  }
0x82: {  	_ =	shalt  }
0x83: {  	_ =	shalt  }
0x84: {  	_ =	shalt  }
0x85: {  	_ =	shalt  }
0x86: {  	_ =	shalt  }
0x87: {  	_ =	shalt  }
.Lfunc_end0:
.L_simem_size_0:
called_computation.1_lowered:
.L_overlay_start_0:
0x88: {  	s2 =	sld [smem:$0x3FD9]  }
0x89: {  	s3 =	sld [smem:$0x3FFE];
	_ =	sdelay $0x1  }
0x8a: {  	s1 =	srdreg.scid  }
0x8b: {  	s0 =	sand.u32 $0x1, s1  }
0x8c: {  	s17 =	sshll.u32 s0, $0xA;
	s2 =	sadd.s32 s3, s2  }
0x8d: {  	s2 =	sadd.s32 s2, s17  }
0x8e: {  	[smem:$0x3FC2] =	sst s2  }
0x8f: {  	_ = 	snop  }
0x90: {  	s2 =	sld [smem:$0x3FD0];
	(tm) =	ssettm $0x1  }
0x91: {  	s18 =	sld [smem:$0x3FFB];
	_ =	sdelay $0x3  }
0x92: {  	_ =	strace s18  }
0x93: {  	s3 =	sld [smem:$0x3FFC];
	_ =	sdelay $0x3  }
0x94: {  	_ =	strace s3  }
0x95: {  	s3 =	sld [smem:$0x3FFD];
	_ =	sdelay $0x3  }
0x96: {  	_ =	strace s3  }
0x97: {  	_ =	strace $0x8FFFFFFF  }
0x98: {  	s19 =	sld [smem:$0x3FDB];
	_ =	sdelay $0x1  }
0x99: {  	s4 =	simm.s32 $_scs_section_size  }
0x9a: {  	s5 =	simm.s32 $_size__tile_overlayer_lowered;
	s6 =	simm.s32 $_tile_overlayer_lowered  }
0x9b: {  	s22 =	simm.s32 $0x1BFF;
	s21 =	sshll.u32 s6, $0x1;
	s3 =	sadd.s32 s4, s19  }
0x9c: {  	s7 =	simm.s32 $0x0;
	s20 =	sshll.u32 s5, $0x1;
	s5 =	sadd.s32 s21, s3  }
0x9d: {  	[timem:s7], [sflag:s22] =	dma.local [hbm:s5], s20  }
0x9e: {  	_ =	swait.ge [sflag:s22], s20  }
0x9f: {  	s4 =	ssub.s32 $0x0, s20;
	[sflag:s22] =	ssyncset.done $0x0  }
0xa0: {  	[sflag:s22] =	ssyncadd.s32 s4;
	_ =	sdelay $0x1  }
0xa1: {  	s23 =	simm.s32 $0x1B8B  }
0xa2: {  	_ =	swait.ge [sflag:s23], $0x1  }
0xa3: {  	[sflag:s23] =	ssyncset.done $0x0  }
0xa4: {  	s25 =	simm.s32 $0x1B8E;
	s24 =	sld [smem:$0x3FFE];
	[sflag:s23] =	ssyncadd.s32 $0xFFFFFFFF  }
0xa5: {  	s26 =	simm.s32 $execute0_lowered;
	[smem:$0x3FD2] =	sst s25  }
0xa6: {  	s5 =	sshll.u32 s26, $0x1;
	_ =	strace $0x80000049;
	[dreg:$0x1] =	wrdreg $0xFFFFFFFF  }
0xa7: {  	s28 =	simm.s32 $_size_execute0_lowered;
	s3 =	sadd.s32 s3, s5;
	[dreg:$0x0] =	wrdreg $0x0  }
0xa8: {  	s5 =	sshll.u32 s28, $0x1;
	[dreg:$0x2] =	wrdreg s3  }
0xa9: {  	[dreg:$0x3] =	wrdreg s5  }
0xaa: {  	[dreg:$0x4] =	wrdreg $0xC0  }
0xab: {  	_ =	task [dreg:s7], $0x5FFFF  }
0xac: {  	[dreg:$0x1] =	wrdreg $0xFFFFFFFF  }
0xad: {  	[dreg:$0x0] =	wrdreg $0x60  }
0xae: {  	[dreg:$0x2] =	wrdreg s24  }
0xaf: {  	[dreg:$0x3] =	wrdreg s2  }
0xb0: {  	[dreg:$0x4] =	wrdreg $0xA2800  }
0xb1: {  	[dreg:$0x5] =	wrdreg $0x9  }
0xb2: {  	_ =	task.clear_ibuf [dreg:s7], $0x6FFFF;
	_ =	strace $0x90000049  }
0xb3: {  	s29 =	simm.s32 $0x9;
	_ =	strace $0x8000004B  }
0xb4: {  	_ =	swait.ge [sflag:s29], $0x1  }
0xb5: {  	[sflag:s29] =	ssyncadd.s32 $0xFFFFFFFF  }
0xb6: {  	_ =	strace $0x9000004B  }
0xb7: {  	_ =	sfence  }
0xb8: {  	s30 =	sld [smem:$0x0];
	_ =	sdelay $0x2  }
0xb9: {  	s31 =	sshll.u32 s1, $0xD;
	s1 =	sshrl.u32 s1, $0x2  }
0xba: {  	s3 =	sand.u32 $0x4000, s31;
	s1 =	sadd.s32 s1, s30  }
0xbb: {  	s0 =	sor.u32 s3, s0;
	s1 =	sshll.u32 s1, $0x11  }
0xbc: {  	s0 =	sor.u32 s1, s0  }
0xbd: {  	s0 =	sadd.s32 $0x8F2B, s0  }
0xbe: {  	[sflag:s0] =	ssyncadd.remote.s32 $0x1  }
0xbf: {  	_ =	sfence.sel $0xFFFF  }
0xc0: {  	[dreg:$0x0] =	wrdreg $0xFFFFFFFF;
	(pc) =	sbr.abs _section_cstart, $3  }
0xc1: {  	[dreg:$0x1] =	wrdreg $0xFFFFFFFF  }
0xc2: {  	_ =	task.clear_ibuf [dreg:s7], $0x2FFFF;
	_ =	strace $0x9FFFFFFF  }
0xc3: {  	(tm) =	ssettm $0x7FFFFFFF  }
tec
execute0_lowered:
.L_overlay_start_1:
0x0: {  	(tag) =	ssettag $0x1  }
0x1: {  	s0 =	rddreg [dreg:$0x0];
	s1 =	srdreg.scid  }
0x2: {  	s3 =	rddreg [dreg:$0x2];
	s14 =	stileid.u32;
	s4 =	simm.s32 $0x0  }
0x3: {  	s16 =	simm.s32 $0x140;
	s17 =	simm.s32 $0x1;
	s18 =	simm.s32 $0x190  }
0x4: {  	s19 =	simm.s32 $0x50;
	s28 =	simm.s32 $0x230;
	s29 =	simm.s32 $0xF0  }
0x5: {  	s30 =	simm.s32 $0x3;
	s31 =	simm.s32 $0x5280;
	s20 =	smul.u32 $0x4E200, s14  }
0x6: {  	s1 =	sand.u32 $0x1, s1;
	[smem:$0x7FF] =	sst s4;
	s10 =	smul.u32 $0x2780, s14  }
0x7: {  	s6 =	sadd.s32 $0x1C00, s0;
	s7 =	sadd.s32 $0x15600, s0;
	s12 =	smul.u32 $0x4F000, s14  }
0x8: {  	s0 =	sadd.s32 $0x3C800, s0;
	s21 =	sshll.u32 s14, $0x6;
	s13 =	smul.u32 $0x2710, s14  }
0x9: {  	p0 =	seq.s32 s14, $0xF;
	s2 =	sshll.u32 s1, $0x4;
	s9 =	smul.u32 $0x27100, s1  }
0xa: {  	_ =	strace $0x8000004A;
	s8 =	ssub.s32 $0x2, s1;
	s1 =	smul.u32 $0x138800, s1  }
0xb: {  	s2 =	sor.u32 s14, s2;
	s11 =	sshrl.u32 s8, $0x1;
	s22 =	sshrl.u32 s12, $0x2  }
0xc: {  	s5 =	smul.u32 $0x2710, s2;
	s2 =	sshrl.u32 s20, $0x2;
	s11 =	ssub.s32 s8, s11  }
0xd: {  	s10 =	sadd.s32 s10, s9;
	s8 =	sor.u32 $0x1C0D, s21;
	s1 =	sshrl.u32 s1, $0x3  }
0xe: {  	s23 =	sadd.s32 s13, s9;
	s9 =	sadd.s32 s22, s3;
	s20 =	simm.s32 $0x280  }
0xf: {  	s21 =	simm.s32 $0x2;
	s22 =	simm.s32 $0x1E0;
	s2 =	sadd.s32 s2, s3  }
0x10: {  	s10 =	sadd.s32 s0, s10;
	s0 =	sadd.s32 s0, s1;
	s24 =	sadd.s32 $0x4E200, s23  }
0x11: {  	s1 =	sshrl.u32 s23, $0x3;
	s11 =	smax.u32 s11, $0x1;
	s23 =	simm.s32 $0xA0  }
0x12: {  	[dreg:$0x4] =	wrdreg s10;
	s0 =	sadd.s32 $0x25080, s0;
	s10 =	sadd.s32 $0x128400, s3  }
0x13: {  	[dreg:$0x6] =	wrdreg s11;
	s25 =	sadd.s32 s1, s6;
	s26 =	sshrl.u32 s2, $0x3  }
0x14: {  	s1 =	simm.s32 $0x9;
	s2 =	simm.s32 $0x8;
	[dreg:$0x5] =	wrdreg s0  }
.Ltmp0:
0x15: {  	s0 =	sshrl.u32 s24, $0x3;
	[dreg:$0x8] =	wrdreg s25;
	(pc) =	sbr.rel .LBB2_1-.Ltmp0, $4  }
0x16: {  	s11 =	simm.s32 $0x0;
	[dreg:$0x9] =	wrdreg s26;
	s0 =	sadd.s32 s0, s6  }
0x17: {  	s26 =	simm.s32 $0x2A80;
	[dreg:$0x7] =	wrdreg s0;
	s0 =	sshrl.u32 @p0 s10, $0x3  }
0x18: {  	s10 =	simm.s32 $0xC;
	[dreg:$0xa] =	wrdreg s0;
	s0 =	sshrl.u32 @!p0 s9, $0x3  }
0x19: {  	s9 =	simm.s32 $0x7A80;
	[dreg:$0xb] =	wrdreg s0;
	s0 =	simm.s32 $0x5  }
.LBB2_9:
0x1a: {  	_ =	swait.ge [sflag:s1], $0x2800  }
0x1b: {  	[sflag:s1] =	ssyncset.done $0x0  }
0x1c: {  	[sflag:s1] =	ssyncadd.s32 $0xFFFFD800  }
0x1d: {  	[bflag:$0x0] =	sbarrier.arrive $0xFFFF  }
0x1e: {  	s12 =	rddreg [dreg:$0x5]  }
0x1f: {  	s13 =	rddreg [dreg:$0xa]  }
0x20: {  	[hbm:s12], [sflag:s8] =	dma.local @p0 [spmem:s13], $0x2080  }
0x21: {  	s12 =	simm.s32 @p0 $0xD  }
0x22: {  	_ =	swait.ge @p0 [sflag:s12], $0x2080  }
0x23: {  	[sflag:s12] =	ssyncset.done @p0 $0x0;
	s13 =	rddreg [dreg:$0xb]  }
0x24: {  	[sflag:s12] =	ssyncadd.s32 @p0 $0xFFFFDF80;
	s12 =	rddreg [dreg:$0x4]  }
0x25: {  	[hbm:s12], [sflag:s8] =	dma.local @!p0 [spmem:s13], $0x2780  }
0x26: {  	s12 =	simm.s32 @!p0 $0xD  }
0x27: {  	_ =	swait.ge @!p0 [sflag:s12], $0x2780  }
0x28: {  	s11 =	sadd.s32 $0x1, s11;
	s25 =	rddreg [dreg:$0x6]  }
0x29: {  	p1 =	sne.s32 s11, s25  }
.Ltmp1:
0x2a: {  	_ = 	snop;
	(pc) =	sbr.rel @!p1 .LBB2_10-.Ltmp1, $3  }
0x2b: {  	_ =	sdelay $0x1  }
0x2c: {  	[sflag:s12] =	ssyncset.done @!p0 $0x0  }
0x2d: {  	[sflag:s12] =	ssyncadd.s32 @!p0 $0xFFFFD880  }
.LBB2_1:
0x2e: {  	s12 =	rddreg [dreg:$0x1]  }
0x2f: {  	s13 =	rddreg [dreg:$0x9];
	s25 =	simm.s32 $0xD  }
0x30: {  	[spmem:s13], [sflag:s8] =	dma.local [hbm:s12], $0x2710  }
0x31: {  	_ =	swait.ge [sflag:s25], $0x2710  }
.Ltmp2:
0x32: {  	[sflag:s25] =	ssyncset.done $0x0;
	(pc) =	sbr.rel .LBB2_2-.Ltmp2, $4  }
0x33: {  	[sflag:s25] =	ssyncadd.s32 $0xFFFFD8F0  }
0x34: {  	[bflag:$0x0] =	sbarrier.arrive $0xFFFF  }
0x35: {  	s13 =	rddreg [dreg:$0x8]  }
0x36: {  	s14 =	simm.s32 $0x3;
	s12 =	rddreg [dreg:$0x7]  }
.LBB2_7:
0x37: {  	s15 =	smul.u32 $0x50, s24;
	_ =	sdelay $0x1  }
0x38: {  	s15 =	sadd.s32 s5, s15  }
0x39: {  	s15 =	sshrl.u32 s15, $0x3  }
0x3a: {  	s15 =	sadd.s32 s6, s15  }
0x3b: {  	s25 =	sadd.s32 $0x9C40, s15  }
0x3c: {  	[tilespmem:s28], [sflag:$0x4] =	stream.linear.gather [hbm4b:s25+s4], $0x50, $0x38;
	[tilespmem:$0x1DB00] =	vst v63  }
0x3d: {  	_ = 	snop  }
0x3e: {  	[tilespmem:s29], [sflag:$0x4] =	stream.linear.gather [hbm4b:s15+s4], $0x50, $0x38;
	[tilespmem:$0x1DB00] =	vst v63  }
0x3f: {  	_ =	swait.ge [sflag:s30], $0x50  }
0x40: {  	[sflag:s30] =	ssyncset.done $0x0  }
0x41: {  	[sflag:s30] =	ssyncadd.s32 $0xFFFFFFB0  }
0x42: {  	_ =	swait.ge [sflag:s30], $0x50  }
0x43: {  	[sflag:s30] =	ssyncset.done $0x0  }
0x44: {  	[sflag:s30] =	ssyncadd.s32 $0xFFFFFFB0  }
0x45: {  	[tilespmem:s31], [sflag:$0x7] =	stream.indirect.gather [hbm4b:s7+s19], $0x80, s23, s19, $0xb8;
	[tilespmem:$0x1DB00] =	vst v63  }
.LBB2_8:
0x46: {  	s14 =	sadd.s32 $0x4, s14  }
0x47: {  	p1 =	sne.s32 s14, $0x83  }
.Ltmp3:
0x48: {  	_ = 	snop;
	(pc) =	sbr.rel @!p1 .LBB2_9-.Ltmp3, $4  }
0x49: {  	_ =	swait.ge [sflag:s0], $0x2800  }
0x4a: {  	[sflag:s0] =	ssyncset.done $0x0  }
0x4b: {  	s12 =	sadd.s32 $0x28, s12;
	s13 =	sadd.s32 $0x28, s13;
	[sflag:s0] =	ssyncadd.s32 $0xFFFFD800  }
0x4c: {  	[spmem:s3] =	stream.indirect.scatter.add.f32 [tilespmem:s20], [sflag:$0x9], $0x80, s16, s19, $0xb8;
	[tilespmem:$0x1DB00] =	vst v63  }
.LBB2_2:
0x4d: {  	p1 =	seq.s32 s14, $0x3  }
0x4e: {  	s24 =	simm.s32 @!p1 $0x9  }
0x4f: {  	_ =	swait.ge @!p1 [sflag:s24], $0x2800  }
0x50: {  	s25 =	sadd.s32 $0xFFFFFFFC, s14;
	[sflag:s24] =	ssyncset.done @!p1 $0x0  }
0x51: {  	p2 =	sgt.u32 s25, $0x7C;
	[sflag:s24] =	ssyncadd.s32 @!p1 $0xFFFFD800  }
0x52: {  	[tilespmem:s16], [sflag:$0x1] =	stream.linear.gather [hbm4b:s12+s4], $0x50, $0x38;
	[tilespmem:$0x1DB00] =	vst v63  }
0x53: {  	s24 =	simm.s32 @!p2 $0x4  }
0x54: {  	[tilespmem:s4], [sflag:$0x1] =	stream.linear.gather [hbm4b:s13+s4], $0x50, $0x38;
	[tilespmem:$0x1DB00] =	vst v63  }
0x55: {  	_ =	swait.ge @!p2 [sflag:s24], $0x50  }
0x56: {  	[sflag:s24] =	ssyncset.done @!p2 $0x0  }
0x57: {  	[sflag:s24] =	ssyncadd.s32 @!p2 $0xFFFFFFB0  }
0x58: {  	_ =	swait.ge @!p2 [sflag:s24], $0x50  }
0x59: {  	s25 =	simm.s32 @!p2 $0xF0;
	[sflag:s24] =	ssyncset.done @!p2 $0x0  }
0x5a: {  	s15 =	simm.s32 @!p2 $0x7A80;
	[sflag:s24] =	ssyncadd.s32 @!p2 $0xFFFFFFB0;
	s24 =	simm.s32 @!p2 $0x50  }
0x5b: {  	[tilespmem:s15], [sflag:$0x8] =	stream.indirect.gather @!p2 [hbm4b:s7+s24], $0x80, s25, s24, $0xb8;
	[tilespmem:$0x1DB00] =	vst v63  }
0x5c: {  	s15 =	simm.s32 @!p1 $0x6  }
0x5d: {  	_ =	swait.ge @!p1 [sflag:s15], $0x2800  }
0x5e: {  	s24 =	simm.s32 @!p1 $0x50;
	[sflag:s15] =	ssyncset.done @!p1 $0x0  }
0x5f: {  	s25 =	simm.s32 @!p1 $0x2A80;
	[sflag:s15] =	ssyncadd.s32 @!p1 $0xFFFFD800;
	s15 =	simm.s32 @!p1 $0x190  }
0x60: {  	[spmem:s3] =	stream.indirect.scatter.add.f32 @!p1 [tilespmem:s25], [sflag:$0xA], $0x80, s15, s24, $0xb8;
	[tilespmem:$0x1DB00] =	vst v63  }
0x61: {  	s25 =	sadd.s32 @!p1 $0xFFFFFFFE, s14  }
0x62: {  	p2 =	sgt.u32 @!p1 s25, $0x7C  }
0x63: {  	p2 =	por p1, !p2  }
.Ltmp4:
0x64: {  	_ = 	snop;
	(pc) =	sbr.rel @!p2 .LBB2_4-.Ltmp4, $4  }
0x65: {  	s15 =	simm.s32 @!p1 $0xA  }
0x66: {  	_ =	swait.ge @!p1 [sflag:s15], $0x2800  }
0x67: {  	[sflag:s15] =	ssyncset.done @!p1 $0x0  }
0x68: {  	[sflag:s15] =	ssyncadd.s32 @!p1 $0xFFFFD800  }
0x69: {  	s25 =	simm.s32 @p1 $0x1  }
0x6a: {  	s15 =	smul.u32 $0x50, s25;
	_ =	sdelay $0x1  }
0x6b: {  	s15 =	sadd.s32 s5, s15  }
0x6c: {  	s15 =	sshrl.u32 s15, $0x3  }
0x6d: {  	s15 =	sadd.s32 s6, s15  }
0x6e: {  	s25 =	sadd.s32 $0x9C40, s15  }
0x6f: {  	[tilespmem:s18], [sflag:$0x2] =	stream.linear.gather [hbm4b:s25+s4], $0x50, $0x38;
	[tilespmem:$0x1DB00] =	vst v63  }
0x70: {  	_ = 	snop  }
0x71: {  	[tilespmem:s19], [sflag:$0x2] =	stream.linear.gather [hbm4b:s15+s4], $0x50, $0x38;
	[tilespmem:$0x1DB00] =	vst v63  }
.LBB2_4:
0x72: {  	_ =	swait.ge [sflag:s17], $0x50  }
0x73: {  	[sflag:s17] =	ssyncset.done $0x0  }
0x74: {  	[sflag:s17] =	ssyncadd.s32 $0xFFFFFFB0  }
0x75: {  	_ =	swait.ge [sflag:s17], $0x50  }
0x76: {  	[sflag:s17] =	ssyncset.done $0x0  }
0x77: {  	s15 =	simm.s32 @!p1 $0x7;
	[sflag:s17] =	ssyncadd.s32 $0xFFFFFFB0  }
0x78: {  	[tilespmem:s20], [sflag:$0x5] =	stream.indirect.gather [hbm4b:s7+s19], $0x80, s4, s19, $0xb8;
	[tilespmem:$0x1DB00] =	vst v63  }
0x79: {  	_ =	swait.ge @!p1 [sflag:s15], $0x2800  }
0x7a: {  	[sflag:s15] =	ssyncset.done @!p1 $0x0  }
0x7b: {  	s25 =	simm.s32 @!p1 $0x5280;
	[sflag:s15] =	ssyncadd.s32 @!p1 $0xFFFFD800;
	s15 =	simm.s32 @!p1 $0x1E0  }
0x7c: {  	[spmem:s3] =	stream.indirect.scatter.add.f32 @!p1 [tilespmem:s25], [sflag:$0xB], $0x80, s15, s24, $0xb8;
	[tilespmem:$0x1DB00] =	vst v63  }
0x7d: {  	s24 =	sadd.s32 @!p1 $0xFFFFFFFF, s14  }
0x7e: {  	p2 =	sgt.u32 @!p1 s24, $0x7C  }
0x7f: {  	p2 =	por p1, !p2  }
.Ltmp5:
0x80: {  	_ = 	snop;
	(pc) =	sbr.rel @!p2 .LBB2_6-.Ltmp5, $4  }
0x81: {  	s15 =	simm.s32 @!p1 $0xB  }
0x82: {  	_ =	swait.ge @!p1 [sflag:s15], $0x2800  }
0x83: {  	[sflag:s15] =	ssyncset.done @!p1 $0x0  }
0x84: {  	[sflag:s15] =	ssyncadd.s32 @!p1 $0xFFFFD800  }
0x85: {  	s24 =	simm.s32 @p1 $0x2  }
0x86: {  	s15 =	smul.u32 $0x50, s24;
	_ =	sdelay $0x1  }
0x87: {  	s15 =	sadd.s32 s5, s15  }
0x88: {  	s15 =	sshrl.u32 s15, $0x3  }
0x89: {  	s15 =	sadd.s32 s6, s15  }
0x8a: {  	s25 =	sadd.s32 $0x9C40, s15  }
0x8b: {  	[tilespmem:s22], [sflag:$0x3] =	stream.linear.gather [hbm4b:s25+s4], $0x50, $0x38;
	[tilespmem:$0x1DB00] =	vst v63  }
0x8c: {  	_ = 	snop  }
0x8d: {  	[tilespmem:s23], [sflag:$0x3] =	stream.linear.gather [hbm4b:s15+s4], $0x50, $0x38;
	[tilespmem:$0x1DB00] =	vst v63  }
0x8e: {  	_ =	swait.ge [sflag:s21], $0x50  }
0x8f: {  	[sflag:s21] =	ssyncset.done $0x0  }
.Ltmp6:
0x90: {  	[sflag:s21] =	ssyncadd.s32 $0xFFFFFFB0;
	(pc) =	sbr.rel @p1 .LBB2_7-.Ltmp6, $4  }
0x91: {  	_ =	swait.ge [sflag:s21], $0x50  }
0x92: {  	[sflag:s21] =	ssyncset.done $0x0  }
0x93: {  	s24 =	simm.s32 $0x3;
	[sflag:s21] =	ssyncadd.s32 $0xFFFFFFB0  }
0x94: {  	[tilespmem:s26], [sflag:$0x6] =	stream.indirect.gather [hbm4b:s7+s19], $0x80, s19, s19, $0xb8;
	[tilespmem:$0x1DB00] =	vst v63  }
.LBB2_6:
0x95: {  	_ =	swait.ge [sflag:s2], $0x2800  }
0x96: {  	[sflag:s2] =	ssyncset.done $0x0  }
0x97: {  	p1 =	sgt.u32 s14, $0x7C;
	[sflag:s2] =	ssyncadd.s32 $0xFFFFD800  }
0x98: {  	[spmem:s3] =	stream.indirect.scatter.add.f32 [tilespmem:s9], [sflag:$0xC], $0x80, s28, s19, $0xb8;
	[tilespmem:$0x1DB00] =	vst v63  }
.Ltmp7:
0x99: {  	_ = 	snop;
	(pc) =	sbr.rel @p1 .LBB2_8-.Ltmp7, $4  }
.Ltmp8:
0x9a: {  	_ = 	snop;
	(pc) =	sbr.rel @!p1 .LBB2_7-.Ltmp8, $4  }
0x9b: {  	_ =	swait.ge [sflag:s10], $0x2800  }
0x9c: {  	[sflag:s10] =	ssyncset.done $0x0  }
0x9d: {  	s24 =	smov.u32 s14;
	[sflag:s10] =	ssyncadd.s32 $0xFFFFD800  }
0x9e: {  	_ = 	snop  }
.LBB2_10:
0x9f: {  	_ =	sfence.sel $0x180000  }
0xa0: {  	[bflag:$0x0] =	sbarrier.arrive $0xFFFF  }
0xa1: {  	_ =	strace $0x9000004A  }
0xa2: {  	s0 =	stileid.u32;
	[bflag:$0x2] =	sbarrier.arrive $0xFFFF  }
0xa3: {  	p0 =	sne.s32 s0, $0x0;
	s0 =	rddreg [dreg:$0x3]  }
0xa4: {  	s0 =	sadd.s32 @!p0 $0x100000, s0  }
0xa5: {  	[sflag:s0] =	ssyncadd.tile.s32 @!p0 $0x1;
	_ =	shalt  }
.Lfunc_end2:
_tile_overlayer_lowered:
.L_overlay_start_2:
0xa6: {  	(tag) =	ssettag $0x2  }
0xa7: {  	s0 =	rddreg [dreg:$0x0];
	s2 =	stileid.u32  }
0xa8: {  	s1 =	rddreg [dreg:$0x1];
	p0 =	sne.s32 s2, $0x0  }
0xa9: {  	s3 =	rddreg [dreg:$0x2];
	[bflag:$0x3] =	sbarrier.arrive $0xFFFF;
	s2 =	simm.s32 @!p0 $0x1C0D  }
0xaa: {  	[timem:s3], [sflag:s2] =	dma.local @!p0 [hbm:s0], s1  }
0xab: {  	s0 =	simm.s32 @!p0 $0xD  }
0xac: {  	_ =	swait.ge @!p0 [sflag:s0], s1  }
0xad: {  	s1 =	ssub.s32 @!p0 $0x0, s1;
	[sflag:s0] =	ssyncset.done @!p0 $0x0  }
0xae: {  	[sflag:s0] =	ssyncadd.s32 @!p0 s1  }
0xaf: {  	[bflag:$0x3] =	sbarrier.arrive $0xFFFF  }
0xb0: {  	_ =	shalt  }

// kernel: kernel.14.cloned.1.call-start
scs
__scs_entry_jumppad:
0x0: {  	(pc) =	sbr.rel $0x88, $3  }
0x1: {  	(tag) =	ssettag $0x0;
	lr =	simm.s32 $0x1  }
0x2: {  	[smem:$0x3F9B] =	sst lr;
	_ =	strace $0xD0000000  }
0x3: {  	_ = 	snop  }
0x4: {  	_ = 	snop  }
0x5: {  	_ = 	snop  }
0x6: {  	_ = 	snop  }
0x7: {  	_ = 	snop  }
__scs_overlays_trampoline_lowered:
0x8: {  	[smem:$0x3FAA] =	sst s0  }
0x9: {  	[smem:$0x3FAB] =	sst s1  }
0xa: {  	[smem:$0x3FAC] =	sst s2  }
0xb: {  	[smem:$0x3FAD] =	sst s3  }
0xc: {  	[smem:$0x3FAE] =	sst s4  }
0xd: {  	[smem:$0x3FAF] =	sst s5  }
0xe: {  	[smem:$0x3FB0] =	sst s6  }
0xf: {  	[smem:$0x3FB1] =	sst s7  }
0x10: {  	[smem:$0x3FB2] =	sst s8  }
0x11: {  	[smem:$0x3FB3] =	sst s9;
	s0 =	simm.s32 @!p0 $0x0  }
0x12: {  	s1 =	sld [smem:$0x3F99];
	s0 =	simm.s32 @p0 $0x1  }
0x13: {  	[smem:$0x3FB4] =	sst s0;
	s0 =	simm.s32 @!p1 $0x0  }
0x14: {  	s2 =	sld [smem:$0x3F98];
	s0 =	simm.s32 @p1 $0x1  }
0x15: {  	[smem:$0x3FB5] =	sst s0;
	s0 =	simm.s32 @!p2 $0x0  }
0x16: {  	s3 =	sld [smem:$0x3FDB];
	s0 =	simm.s32 @p2 $0x1  }
0x17: {  	s4 =	simm.s32 $0x1BF5;
	[smem:$0x3FB7] =	sst s0  }
0x18: {  	s0 =	sld [smem:$0x3F9A];
	_ =	swait.ge [sflag:s4], $0x0  }
0x19: {  	s7 =	sld [smem:$0x3F9B]  }
0x1a: {  	s8 =	sadd.s32 $0xFFFFE003, lr  }
0x1b: {  	s9 =	sadd.s32 $0xFFFFFEF7, lr;
	s5 =	simm.s32 $0xFFFFFFFF;
	p2 =	slt.u32 s8, $0xFFFFF086  }
0x1c: {  	p1 =	slt.u32 s9, $0xF7A;
	s5 =	simm.s32 @!p2 $0x0  }
0x1d: {  	s5 =	simm.s32 @p1 $0x1;
	p0 =	seq.s32 s7, s2  }
0x1e: {  	s7 =	smul.u32 @!p0 $0xF7A, s2;
	p2 =	seq.s32 @!p0 s5, $0x0  }
0x1f: {  	s9 =	smul.u32 $0xF7A, s1;
	s8 =	simm.s32 @!p0 $0x1BF5;
	p2 =	por !p2, p0  }
0x20: {  	[sflag:s8] =	ssyncset.s32 @!p0 $0xFFFFF086;
	s6 =	sadd.s32 @!p0 s3, s7;
	s7 =	simm.s32 @!p0 $0x108  }
0x21: {  	s3 =	sadd.s32 s3, s9;
	s6 =	sadd.s32 @!p0 $0x88, s6;
	s7 =	simm.s32 @p2 $0x1082  }
0x22: {  	[simem:s7], [sflag:s8] =	dma.local @!p0 [hbm:s6], $0xF7A  }
0x23: {  	s9 =	sor.u32 $0xD0000000, s2;
	s6 =	simm.s32 $0x108;
	_ =	swait.ge @!p0 [sflag:s8], $0x0  }
0x24: {  	s3 =	sadd.s32 $0x88, s3;
	s6 =	simm.s32 @!p1 $0x1082;
	[sflag:s4] =	ssyncset.s32 $0xFFFFF086  }
0x25: {  	[simem:s6], [sflag:s4] =	dma.local [hbm:s3], $0xF7A  }
0x26: {  	[smem:$0x3F9B] =	sst s1;
	(tag) =	ssettag s2;
	_ =	strace s9  }
0x27: {  	s1 =	sld [smem:$0x3FAB]  }
0x28: {  	s2 =	sld [smem:$0x3FAC]  }
0x29: {  	s4 =	sld [smem:$0x3FAE]  }
0x2a: {  	p0 =	seq.s32 s5, $0x0;
	s5 =	sld [smem:$0x3FAF]  }
0x2b: {  	s6 =	sld [smem:$0x3FB0]  }
0x2c: {  	s7 =	sld [smem:$0x3FB1]  }
0x2d: {  	s3 =	simm.s32 $0x108;
	s8 =	sld [smem:$0x3FB2]  }
0x2e: {  	s3 =	simm.s32 @!p0 $0x1082;
	s9 =	sld [smem:$0x3FB3]  }
0x2f: {  	lr =	sadd.s32 s0, s3;
	s0 =	sld [smem:$0x3FAA]  }
0x30: {  	s3 =	sld [smem:$0x3FAD]  }
0x31: {  	[smem:$0x3FB6] =	sst s10  }
0x32: {  	s10 =	sld [smem:$0x3FB4];
	_ =	sdelay $0x3  }
0x33: {  	p0 =	seq.s32 s10, $0x1;
	s10 =	sld [smem:$0x3FB6];
	_ =	sdelay $0x3  }
0x34: {  	[smem:$0x3FB6] =	sst s10  }
0x35: {  	s10 =	sld [smem:$0x3FB5];
	_ =	sdelay $0x3  }
0x36: {  	p1 =	seq.s32 s10, $0x1;
	s10 =	sld [smem:$0x3FB6];
	_ =	sdelay $0x3  }
0x37: {  	[smem:$0x3FB6] =	sst s10  }
0x38: {  	s10 =	sld [smem:$0x3FB7]  }
0x39: {  	_ = 	snop;
	(pc) =	sbr.ind lr, $3  }
0x3a: {  	_ = 	snop  }
0x3b: {  	_ = 	snop  }
0x3c: {  	p2 =	seq.s32 s10, $0x1;
	s10 =	sld [smem:$0x3FB6]  }
0x3d: {  	_ =	shalt  }
0x3e: {  	_ =	shalt  }
0x3f: {  	_ =	shalt  }
0x40: {  	_ =	shalt  }
0x41: {  	_ =	shalt  }
0x42: {  	_ =	shalt  }
0x43: {  	_ =	shalt  }
0x44: {  	_ =	shalt  }
0x45: {  	_ =	shalt  }
0x46: {  	_ =	shalt  }
0x47: {  	_ =	shalt  }
0x48: {  	_ =	shalt  }
0x49: {  	_ =	shalt  }
0x4a: {  	_ =	shalt  }
0x4b: {  	_ =	shalt  }
0x4c: {  	_ =	shalt  }
0x4d: {  	_ =	shalt  }
0x4e: {  	_ =	shalt  }
0x4f: {  	_ =	shalt  }
0x50: {  	_ =	shalt  }
0x51: {  	_ =	shalt  }
0x52: {  	_ =	shalt  }
0x53: {  	_ =	shalt  }
0x54: {  	_ =	shalt  }
0x55: {  	_ =	shalt  }
0x56: {  	_ =	shalt  }
0x57: {  	_ =	shalt  }
0x58: {  	_ =	shalt  }
0x59: {  	_ =	shalt  }
0x5a: {  	_ =	shalt  }
0x5b: {  	_ =	shalt  }
0x5c: {  	_ =	shalt  }
0x5d: {  	_ =	shalt  }
0x5e: {  	_ =	shalt  }
0x5f: {  	_ =	shalt  }
0x60: {  	_ =	shalt  }
0x61: {  	_ =	shalt  }
0x62: {  	_ =	shalt  }
0x63: {  	_ =	shalt  }
0x64: {  	_ =	shalt  }
0x65: {  	_ =	shalt  }
0x66: {  	_ =	shalt  }
0x67: {  	_ =	shalt  }
0x68: {  	_ =	shalt  }
0x69: {  	_ =	shalt  }
0x6a: {  	_ =	shalt  }
0x6b: {  	_ =	shalt  }
0x6c: {  	_ =	shalt  }
0x6d: {  	_ =	shalt  }
0x6e: {  	_ =	shalt  }
0x6f: {  	_ =	shalt  }
0x70: {  	_ =	shalt  }
0x71: {  	_ =	shalt  }
0x72: {  	_ =	shalt  }
0x73: {  	_ =	shalt  }
0x74: {  	_ =	shalt  }
0x75: {  	_ =	shalt  }
0x76: {  	_ =	shalt  }
0x77: {  	_ =	shalt  }
0x78: {  	_ =	shalt  }
0x79: {  	_ =	shalt  }
0x7a: {  	_ =	shalt  }
0x7b: {  	_ =	shalt  }
0x7c: {  	_ =	shalt  }
0x7d: {  	_ =	shalt  }
0x7e: {  	_ =	shalt  }
0x7f: {  	_ =	shalt  }
0x80: {  	_ =	shalt  }
0x81: {  	_ =	shalt  }
0x82: {  	_ =	shalt  }
0x83: {  	_ =	shalt  }
0x84: {  	_ =	shalt  }
0x85: {  	_ =	shalt  }
0x86: {  	_ =	shalt  }
0x87: {  	_ =	shalt  }
.Lfunc_end0:
.L_simem_size_0:
called_computation.2_lowered:
.L_overlay_start_0:
0x88: {  	s2 =	sld [smem:$0x3FD9]  }
0x89: {  	s3 =	sld [smem:$0x3FFE];
	_ =	sdelay $0x1  }
0x8a: {  	s1 =	srdreg.scid  }
0x8b: {  	s0 =	sand.u32 $0x1, s1  }
0x8c: {  	s17 =	sshll.u32 s0, $0xA;
	s2 =	sadd.s32 s3, s2  }
0x8d: {  	s2 =	sadd.s32 s2, s17  }
0x8e: {  	[smem:$0x3FC2] =	sst s2  }
0x8f: {  	_ = 	snop  }
0x90: {  	s2 =	sld [smem:$0x3FD0];
	(tm) =	ssettm $0x1  }
0x91: {  	s18 =	sld [smem:$0x3FFB];
	_ =	sdelay $0x3  }
0x92: {  	_ =	strace s18  }
0x93: {  	s3 =	sld [smem:$0x3FFC];
	_ =	sdelay $0x3  }
0x94: {  	_ =	strace s3  }
0x95: {  	s3 =	sld [smem:$0x3FFD];
	_ =	sdelay $0x3  }
0x96: {  	_ =	strace s3  }
0x97: {  	_ =	strace $0x8FFFFFFF  }
0x98: {  	s19 =	sld [smem:$0x3FDB];
	_ =	sdelay $0x1  }
0x99: {  	s4 =	simm.s32 $_scs_section_size  }
0x9a: {  	s5 =	simm.s32 $_size__tile_overlayer_lowered;
	s6 =	simm.s32 $_tile_overlayer_lowered  }
0x9b: {  	s22 =	simm.s32 $0x1BFF;
	s21 =	sshll.u32 s6, $0x1;
	s3 =	sadd.s32 s4, s19  }
0x9c: {  	s7 =	simm.s32 $0x0;
	s20 =	sshll.u32 s5, $0x1;
	s5 =	sadd.s32 s21, s3  }
0x9d: {  	[timem:s7], [sflag:s22] =	dma.local [hbm:s5], s20  }
0x9e: {  	_ =	swait.ge [sflag:s22], s20  }
0x9f: {  	s4 =	ssub.s32 $0x0, s20;
	[sflag:s22] =	ssyncset.done $0x0  }
0xa0: {  	[sflag:s22] =	ssyncadd.s32 s4;
	_ =	sdelay $0x1  }
0xa1: {  	s23 =	simm.s32 $0x1B8B  }
0xa2: {  	_ =	swait.ge [sflag:s23], $0x1  }
0xa3: {  	[sflag:s23] =	ssyncset.done $0x0  }
0xa4: {  	s25 =	simm.s32 $0x1B8E;
	s24 =	sld [smem:$0x3FFE];
	[sflag:s23] =	ssyncadd.s32 $0xFFFFFFFF  }
0xa5: {  	s26 =	simm.s32 $execute0_lowered;
	[smem:$0x3FD2] =	sst s25  }
0xa6: {  	s5 =	sshll.u32 s26, $0x1;
	_ =	strace $0x8000004C;
	[dreg:$0x1] =	wrdreg $0xFFFFFFFF  }
0xa7: {  	s28 =	simm.s32 $_size_execute0_lowered;
	s3 =	sadd.s32 s3, s5;
	[dreg:$0x0] =	wrdreg $0x0  }
0xa8: {  	s5 =	sshll.u32 s28, $0x1;
	[dreg:$0x2] =	wrdreg s3  }
0xa9: {  	[dreg:$0x3] =	wrdreg s5  }
0xaa: {  	[dreg:$0x4] =	wrdreg $0xC0  }
0xab: {  	_ =	task [dreg:s7], $0x5FFFF  }
0xac: {  	[dreg:$0x1] =	wrdreg $0xFFFFFFFF  }
0xad: {  	[dreg:$0x0] =	wrdreg $0x60  }
0xae: {  	[dreg:$0x2] =	wrdreg s24  }
0xaf: {  	[dreg:$0x3] =	wrdreg s2  }
0xb0: {  	[dreg:$0x4] =	wrdreg $0x138800  }
0xb1: {  	[dreg:$0x5] =	wrdreg $0x9  }
0xb2: {  	_ =	task.clear_ibuf [dreg:s7], $0x6FFFF;
	_ =	strace $0x9000004C  }
0xb3: {  	s29 =	simm.s32 $0x9;
	_ =	strace $0x8000004E  }
0xb4: {  	_ =	swait.ge [sflag:s29], $0x1  }
0xb5: {  	[sflag:s29] =	ssyncadd.s32 $0xFFFFFFFF  }
0xb6: {  	_ =	strace $0x9000004E  }
0xb7: {  	_ =	sfence  }
0xb8: {  	s30 =	sld [smem:$0x0];
	_ =	sdelay $0x2  }
0xb9: {  	s31 =	sshll.u32 s1, $0xD;
	s1 =	sshrl.u32 s1, $0x2  }
0xba: {  	s3 =	sand.u32 $0x4000, s31;
	s1 =	sadd.s32 s1, s30  }
0xbb: {  	s0 =	sor.u32 s3, s0;
	s1 =	sshll.u32 s1, $0x11  }
0xbc: {  	s0 =	sor.u32 s1, s0  }
0xbd: {  	s0 =	sadd.s32 $0x8F2B, s0  }
0xbe: {  	[sflag:s0] =	ssyncadd.remote.s32 $0x1  }
0xbf: {  	_ =	sfence.sel $0xFFFF  }
0xc0: {  	[dreg:$0x0] =	wrdreg $0xFFFFFFFF;
	(pc) =	sbr.abs _section_cstart, $3  }
0xc1: {  	[dreg:$0x1] =	wrdreg $0xFFFFFFFF  }
0xc2: {  	_ =	task.clear_ibuf [dreg:s7], $0x2FFFF;
	_ =	strace $0x9FFFFFFF  }
0xc3: {  	(tm) =	ssettm $0x7FFFFFFF  }
tec
execute0_lowered:
.L_overlay_start_1:
0x0: {  	(tag) =	ssettag $0x1  }
0x1: {  	s0 =	srdreg.scid  }
0x2: {  	s1 =	rddreg [dreg:$0x0];
	s15 =	stileid.u32  }
0x3: {  	s3 =	rddreg [dreg:$0x2];
	s4 =	simm.s32 $0x0;
	s16 =	simm.s32 $0x640  }
0x4: {  	s17 =	simm.s32 $0x1;
	s18 =	simm.s32 $0x7D0;
	s19 =	simm.s32 $0x190  }
0x5: {  	s20 =	simm.s32 $0xC80;
	s21 =	simm.s32 $0x2;
	s28 =	simm.s32 $0xAF0  }
0x6: {  	s29 =	simm.s32 $0x4B0;
	s30 =	simm.s32 $0x3;
	s22 =	smul.u32 $0x1D4C0, s15  }
0x7: {  	s31 =	simm.s32 $0xA280;
	s0 =	sand.u32 $0x1, s0;
	s9 =	smul.u32 $0xED0, s15  }
0x8: {  	[smem:$0x7FF] =	sst s4;
	s6 =	sadd.s32 $0x1C00, s1;
	s11 =	smul.u32 $0x1DA00, s15  }
0x9: {  	s7 =	sadd.s32 $0x15600, s1;
	s1 =	sadd.s32 $0x24200, s1;
	s14 =	smul.u32 $0x2710, s15  }
0xa: {  	s23 =	sshll.u32 s15, $0x6;
	p0 =	seq.s32 s15, $0xF;
	s8 =	smul.u32 $0xEA60, s0  }
0xb: {  	s2 =	sshll.u32 s0, $0x4;
	_ =	strace $0x8000004D;
	s13 =	smul.u32 $0x75300, s0  }
0xc: {  	s10 =	ssub.s32 $0x2, s0;
	s0 =	smul.u32 $0x27100, s0;
	s2 =	sor.u32 s15, s2  }
0xd: {  	s12 =	sshrl.u32 s10, $0x1;
	s11 =	sshrl.u32 s11, $0x2;
	s5 =	smul.u32 $0x2710, s2  }
0xe: {  	s2 =	sshrl.u32 s22, $0x2;
	s10 =	ssub.s32 s10, s12;
	s9 =	sadd.s32 s9, s8  }
0xf: {  	s8 =	sor.u32 $0x1C0D, s23;
	s24 =	sshrl.u32 s13, $0x3;
	s0 =	sadd.s32 s14, s0  }
0x10: {  	s22 =	simm.s32 $0x960;
	s23 =	simm.s32 $0x320;
	s2 =	sadd.s32 s2, s3  }
0x11: {  	s9 =	sadd.s32 s1, s9;
	s1 =	sadd.s32 s1, s24;
	s25 =	sadd.s32 $0x4E200, s0  }
0x12: {  	s0 =	sshrl.u32 s0, $0x3;
	s10 =	smax.u32 s10, $0x1;
	[dreg:$0x4] =	wrdreg s9  }
0x13: {  	s9 =	sadd.s32 s11, s3;
	s1 =	sadd.s32 $0xDE30, s1;
	s11 =	sadd.s32 $0x6F180, s3  }
0x14: {  	[dreg:$0x6] =	wrdreg s10;
	s0 =	sadd.s32 s0, s6;
	s26 =	sshrl.u32 s2, $0x3  }
0x15: {  	s2 =	simm.s32 $0x8;
	s10 =	simm.s32 $0xC;
	[dreg:$0x5] =	wrdreg s1  }
.Ltmp0:
0x16: {  	s1 =	sshrl.u32 s25, $0x3;
	[dreg:$0x8] =	wrdreg s0;
	(pc) =	sbr.rel .LBB2_1-.Ltmp0, $4  }
0x17: {  	[dreg:$0x9] =	wrdreg s26;
	s0 =	sshrl.u32 @p0 s11, $0x3;
	s26 =	simm.s32 $0x5780  }
0x18: {  	s11 =	simm.s32 $0x0;
	s1 =	sadd.s32 s1, s6;
	[dreg:$0xa] =	wrdreg s0  }
0x19: {  	s0 =	sshrl.u32 @!p0 s9, $0x3;
	s9 =	simm.s32 $0xED80;
	[dreg:$0x7] =	wrdreg s1  }
0x1a: {  	[dreg:$0xb] =	wrdreg s0;
	s1 =	simm.s32 $0x5;
	s0 =	simm.s32 $0x9  }
.LBB2_9:
0x1b: {  	_ =	swait.ge [sflag:s0], $0x4B00  }
0x1c: {  	[sflag:s0] =	ssyncset.done $0x0  }
0x1d: {  	[sflag:s0] =	ssyncadd.s32 $0xFFFFB500  }
0x1e: {  	[bflag:$0x0] =	sbarrier.arrive $0xFFFF  }
0x1f: {  	s12 =	rddreg [dreg:$0x5]  }
0x20: {  	s13 =	rddreg [dreg:$0xa]  }
0x21: {  	[hbm:s12], [sflag:s8] =	dma.local @p0 [spmem:s13], $0xC30  }
0x22: {  	s12 =	simm.s32 @p0 $0xD  }
0x23: {  	_ =	swait.ge @p0 [sflag:s12], $0xC30  }
0x24: {  	[sflag:s12] =	ssyncset.done @p0 $0x0;
	s13 =	rddreg [dreg:$0xb]  }
0x25: {  	[sflag:s12] =	ssyncadd.s32 @p0 $0xFFFFF3D0;
	s12 =	rddreg [dreg:$0x4]  }
0x26: {  	[hbm:s12], [sflag:s8] =	dma.local @!p0 [spmem:s13], $0xED0  }
0x27: {  	s12 =	simm.s32 @!p0 $0xD  }
0x28: {  	_ =	swait.ge @!p0 [sflag:s12], $0xED0  }
0x29: {  	s11 =	sadd.s32 $0x1, s11;
	s25 =	rddreg [dreg:$0x6]  }
0x2a: {  	p1 =	sne.s32 s11, s25  }
.Ltmp1:
0x2b: {  	_ = 	snop;
	(pc) =	sbr.rel @!p1 .LBB2_10-.Ltmp1, $3  }
0x2c: {  	_ =	sdelay $0x1  }
0x2d: {  	[sflag:s12] =	ssyncset.done @!p0 $0x0  }
0x2e: {  	[sflag:s12] =	ssyncadd.s32 @!p0 $0xFFFFF130  }
.LBB2_1:
0x2f: {  	s12 =	rddreg [dreg:$0x1]  }
0x30: {  	s13 =	rddreg [dreg:$0x9];
	s25 =	simm.s32 $0xD  }
0x31: {  	[spmem:s13], [sflag:s8] =	dma.local [hbm:s12], $0xEA6  }
0x32: {  	_ =	swait.ge [sflag:s25], $0xEA6  }
.Ltmp2:
0x33: {  	[sflag:s25] =	ssyncset.done $0x0;
	(pc) =	sbr.rel .LBB2_2-.Ltmp2, $4  }
0x34: {  	[sflag:s25] =	ssyncadd.s32 $0xFFFFF15A  }
0x35: {  	[bflag:$0x0] =	sbarrier.arrive $0xFFFF  }
0x36: {  	s13 =	rddreg [dreg:$0x8]  }
0x37: {  	s14 =	simm.s32 $0x3;
	s12 =	rddreg [dreg:$0x7]  }
.LBB2_7:
0x38: {  	s15 =	smul.u32 $0x190, s24;
	_ =	sdelay $0x1  }
0x39: {  	s15 =	sadd.s32 s5, s15  }
0x3a: {  	s15 =	sshrl.u32 s15, $0x3  }
0x3b: {  	s15 =	sadd.s32 s6, s15  }
0x3c: {  	s25 =	sadd.s32 $0x9C40, s15  }
0x3d: {  	[tilespmem:s28], [sflag:$0x4] =	stream.linear.gather [hbm4b:s25+s4], $0x190, $0x38;
	[tilespmem:$0x1ADB0] =	vst v63  }
0x3e: {  	_ = 	snop  }
0x3f: {  	[tilespmem:s29], [sflag:$0x4] =	stream.linear.gather [hbm4b:s15+s4], $0x190, $0x38;
	[tilespmem:$0x1ADB0] =	vst v63  }
0x40: {  	_ =	swait.ge [sflag:s30], $0x190  }
0x41: {  	[sflag:s30] =	ssyncset.done $0x0  }
0x42: {  	[sflag:s30] =	ssyncadd.s32 $0xFFFFFE70  }
0x43: {  	_ =	swait.ge [sflag:s30], $0x190  }
0x44: {  	[sflag:s30] =	ssyncset.done $0x0  }
0x45: {  	[sflag:s30] =	ssyncadd.s32 $0xFFFFFE70  }
0x46: {  	[tilespmem:s31], [sflag:$0x7] =	stream.indirect.gather [hbm4b:s7+s19], $0x30, s23, s19, $0xb8;
	[tilespmem:$0x1ADB0] =	vst v63  }
.LBB2_8:
0x47: {  	s14 =	sadd.s32 $0x4, s14  }
0x48: {  	p1 =	sne.s32 s14, $0x1F  }
.Ltmp3:
0x49: {  	_ = 	snop;
	(pc) =	sbr.rel @!p1 .LBB2_9-.Ltmp3, $4  }
0x4a: {  	_ =	swait.ge [sflag:s1], $0x4B00  }
0x4b: {  	[sflag:s1] =	ssyncset.done $0x0  }
0x4c: {  	s12 =	sadd.s32 $0xC8, s12;
	s13 =	sadd.s32 $0xC8, s13;
	[sflag:s1] =	ssyncadd.s32 $0xFFFFB500  }
0x4d: {  	[spmem:s3] =	stream.indirect.scatter.add.f32 [tilespmem:s20], [sflag:$0x9], $0x30, s16, s19, $0xb8;
	[tilespmem:$0x1ADB0] =	vst v63  }
.LBB2_2:
0x4e: {  	p1 =	seq.s32 s14, $0x3  }
0x4f: {  	s24 =	simm.s32 @!p1 $0x9  }
0x50: {  	_ =	swait.ge @!p1 [sflag:s24], $0x4B00  }
0x51: {  	s25 =	sadd.s32 $0xFFFFFFFC, s14;
	[sflag:s24] =	ssyncset.done @!p1 $0x0  }
0x52: {  	p2 =	sgt.u32 s25, $0x18;
	[sflag:s24] =	ssyncadd.s32 @!p1 $0xFFFFB500  }
0x53: {  	[tilespmem:s16], [sflag:$0x1] =	stream.linear.gather [hbm4b:s12+s4], $0x190, $0x38;
	[tilespmem:$0x1ADB0] =	vst v63  }
0x54: {  	s24 =	simm.s32 @!p2 $0x4  }
0x55: {  	[tilespmem:s4], [sflag:$0x1] =	stream.linear.gather [hbm4b:s13+s4], $0x190, $0x38;
	[tilespmem:$0x1ADB0] =	vst v63  }
0x56: {  	_ =	swait.ge @!p2 [sflag:s24], $0x190  }
0x57: {  	[sflag:s24] =	ssyncset.done @!p2 $0x0  }
0x58: {  	[sflag:s24] =	ssyncadd.s32 @!p2 $0xFFFFFE70  }
0x59: {  	_ =	swait.ge @!p2 [sflag:s24], $0x190  }
0x5a: {  	s25 =	simm.s32 @!p2 $0x4B0;
	[sflag:s24] =	ssyncset.done @!p2 $0x0  }
0x5b: {  	s15 =	simm.s32 @!p2 $0xED80;
	[sflag:s24] =	ssyncadd.s32 @!p2 $0xFFFFFE70;
	s24 =	simm.s32 @!p2 $0x190  }
0x5c: {  	[tilespmem:s15], [sflag:$0x8] =	stream.indirect.gather @!p2 [hbm4b:s7+s24], $0x30, s25, s24, $0xb8;
	[tilespmem:$0x1ADB0] =	vst v63  }
0x5d: {  	s15 =	simm.s32 @!p1 $0x6  }
0x5e: {  	_ =	swait.ge @!p1 [sflag:s15], $0x4B00  }
0x5f: {  	s24 =	simm.s32 @!p1 $0x190;
	[sflag:s15] =	ssyncset.done @!p1 $0x0  }
0x60: {  	s25 =	simm.s32 @!p1 $0x5780;
	[sflag:s15] =	ssyncadd.s32 @!p1 $0xFFFFB500;
	s15 =	simm.s32 @!p1 $0x7D0  }
0x61: {  	[spmem:s3] =	stream.indirect.scatter.add.f32 @!p1 [tilespmem:s25], [sflag:$0xA], $0x30, s15, s24, $0xb8;
	[tilespmem:$0x1ADB0] =	vst v63  }
0x62: {  	s25 =	sadd.s32 @!p1 $0xFFFFFFFE, s14  }
0x63: {  	p2 =	sgt.u32 @!p1 s25, $0x18  }
0x64: {  	p2 =	por p1, !p2  }
.Ltmp4:
0x65: {  	_ = 	snop;
	(pc) =	sbr.rel @!p2 .LBB2_4-.Ltmp4, $4  }
0x66: {  	s15 =	simm.s32 @!p1 $0xA  }
0x67: {  	_ =	swait.ge @!p1 [sflag:s15], $0x4B00  }
0x68: {  	[sflag:s15] =	ssyncset.done @!p1 $0x0  }
0x69: {  	[sflag:s15] =	ssyncadd.s32 @!p1 $0xFFFFB500  }
0x6a: {  	s25 =	simm.s32 @p1 $0x1  }
0x6b: {  	s15 =	smul.u32 $0x190, s25;
	_ =	sdelay $0x1  }
0x6c: {  	s15 =	sadd.s32 s5, s15  }
0x6d: {  	s15 =	sshrl.u32 s15, $0x3  }
0x6e: {  	s15 =	sadd.s32 s6, s15  }
0x6f: {  	s25 =	sadd.s32 $0x9C40, s15  }
0x70: {  	[tilespmem:s18], [sflag:$0x2] =	stream.linear.gather [hbm4b:s25+s4], $0x190, $0x38;
	[tilespmem:$0x1ADB0] =	vst v63  }
0x71: {  	_ = 	snop  }
0x72: {  	[tilespmem:s19], [sflag:$0x2] =	stream.linear.gather [hbm4b:s15+s4], $0x190, $0x38;
	[tilespmem:$0x1ADB0] =	vst v63  }
.LBB2_4:
0x73: {  	_ =	swait.ge [sflag:s17], $0x190  }
0x74: {  	[sflag:s17] =	ssyncset.done $0x0  }
0x75: {  	[sflag:s17] =	ssyncadd.s32 $0xFFFFFE70  }
0x76: {  	_ =	swait.ge [sflag:s17], $0x190  }
0x77: {  	[sflag:s17] =	ssyncset.done $0x0  }
0x78: {  	s15 =	simm.s32 @!p1 $0x7;
	[sflag:s17] =	ssyncadd.s32 $0xFFFFFE70  }
0x79: {  	[tilespmem:s20], [sflag:$0x5] =	stream.indirect.gather [hbm4b:s7+s19], $0x30, s4, s19, $0xb8;
	[tilespmem:$0x1ADB0] =	vst v63  }
0x7a: {  	_ =	swait.ge @!p1 [sflag:s15], $0x4B00  }
0x7b: {  	[sflag:s15] =	ssyncset.done @!p1 $0x0  }
0x7c: {  	s25 =	simm.s32 @!p1 $0xA280;
	[sflag:s15] =	ssyncadd.s32 @!p1 $0xFFFFB500;
	s15 =	simm.s32 @!p1 $0x960  }
0x7d: {  	[spmem:s3] =	stream.indirect.scatter.add.f32 @!p1 [tilespmem:s25], [sflag:$0xB], $0x30, s15, s24, $0xb8;
	[tilespmem:$0x1ADB0] =	vst v63  }
0x7e: {  	s24 =	sadd.s32 @!p1 $0xFFFFFFFF, s14  }
0x7f: {  	p2 =	sgt.u32 @!p1 s24, $0x18  }
0x80: {  	p2 =	por p1, !p2  }
.Ltmp5:
0x81: {  	_ = 	snop;
	(pc) =	sbr.rel @!p2 .LBB2_6-.Ltmp5, $4  }
0x82: {  	s15 =	simm.s32 @!p1 $0xB  }
0x83: {  	_ =	swait.ge @!p1 [sflag:s15], $0x4B00  }
0x84: {  	[sflag:s15] =	ssyncset.done @!p1 $0x0  }
0x85: {  	[sflag:s15] =	ssyncadd.s32 @!p1 $0xFFFFB500  }
0x86: {  	s24 =	simm.s32 @p1 $0x2  }
0x87: {  	s15 =	smul.u32 $0x190, s24;
	_ =	sdelay $0x1  }
0x88: {  	s15 =	sadd.s32 s5, s15  }
0x89: {  	s15 =	sshrl.u32 s15, $0x3  }
0x8a: {  	s15 =	sadd.s32 s6, s15  }
0x8b: {  	s25 =	sadd.s32 $0x9C40, s15  }
0x8c: {  	[tilespmem:s22], [sflag:$0x3] =	stream.linear.gather [hbm4b:s25+s4], $0x190, $0x38;
	[tilespmem:$0x1ADB0] =	vst v63  }
0x8d: {  	_ = 	snop  }
0x8e: {  	[tilespmem:s23], [sflag:$0x3] =	stream.linear.gather [hbm4b:s15+s4], $0x190, $0x38;
	[tilespmem:$0x1ADB0] =	vst v63  }
0x8f: {  	_ =	swait.ge [sflag:s21], $0x190  }
0x90: {  	[sflag:s21] =	ssyncset.done $0x0  }
.Ltmp6:
0x91: {  	[sflag:s21] =	ssyncadd.s32 $0xFFFFFE70;
	(pc) =	sbr.rel @p1 .LBB2_7-.Ltmp6, $4  }
0x92: {  	_ =	swait.ge [sflag:s21], $0x190  }
0x93: {  	[sflag:s21] =	ssyncset.done $0x0  }
0x94: {  	s24 =	simm.s32 $0x3;
	[sflag:s21] =	ssyncadd.s32 $0xFFFFFE70  }
0x95: {  	[tilespmem:s26], [sflag:$0x6] =	stream.indirect.gather [hbm4b:s7+s19], $0x30, s19, s19, $0xb8;
	[tilespmem:$0x1ADB0] =	vst v63  }
.LBB2_6:
0x96: {  	_ =	swait.ge [sflag:s2], $0x4B00  }
0x97: {  	[sflag:s2] =	ssyncset.done $0x0  }
0x98: {  	p1 =	sgt.u32 s14, $0x18;
	[sflag:s2] =	ssyncadd.s32 $0xFFFFB500  }
0x99: {  	[spmem:s3] =	stream.indirect.scatter.add.f32 [tilespmem:s9], [sflag:$0xC], $0x30, s28, s19, $0xb8;
	[tilespmem:$0x1ADB0] =	vst v63  }
.Ltmp7:
0x9a: {  	_ = 	snop;
	(pc) =	sbr.rel @p1 .LBB2_8-.Ltmp7, $4  }
.Ltmp8:
0x9b: {  	_ = 	snop;
	(pc) =	sbr.rel @!p1 .LBB2_7-.Ltmp8, $4  }
0x9c: {  	_ =	swait.ge [sflag:s10], $0x4B00  }
0x9d: {  	[sflag:s10] =	ssyncset.done $0x0  }
0x9e: {  	s24 =	smov.u32 s14;
	[sflag:s10] =	ssyncadd.s32 $0xFFFFB500  }
0x9f: {  	_ = 	snop  }
.LBB2_10:
0xa0: {  	_ =	sfence.sel $0x180000  }
0xa1: {  	[bflag:$0x0] =	sbarrier.arrive $0xFFFF  }
0xa2: {  	_ =	strace $0x9000004D  }
0xa3: {  	s0 =	stileid.u32;
	[bflag:$0x2] =	sbarrier.arrive $0xFFFF  }
0xa4: {  	p0 =	sne.s32 s0, $0x0;
	s0 =	rddreg [dreg:$0x3]  }
0xa5: {  	s0 =	sadd.s32 @!p0 $0x100000, s0  }
0xa6: {  	[sflag:s0] =	ssyncadd.tile.s32 @!p0 $0x1;
	_ =	shalt  }
.Lfunc_end2:
_tile_overlayer_lowered:
.L_overlay_start_2:
0xa7: {  	(tag) =	ssettag $0x2  }
0xa8: {  	s0 =	rddreg [dreg:$0x0];
	s2 =	stileid.u32  }
0xa9: {  	s1 =	rddreg [dreg:$0x1];
	p0 =	sne.s32 s2, $0x0  }
0xaa: {  	s3 =	rddreg [dreg:$0x2];
	[bflag:$0x3] =	sbarrier.arrive $0xFFFF;
	s2 =	simm.s32 @!p0 $0x1C0D  }
0xab: {  	[timem:s3], [sflag:s2] =	dma.local @!p0 [hbm:s0], s1  }
0xac: {  	s0 =	simm.s32 @!p0 $0xD  }
0xad: {  	_ =	swait.ge @!p0 [sflag:s0], s1  }
0xae: {  	s1 =	ssub.s32 @!p0 $0x0, s1;
	[sflag:s0] =	ssyncset.done @!p0 $0x0  }
0xaf: {  	[sflag:s0] =	ssyncadd.s32 @!p0 s1  }
0xb0: {  	[bflag:$0x3] =	sbarrier.arrive $0xFFFF  }
0xb1: {  	_ =	shalt  }

// kernel: kernel.8.cloned.1.call-start
scs
__scs_entry_jumppad:
0x0: {  	(pc) =	sbr.rel $0x88, $3  }
0x1: {  	(tag) =	ssettag $0x0;
	lr =	simm.s32 $0x1  }
0x2: {  	[smem:$0x3F9B] =	sst lr;
	_ =	strace $0xD0000000  }
0x3: {  	_ = 	snop  }
0x4: {  	_ = 	snop  }
0x5: {  	_ = 	snop  }
0x6: {  	_ = 	snop  }
0x7: {  	_ = 	snop  }
__scs_overlays_trampoline_lowered:
0x8: {  	[smem:$0x3FAA] =	sst s0  }
0x9: {  	[smem:$0x3FAB] =	sst s1  }
0xa: {  	[smem:$0x3FAC] =	sst s2  }
0xb: {  	[smem:$0x3FAD] =	sst s3  }
0xc: {  	[smem:$0x3FAE] =	sst s4  }
0xd: {  	[smem:$0x3FAF] =	sst s5  }
0xe: {  	[smem:$0x3FB0] =	sst s6  }
0xf: {  	[smem:$0x3FB1] =	sst s7  }
0x10: {  	[smem:$0x3FB2] =	sst s8  }
0x11: {  	[smem:$0x3FB3] =	sst s9;
	s0 =	simm.s32 @!p0 $0x0  }
0x12: {  	s1 =	sld [smem:$0x3F99];
	s0 =	simm.s32 @p0 $0x1  }
0x13: {  	[smem:$0x3FB4] =	sst s0;
	s0 =	simm.s32 @!p1 $0x0  }
0x14: {  	s2 =	sld [smem:$0x3F98];
	s0 =	simm.s32 @p1 $0x1  }
0x15: {  	[smem:$0x3FB5] =	sst s0;
	s0 =	simm.s32 @!p2 $0x0  }
0x16: {  	s3 =	sld [smem:$0x3FDB];
	s0 =	simm.s32 @p2 $0x1  }
0x17: {  	s4 =	simm.s32 $0x1BF5;
	[smem:$0x3FB7] =	sst s0  }
0x18: {  	s0 =	sld [smem:$0x3F9A];
	_ =	swait.ge [sflag:s4], $0x0  }
0x19: {  	s7 =	sld [smem:$0x3F9B]  }
0x1a: {  	s8 =	sadd.s32 $0xFFFFE003, lr  }
0x1b: {  	s9 =	sadd.s32 $0xFFFFFEF7, lr;
	s5 =	simm.s32 $0xFFFFFFFF;
	p2 =	slt.u32 s8, $0xFFFFF086  }
0x1c: {  	p1 =	slt.u32 s9, $0xF7A;
	s5 =	simm.s32 @!p2 $0x0  }
0x1d: {  	s5 =	simm.s32 @p1 $0x1;
	p0 =	seq.s32 s7, s2  }
0x1e: {  	s7 =	smul.u32 @!p0 $0xF7A, s2;
	p2 =	seq.s32 @!p0 s5, $0x0  }
0x1f: {  	s9 =	smul.u32 $0xF7A, s1;
	s8 =	simm.s32 @!p0 $0x1BF5;
	p2 =	por !p2, p0  }
0x20: {  	[sflag:s8] =	ssyncset.s32 @!p0 $0xFFFFF086;
	s6 =	sadd.s32 @!p0 s3, s7;
	s7 =	simm.s32 @!p0 $0x108  }
0x21: {  	s3 =	sadd.s32 s3, s9;
	s6 =	sadd.s32 @!p0 $0x88, s6;
	s7 =	simm.s32 @p2 $0x1082  }
0x22: {  	[simem:s7], [sflag:s8] =	dma.local @!p0 [hbm:s6], $0xF7A  }
0x23: {  	s9 =	sor.u32 $0xD0000000, s2;
	s6 =	simm.s32 $0x108;
	_ =	swait.ge @!p0 [sflag:s8], $0x0  }
0x24: {  	s3 =	sadd.s32 $0x88, s3;
	s6 =	simm.s32 @!p1 $0x1082;
	[sflag:s4] =	ssyncset.s32 $0xFFFFF086  }
0x25: {  	[simem:s6], [sflag:s4] =	dma.local [hbm:s3], $0xF7A  }
0x26: {  	[smem:$0x3F9B] =	sst s1;
	(tag) =	ssettag s2;
	_ =	strace s9  }
0x27: {  	s1 =	sld [smem:$0x3FAB]  }
0x28: {  	s2 =	sld [smem:$0x3FAC]  }
0x29: {  	s4 =	sld [smem:$0x3FAE]  }
0x2a: {  	p0 =	seq.s32 s5, $0x0;
	s5 =	sld [smem:$0x3FAF]  }
0x2b: {  	s6 =	sld [smem:$0x3FB0]  }
0x2c: {  	s7 =	sld [smem:$0x3FB1]  }
0x2d: {  	s3 =	simm.s32 $0x108;
	s8 =	sld [smem:$0x3FB2]  }
0x2e: {  	s3 =	simm.s32 @!p0 $0x1082;
	s9 =	sld [smem:$0x3FB3]  }
0x2f: {  	lr =	sadd.s32 s0, s3;
	s0 =	sld [smem:$0x3FAA]  }
0x30: {  	s3 =	sld [smem:$0x3FAD]  }
0x31: {  	[smem:$0x3FB6] =	sst s10  }
0x32: {  	s10 =	sld [smem:$0x3FB4];
	_ =	sdelay $0x3  }
0x33: {  	p0 =	seq.s32 s10, $0x1;
	s10 =	sld [smem:$0x3FB6];
	_ =	sdelay $0x3  }
0x34: {  	[smem:$0x3FB6] =	sst s10  }
0x35: {  	s10 =	sld [smem:$0x3FB5];
	_ =	sdelay $0x3  }
0x36: {  	p1 =	seq.s32 s10, $0x1;
	s10 =	sld [smem:$0x3FB6];
	_ =	sdelay $0x3  }
0x37: {  	[smem:$0x3FB6] =	sst s10  }
0x38: {  	s10 =	sld [smem:$0x3FB7]  }
0x39: {  	_ = 	snop;
	(pc) =	sbr.ind lr, $3  }
0x3a: {  	_ = 	snop  }
0x3b: {  	_ = 	snop  }
0x3c: {  	p2 =	seq.s32 s10, $0x1;
	s10 =	sld [smem:$0x3FB6]  }
0x3d: {  	_ =	shalt  }
0x3e: {  	_ =	shalt  }
0x3f: {  	_ =	shalt  }
0x40: {  	_ =	shalt  }
0x41: {  	_ =	shalt  }
0x42: {  	_ =	shalt  }
0x43: {  	_ =	shalt  }
0x44: {  	_ =	shalt  }
0x45: {  	_ =	shalt  }
0x46: {  	_ =	shalt  }
0x47: {  	_ =	shalt  }
0x48: {  	_ =	shalt  }
0x49: {  	_ =	shalt  }
0x4a: {  	_ =	shalt  }
0x4b: {  	_ =	shalt  }
0x4c: {  	_ =	shalt  }
0x4d: {  	_ =	shalt  }
0x4e: {  	_ =	shalt  }
0x4f: {  	_ =	shalt  }
0x50: {  	_ =	shalt  }
0x51: {  	_ =	shalt  }
0x52: {  	_ =	shalt  }
0x53: {  	_ =	shalt  }
0x54: {  	_ =	shalt  }
0x55: {  	_ =	shalt  }
0x56: {  	_ =	shalt  }
0x57: {  	_ =	shalt  }
0x58: {  	_ =	shalt  }
0x59: {  	_ =	shalt  }
0x5a: {  	_ =	shalt  }
0x5b: {  	_ =	shalt  }
0x5c: {  	_ =	shalt  }
0x5d: {  	_ =	shalt  }
0x5e: {  	_ =	shalt  }
0x5f: {  	_ =	shalt  }
0x60: {  	_ =	shalt  }
0x61: {  	_ =	shalt  }
0x62: {  	_ =	shalt  }
0x63: {  	_ =	shalt  }
0x64: {  	_ =	shalt  }
0x65: {  	_ =	shalt  }
0x66: {  	_ =	shalt  }
0x67: {  	_ =	shalt  }
0x68: {  	_ =	shalt  }
0x69: {  	_ =	shalt  }
0x6a: {  	_ =	shalt  }
0x6b: {  	_ =	shalt  }
0x6c: {  	_ =	shalt  }
0x6d: {  	_ =	shalt  }
0x6e: {  	_ =	shalt  }
0x6f: {  	_ =	shalt  }
0x70: {  	_ =	shalt  }
0x71: {  	_ =	shalt  }
0x72: {  	_ =	shalt  }
0x73: {  	_ =	shalt  }
0x74: {  	_ =	shalt  }
0x75: {  	_ =	shalt  }
0x76: {  	_ =	shalt  }
0x77: {  	_ =	shalt  }
0x78: {  	_ =	shalt  }
0x79: {  	_ =	shalt  }
0x7a: {  	_ =	shalt  }
0x7b: {  	_ =	shalt  }
0x7c: {  	_ =	shalt  }
0x7d: {  	_ =	shalt  }
0x7e: {  	_ =	shalt  }
0x7f: {  	_ =	shalt  }
0x80: {  	_ =	shalt  }
0x81: {  	_ =	shalt  }
0x82: {  	_ =	shalt  }
0x83: {  	_ =	shalt  }
0x84: {  	_ =	shalt  }
0x85: {  	_ =	shalt  }
0x86: {  	_ =	shalt  }
0x87: {  	_ =	shalt  }
.Lfunc_end0:
.L_simem_size_0:
called_computation_lowered:
.L_overlay_start_0:
0x88: {  	s2 =	sld [smem:$0x3FD9]  }
0x89: {  	s3 =	sld [smem:$0x3FFE];
	_ =	sdelay $0x1  }
0x8a: {  	s1 =	srdreg.scid  }
0x8b: {  	s0 =	sand.u32 $0x1, s1  }
0x8c: {  	s17 =	sshll.u32 s0, $0xA;
	s2 =	sadd.s32 s3, s2  }
0x8d: {  	s2 =	sadd.s32 s2, s17  }
0x8e: {  	[smem:$0x3FC2] =	sst s2  }
0x8f: {  	_ = 	snop  }
0x90: {  	s2 =	sld [smem:$0x3FD0];
	(tm) =	ssettm $0x1  }
0x91: {  	s18 =	sld [smem:$0x3FFB];
	_ =	sdelay $0x3  }
0x92: {  	_ =	strace s18  }
0x93: {  	s3 =	sld [smem:$0x3FFC];
	_ =	sdelay $0x3  }
0x94: {  	_ =	strace s3  }
0x95: {  	s3 =	sld [smem:$0x3FFD];
	_ =	sdelay $0x3  }
0x96: {  	_ =	strace s3  }
0x97: {  	_ =	strace $0x8FFFFFFF  }
0x98: {  	s19 =	sld [smem:$0x3FDB];
	_ =	sdelay $0x1  }
0x99: {  	s4 =	simm.s32 $_scs_section_size  }
0x9a: {  	s5 =	simm.s32 $_size__tile_overlayer_lowered;
	s6 =	simm.s32 $_tile_overlayer_lowered  }
0x9b: {  	s22 =	simm.s32 $0x1BFF;
	s21 =	sshll.u32 s6, $0x1;
	s3 =	sadd.s32 s4, s19  }
0x9c: {  	s7 =	simm.s32 $0x0;
	s20 =	sshll.u32 s5, $0x1;
	s5 =	sadd.s32 s21, s3  }
0x9d: {  	[timem:s7], [sflag:s22] =	dma.local [hbm:s5], s20  }
0x9e: {  	_ =	swait.ge [sflag:s22], s20  }
0x9f: {  	s4 =	ssub.s32 $0x0, s20;
	[sflag:s22] =	ssyncset.done $0x0  }
0xa0: {  	[sflag:s22] =	ssyncadd.s32 s4;
	_ =	sdelay $0x1  }
0xa1: {  	s23 =	simm.s32 $0x1B8B  }
0xa2: {  	_ =	swait.ge [sflag:s23], $0x1  }
0xa3: {  	[sflag:s23] =	ssyncset.done $0x0  }
0xa4: {  	s25 =	simm.s32 $0x1B8E;
	s24 =	sld [smem:$0x3FFE];
	[sflag:s23] =	ssyncadd.s32 $0xFFFFFFFF  }
0xa5: {  	s26 =	simm.s32 $execute0_lowered;
	[smem:$0x3FD2] =	sst s25  }
0xa6: {  	s5 =	sshll.u32 s26, $0x1;
	_ =	strace $0x80000046;
	[dreg:$0x1] =	wrdreg $0xFFFFFFFF  }
0xa7: {  	s28 =	simm.s32 $_size_execute0_lowered;
	s3 =	sadd.s32 s3, s5;
	[dreg:$0x0] =	wrdreg $0x0  }
0xa8: {  	s5 =	sshll.u32 s28, $0x1;
	[dreg:$0x2] =	wrdreg s3  }
0xa9: {  	[dreg:$0x3] =	wrdreg s5  }
0xaa: {  	[dreg:$0x4] =	wrdreg $0xC0  }
0xab: {  	_ =	task [dreg:s7], $0x5FFFF  }
0xac: {  	[dreg:$0x1] =	wrdreg $0xFFFFFFFF  }
0xad: {  	[dreg:$0x0] =	wrdreg $0x60  }
0xae: {  	[dreg:$0x2] =	wrdreg s24  }
0xaf: {  	[dreg:$0x3] =	wrdreg s2  }
0xb0: {  	[dreg:$0x4] =	wrdreg $0x2E900  }
0xb1: {  	[dreg:$0x5] =	wrdreg $0x9  }
0xb2: {  	_ =	task.clear_ibuf [dreg:s7], $0x6FFFF;
	_ =	strace $0x90000046  }
0xb3: {  	s29 =	simm.s32 $0x9;
	_ =	strace $0x80000048  }
0xb4: {  	_ =	swait.ge [sflag:s29], $0x1  }
0xb5: {  	[sflag:s29] =	ssyncadd.s32 $0xFFFFFFFF  }
0xb6: {  	_ =	strace $0x90000048  }
0xb7: {  	_ =	sfence  }
0xb8: {  	s30 =	sld [smem:$0x0];
	_ =	sdelay $0x2  }
0xb9: {  	s31 =	sshll.u32 s1, $0xD;
	s1 =	sshrl.u32 s1, $0x2  }
0xba: {  	s3 =	sand.u32 $0x4000, s31;
	s1 =	sadd.s32 s1, s30  }
0xbb: {  	s0 =	sor.u32 s3, s0;
	s1 =	sshll.u32 s1, $0x11  }
0xbc: {  	s0 =	sor.u32 s1, s0  }
0xbd: {  	s0 =	sadd.s32 $0x8F2B, s0  }
0xbe: {  	[sflag:s0] =	ssyncadd.remote.s32 $0x1  }
0xbf: {  	_ =	sfence.sel $0xFFFF  }
0xc0: {  	[dreg:$0x0] =	wrdreg $0xFFFFFFFF;
	(pc) =	sbr.abs _section_cstart, $3  }
0xc1: {  	[dreg:$0x1] =	wrdreg $0xFFFFFFFF  }
0xc2: {  	_ =	task.clear_ibuf [dreg:s7], $0x2FFFF;
	_ =	strace $0x9FFFFFFF  }
0xc3: {  	(tm) =	ssettm $0x7FFFFFFF  }
tec
execute0_lowered:
.L_overlay_start_1:
0x0: {  	(tag) =	ssettag $0x1  }
0x1: {  	s6 =	rddreg [dreg:$0x0]  }
0x2: {  	s1 =	rddreg [dreg:$0x1]  }
0x3: {  	s2 =	rddreg [dreg:$0x2]  }
0x4: {  	s3 =	srdreg.scid;
	s4 =	stileid.u32;
	s15 =	simm.s32 $0x1  }
0x5: {  	s16 =	simm.s32 $0x190;
	s17 =	simm.s32 $0x320;
	s18 =	simm.s32 $0x2  }
0x6: {  	s19 =	simm.s32 $0x4B0;
	s20 =	simm.s32 $0x3;
	s21 =	simm.s32 $0x50  }
0x7: {  	s22 =	simm.s32 $0x2E40;
	s7 =	sand.u32 $0x1, s3;
	s3 =	simm.s32 $0x0  }
0x8: {  	s11 =	sshll.u32 s4, $0x7;
	s12 =	smul.u32 $0x2710, s4;
	s26 =	sshll.u32 s4, $0xA  }
0x9: {  	p0 =	sne.s32 s4, $0x0;
	p1 =	sgt.u32 s4, $0x9;
	s5 =	sshll.u32 s7, $0x4  }
0xa: {  	[smem:$0x7FF] =	sst s3;
	s8 =	smul.u32 $0x500, s7;
	s23 =	ssub.s32 $0x2, s7  }
0xb: {  	s10 =	smul.u32 $0x27100, s7;
	s14 =	sshrl.u32 @!p0 s2, $0x3;
	s9 =	sor.u32 s4, s5  }
0xc: {  	_ =	strace $0x80000047;
	s5 =	sadd.s32 $0x1C00, s6;
	s24 =	sshrl.u32 s23, $0x1  }
0xd: {  	s9 =	smul.u32 $0x2710, s9;
	s8 =	sadd.s32 s8, s6;
	s13 =	ssub.s32 s23, s24  }
0xe: {  	s28 =	sadd.s32 s12, s10;
	s24 =	sadd.s32 s26, s2;
	s23 =	simm.s32 $0x5  }
0xf: {  	s25 =	sadd.s32 s11, s8;
	s8 =	smax.u32 s13, $0x1;
	s10 =	sadd.s32 $0x4E6B0, s28  }
.Ltmp0:
0x10: {  	s29 =	sadd.s32 $0x4E200, s28;
	s12 =	sadd.s32 $0x4E520, s28;
	(pc) =	sbr.rel .LBB2_1-.Ltmp0, $4  }
0x11: {  	s13 =	simm.s32 $0x6;
	s24 =	sshrl.u32 @!p1 s24, $0x3;
	s6 =	sadd.s32 $0x4E200, s9  }
0x12: {  	v0 =	vlaneseq.u32;
	s7 =	sadd.s32 $0x15600, s25;
	s10 =	sshrl.u32 s10, $0x3;
	s30 =	sshrl.u32 s29, $0x3  }
0x13: {  	v5 =	vimm.f32 $1.000000000e+00;
	v1 =	vor.u32 $0x10, v0;
	s31 =	sshrl.u32 s12, $0x3;
	s12 =	simm.s32 $0x640;
	s25 =	simm.s32 $0x0  }
0x14: {  	v2 =	vor.u32 $0x20, v0;
	v3 =	vor.u32 $0x30, v0;
	v4 =	vor.u32 $0x40, v0;
	s9 =	sadd.s32 s10, s5;
	s10 =	sadd.s32 s30, s5;
	s11 =	sadd.s32 s31, s5  }
.LBB2_7:
0x15: {  	[spmem:s2] =	stream.indirect.scatter.add.f32 [tilespmem:s12], [sflag:$0x5], $0x80, s22, s21, $0xb8;
	[tilespmem:$0x3110] =	vst v63  }
0x16: {  	_ =	swait.ge [sflag:s23], $0x2800  }
0x17: {  	[sflag:s23] =	ssyncset.done $0x0  }
0x18: {  	s0 =	sshll.u32 @!p1 s4, $0x6;
	s25 =	sadd.s32 $0x1, s25;
	[sflag:s23] =	ssyncadd.s32 $0xFFFFD800  }
0x19: {  	s0 =	sor.u32 @!p1 $0x1C06, s0;
	p2 =	sne.s32 s25, s8;
	[bflag:$0x0] =	sbarrier.arrive $0xFFFF  }
0x1a: {  	[hbm:s7], [sflag:s0] =	dma.local @!p1 [spmem:s24], $0x80  }
.Ltmp1:
0x1b: {  	_ = 	snop;
	(pc) =	sbr.rel @!p2 .LBB2_8-.Ltmp1, $4  }
0x1c: {  	s0 =	simm.s32 @!p1 $0x6  }
0x1d: {  	_ =	swait.ge @!p1 [sflag:s0], $0x80  }
0x1e: {  	[sflag:s0] =	ssyncset.done @!p1 $0x0  }
0x1f: {  	[sflag:s0] =	ssyncadd.s32 @!p1 $0xFFFFFF80  }
.LBB2_1:
0x20: {  	[tilespmem:s12], [sflag:$0x6] =	stream.linear.gather [hbm4b:s1+s3], $0x2800, $0x38;
	[tilespmem:$0x3110] =	vst v63  }
0x21: {  	_ =	swait.ge [sflag:s13], $0x2800  }
0x22: {  	[sflag:s13] =	ssyncset.done $0x0  }
0x23: {  	s26 =	simm.s32 @!p0 $0x1C06;
	[sflag:s13] =	ssyncadd.s32 $0xFFFFD800  }
0x24: {  	[spmem:s14], [sflag:s26] =	dma.local @!p0 [hbm:s1], $0x500  }
0x25: {  	s26 =	simm.s32 @!p0 $0x6  }
0x26: {  	_ =	swait.ge @!p0 [sflag:s26], $0x500  }
0x27: {  	[sflag:s26] =	ssyncset.done @!p0 $0x0  }
0x28: {  	[sflag:s26] =	ssyncadd.s32 @!p0 $0xFFFFFB00  }
0x29: {  	[tilespmem:$0x2E40] =	vst v0  }
0x2a: {  	[tilespmem:$0x2E50] =	vst v1  }
.Ltmp2:
0x2b: {  	[tilespmem:$0x2E60] =	vst v2;
	(pc) =	sbr.rel .LBB2_2-.Ltmp2, $4  }
0x2c: {  	[tilespmem:$0x2E70] =	vst v3  }
0x2d: {  	[tilespmem:$0x2E80] =	vst v4  }
0x2e: {  	s28 =	smov.u32 s10;
	[bflag:$0x0] =	sbarrier.arrive $0xFFFF  }
0x2f: {  	s29 =	smov.u32 s9;
	s30 =	simm.s32 $0x2;
	s26 =	smov.u32 s11  }
.LBB2_6:
0x30: {  	s30 =	sadd.s32 $0x4, s30  }
0x31: {  	p2 =	sne.s32 s30, $0x1E  }
.Ltmp3:
0x32: {  	_ = 	snop;
	(pc) =	sbr.rel @!p2 .LBB2_7-.Ltmp3, $2  }
0x33: {  	_ =	sdelay $0x2  }
0x34: {  	s29 =	sadd.s32 $0xC8, s29;
	s28 =	sadd.s32 $0xC8, s28;
	s26 =	sadd.s32 $0xC8, s26  }
.LBB2_2:
0x35: {  	[tilespmem:s3], [sflag:$0x1] =	stream.linear.gather [hbm4b:s28+s3], $0x190, $0x38;
	[tilespmem:$0x3110] =	vst v63  }
0x36: {  	s31 =	sadd.s32 $0xFFFFFFFD, s30  }
0x37: {  	p2 =	sgt.u32 s31, $0x18  }
0x38: {  	s31 =	simm.s32 @!p2 $0x4  }
0x39: {  	_ =	swait.ge @!p2 [sflag:s31], $0x190  }
0x3a: {  	[sflag:s31] =	ssyncset.done @!p2 $0x0  }
0x3b: {  	[sflag:s31] =	ssyncadd.s32 @!p2 $0xFFFFFE70  }
0x3c: {  	v6 =	vld @!p2 [tilespmem:$0x4B0];
	_ =	sdelay $0x6  }
0x3d: {  	v7 =	vimm.f32 @!p2 $1.000000000e+00;
	s0 =	simm.s32 @!p2 $0x640  }
0x3e: {  	[tilespmem:v6+s0+$0x0] =	vst.idx.add.f32.msk @!p2 $0xffff, v7  }
0x3f: {  	v6 =	vld @!p2 [tilespmem:$0x4C0];
	_ =	sdelay $0x7  }
0x40: {  	[tilespmem:v6+s0+$0x0] =	vst.idx.add.f32.msk @!p2 $0xffff, v7  }
0x41: {  	v6 =	vld @!p2 [tilespmem:$0x4D0];
	_ =	sdelay $0x7  }
0x42: {  	[tilespmem:v6+s0+$0x0] =	vst.idx.add.f32.msk @!p2 $0xffff, v7  }
0x43: {  	v6 =	vld @!p2 [tilespmem:$0x4E0];
	_ =	sdelay $0x7  }
0x44: {  	[tilespmem:v6+s0+$0x0] =	vst.idx.add.f32.msk @!p2 $0xffff, v7  }
0x45: {  	v6 =	vld @!p2 [tilespmem:$0x4F0];
	_ =	sdelay $0x7  }
0x46: {  	[tilespmem:v6+s0+$0x0] =	vst.idx.add.f32.msk @!p2 $0xffff, v7  }
0x47: {  	v6 =	vld @!p2 [tilespmem:$0x500];
	_ =	sdelay $0x7  }
0x48: {  	[tilespmem:v6+s0+$0x0] =	vst.idx.add.f32.msk @!p2 $0xffff, v7  }
0x49: {  	v6 =	vld @!p2 [tilespmem:$0x510];
	_ =	sdelay $0x7  }
0x4a: {  	[tilespmem:v6+s0+$0x0] =	vst.idx.add.f32.msk @!p2 $0xffff, v7  }
0x4b: {  	v6 =	vld @!p2 [tilespmem:$0x520];
	_ =	sdelay $0x7  }
0x4c: {  	[tilespmem:v6+s0+$0x0] =	vst.idx.add.f32.msk @!p2 $0xffff, v7  }
0x4d: {  	v6 =	vld @!p2 [tilespmem:$0x530];
	_ =	sdelay $0x7  }
0x4e: {  	[tilespmem:v6+s0+$0x0] =	vst.idx.add.f32.msk @!p2 $0xffff, v7  }
0x4f: {  	v6 =	vld @!p2 [tilespmem:$0x540];
	_ =	sdelay $0x7  }
0x50: {  	[tilespmem:v6+s0+$0x0] =	vst.idx.add.f32.msk @!p2 $0xffff, v7  }
0x51: {  	v6 =	vld @!p2 [tilespmem:$0x550];
	_ =	sdelay $0x7  }
0x52: {  	[tilespmem:v6+s0+$0x0] =	vst.idx.add.f32.msk @!p2 $0xffff, v7  }
0x53: {  	v6 =	vld @!p2 [tilespmem:$0x560];
	_ =	sdelay $0x7  }
0x54: {  	[tilespmem:v6+s0+$0x0] =	vst.idx.add.f32.msk @!p2 $0xffff, v7  }
0x55: {  	v6 =	vld @!p2 [tilespmem:$0x570];
	_ =	sdelay $0x7  }
0x56: {  	[tilespmem:v6+s0+$0x0] =	vst.idx.add.f32.msk @!p2 $0xffff, v7  }
0x57: {  	v6 =	vld @!p2 [tilespmem:$0x580];
	_ =	sdelay $0x7  }
0x58: {  	[tilespmem:v6+s0+$0x0] =	vst.idx.add.f32.msk @!p2 $0xffff, v7  }
0x59: {  	v6 =	vld @!p2 [tilespmem:$0x590];
	_ =	sdelay $0x7  }
0x5a: {  	[tilespmem:v6+s0+$0x0] =	vst.idx.add.f32.msk @!p2 $0xffff, v7  }
0x5b: {  	v6 =	vld @!p2 [tilespmem:$0x5A0];
	_ =	sdelay $0x7  }
0x5c: {  	[tilespmem:v6+s0+$0x0] =	vst.idx.add.f32.msk @!p2 $0xffff, v7  }
0x5d: {  	v6 =	vld @!p2 [tilespmem:$0x5B0];
	_ =	sdelay $0x7  }
0x5e: {  	[tilespmem:v6+s0+$0x0] =	vst.idx.add.f32.msk @!p2 $0xffff, v7  }
0x5f: {  	v6 =	vld @!p2 [tilespmem:$0x5C0];
	_ =	sdelay $0x7  }
0x60: {  	[tilespmem:v6+s0+$0x0] =	vst.idx.add.f32.msk @!p2 $0xffff, v7  }
0x61: {  	v6 =	vld @!p2 [tilespmem:$0x5D0];
	_ =	sdelay $0x7  }
0x62: {  	[tilespmem:v6+s0+$0x0] =	vst.idx.add.f32.msk @!p2 $0xffff, v7  }
0x63: {  	v6 =	vld @!p2 [tilespmem:$0x5E0];
	_ =	sdelay $0x7  }
0x64: {  	[tilespmem:v6+s0+$0x0] =	vst.idx.add.f32.msk @!p2 $0xffff, v7  }
0x65: {  	v6 =	vld @!p2 [tilespmem:$0x5F0];
	_ =	sdelay $0x7  }
0x66: {  	[tilespmem:v6+s0+$0x0] =	vst.idx.add.f32.msk @!p2 $0xffff, v7  }
0x67: {  	v6 =	vld @!p2 [tilespmem:$0x600];
	_ =	sdelay $0x7  }
0x68: {  	[tilespmem:v6+s0+$0x0] =	vst.idx.add.f32.msk @!p2 $0xffff, v7  }
0x69: {  	v6 =	vld @!p2 [tilespmem:$0x610];
	_ =	sdelay $0x7  }
0x6a: {  	[tilespmem:v6+s0+$0x0] =	vst.idx.add.f32.msk @!p2 $0xffff, v7  }
0x6b: {  	v6 =	vld @!p2 [tilespmem:$0x620];
	_ =	sdelay $0x7  }
0x6c: {  	[tilespmem:v6+s0+$0x0] =	vst.idx.add.f32.msk @!p2 $0xffff, v7  }
0x6d: {  	v6 =	vld @!p2 [tilespmem:$0x630]  }
0x6e: {  	s31 =	sadd.s32 @!p2 $0xFFFFFFFF, s30  }
0x6f: {  	p3 =	sgt.u32 @!p2 s31, $0x18  }
0x70: {  	p3 =	por p2, !p3  }
.Ltmp4:
0x71: {  	_ = 	snop;
	(pc) =	sbr.rel @!p3 .LBB2_4-.Ltmp4, $2  }
0x72: {  	_ =	sdelay $0x2  }
0x73: {  	[tilespmem:v6+s0+$0x0] =	vst.idx.add.f32.msk @!p2 $0xffff, v7  }
0x74: {  	s31 =	simm.s32 @p2 $0x1  }
0x75: {  	s0 =	smul.u32 $0x190, s31;
	_ =	sdelay $0x1  }
0x76: {  	s0 =	sadd.s32 s0, s6  }
0x77: {  	s0 =	sshrl.u32 s0, $0x3  }
0x78: {  	s0 =	sadd.s32 s5, s0  }
0x79: {  	[tilespmem:s16], [sflag:$0x2] =	stream.linear.gather [hbm4b:s0+s3], $0x190, $0x38;
	[tilespmem:$0x3110] =	vst v63  }
.LBB2_4:
0x7a: {  	_ =	swait.ge [sflag:s15], $0x190  }
0x7b: {  	[sflag:s15] =	ssyncset.done $0x0  }
0x7c: {  	[sflag:s15] =	ssyncadd.s32 $0xFFFFFE70  }
0x7d: {  	v6 =	vld [tilespmem:$0x0];
	_ =	sdelay $0x7  }
0x7e: {  	[tilespmem:v6+s12+$0x0] =	vst.idx.add.f32.msk $0xffff, v5  }
0x7f: {  	v6 =	vld [tilespmem:$0x10];
	_ =	sdelay $0x7  }
0x80: {  	[tilespmem:v6+s12+$0x0] =	vst.idx.add.f32.msk $0xffff, v5  }
0x81: {  	v6 =	vld [tilespmem:$0x20];
	_ =	sdelay $0x7  }
0x82: {  	[tilespmem:v6+s12+$0x0] =	vst.idx.add.f32.msk $0xffff, v5  }
0x83: {  	v6 =	vld [tilespmem:$0x30];
	_ =	sdelay $0x7  }
0x84: {  	[tilespmem:v6+s12+$0x0] =	vst.idx.add.f32.msk $0xffff, v5  }
0x85: {  	v6 =	vld [tilespmem:$0x40];
	_ =	sdelay $0x7  }
0x86: {  	[tilespmem:v6+s12+$0x0] =	vst.idx.add.f32.msk $0xffff, v5  }
0x87: {  	v6 =	vld [tilespmem:$0x50];
	_ =	sdelay $0x7  }
0x88: {  	[tilespmem:v6+s12+$0x0] =	vst.idx.add.f32.msk $0xffff, v5  }
0x89: {  	v6 =	vld [tilespmem:$0x60];
	_ =	sdelay $0x7  }
0x8a: {  	[tilespmem:v6+s12+$0x0] =	vst.idx.add.f32.msk $0xffff, v5  }
0x8b: {  	v6 =	vld [tilespmem:$0x70];
	_ =	sdelay $0x7  }
0x8c: {  	[tilespmem:v6+s12+$0x0] =	vst.idx.add.f32.msk $0xffff, v5  }
0x8d: {  	v6 =	vld [tilespmem:$0x80];
	_ =	sdelay $0x7  }
0x8e: {  	[tilespmem:v6+s12+$0x0] =	vst.idx.add.f32.msk $0xffff, v5  }
0x8f: {  	v6 =	vld [tilespmem:$0x90];
	_ =	sdelay $0x7  }
0x90: {  	[tilespmem:v6+s12+$0x0] =	vst.idx.add.f32.msk $0xffff, v5  }
0x91: {  	v6 =	vld [tilespmem:$0xA0];
	_ =	sdelay $0x7  }
0x92: {  	[tilespmem:v6+s12+$0x0] =	vst.idx.add.f32.msk $0xffff, v5  }
0x93: {  	v6 =	vld [tilespmem:$0xB0];
	_ =	sdelay $0x7  }
0x94: {  	[tilespmem:v6+s12+$0x0] =	vst.idx.add.f32.msk $0xffff, v5  }
0x95: {  	v6 =	vld [tilespmem:$0xC0];
	_ =	sdelay $0x7  }
0x96: {  	[tilespmem:v6+s12+$0x0] =	vst.idx.add.f32.msk $0xffff, v5  }
0x97: {  	v6 =	vld [tilespmem:$0xD0];
	_ =	sdelay $0x7  }
0x98: {  	[tilespmem:v6+s12+$0x0] =	vst.idx.add.f32.msk $0xffff, v5  }
0x99: {  	v6 =	vld [tilespmem:$0xE0];
	_ =	sdelay $0x7  }
0x9a: {  	[tilespmem:v6+s12+$0x0] =	vst.idx.add.f32.msk $0xffff, v5  }
0x9b: {  	v6 =	vld [tilespmem:$0xF0];
	_ =	sdelay $0x7  }
0x9c: {  	[tilespmem:v6+s12+$0x0] =	vst.idx.add.f32.msk $0xffff, v5  }
0x9d: {  	v6 =	vld [tilespmem:$0x100];
	_ =	sdelay $0x7  }
0x9e: {  	[tilespmem:v6+s12+$0x0] =	vst.idx.add.f32.msk $0xffff, v5  }
0x9f: {  	v6 =	vld [tilespmem:$0x110];
	_ =	sdelay $0x7  }
0xa0: {  	[tilespmem:v6+s12+$0x0] =	vst.idx.add.f32.msk $0xffff, v5  }
0xa1: {  	v6 =	vld [tilespmem:$0x120];
	_ =	sdelay $0x7  }
0xa2: {  	[tilespmem:v6+s12+$0x0] =	vst.idx.add.f32.msk $0xffff, v5  }
0xa3: {  	v6 =	vld [tilespmem:$0x130];
	_ =	sdelay $0x7  }
0xa4: {  	[tilespmem:v6+s12+$0x0] =	vst.idx.add.f32.msk $0xffff, v5  }
0xa5: {  	v6 =	vld [tilespmem:$0x140];
	_ =	sdelay $0x7  }
0xa6: {  	[tilespmem:v6+s12+$0x0] =	vst.idx.add.f32.msk $0xffff, v5  }
0xa7: {  	v6 =	vld [tilespmem:$0x150];
	_ =	sdelay $0x7  }
0xa8: {  	[tilespmem:v6+s12+$0x0] =	vst.idx.add.f32.msk $0xffff, v5  }
0xa9: {  	v6 =	vld [tilespmem:$0x160];
	_ =	sdelay $0x7  }
0xaa: {  	[tilespmem:v6+s12+$0x0] =	vst.idx.add.f32.msk $0xffff, v5  }
0xab: {  	v6 =	vld [tilespmem:$0x170];
	_ =	sdelay $0x7  }
0xac: {  	[tilespmem:v6+s12+$0x0] =	vst.idx.add.f32.msk $0xffff, v5  }
0xad: {  	v6 =	vld [tilespmem:$0x180];
	_ =	sdelay $0x2  }
0xae: {  	p2 =	sgt.u32 s30, $0x18  }
.Ltmp5:
0xaf: {  	_ = 	snop;
	(pc) =	sbr.rel @p2 .LBB2_6-.Ltmp5, $2  }
0xb0: {  	_ =	sdelay $0x2  }
0xb1: {  	[tilespmem:v6+s12+$0x0] =	vst.idx.add.f32.msk $0xffff, v5  }
0xb2: {  	[tilespmem:s17], [sflag:$0x3] =	stream.linear.gather [hbm4b:s26+s3], $0x190, $0x38;
	[tilespmem:$0x3110] =	vst v63  }
0xb3: {  	_ =	swait.ge [sflag:s18], $0x190  }
0xb4: {  	[sflag:s18] =	ssyncset.done $0x0  }
0xb5: {  	[sflag:s18] =	ssyncadd.s32 $0xFFFFFE70  }
0xb6: {  	v6 =	vld [tilespmem:$0x190];
	_ =	sdelay $0x7  }
0xb7: {  	[tilespmem:v6+s12+$0x0] =	vst.idx.add.f32.msk $0xffff, v5  }
0xb8: {  	v6 =	vld [tilespmem:$0x1A0];
	_ =	sdelay $0x7  }
0xb9: {  	[tilespmem:v6+s12+$0x0] =	vst.idx.add.f32.msk $0xffff, v5  }
0xba: {  	v6 =	vld [tilespmem:$0x1B0];
	_ =	sdelay $0x7  }
0xbb: {  	[tilespmem:v6+s12+$0x0] =	vst.idx.add.f32.msk $0xffff, v5  }
0xbc: {  	v6 =	vld [tilespmem:$0x1C0];
	_ =	sdelay $0x7  }
0xbd: {  	[tilespmem:v6+s12+$0x0] =	vst.idx.add.f32.msk $0xffff, v5  }
0xbe: {  	v6 =	vld [tilespmem:$0x1D0];
	_ =	sdelay $0x7  }
0xbf: {  	[tilespmem:v6+s12+$0x0] =	vst.idx.add.f32.msk $0xffff, v5  }
0xc0: {  	v6 =	vld [tilespmem:$0x1E0];
	_ =	sdelay $0x7  }
0xc1: {  	[tilespmem:v6+s12+$0x0] =	vst.idx.add.f32.msk $0xffff, v5  }
0xc2: {  	v6 =	vld [tilespmem:$0x1F0];
	_ =	sdelay $0x7  }
0xc3: {  	[tilespmem:v6+s12+$0x0] =	vst.idx.add.f32.msk $0xffff, v5  }
0xc4: {  	v6 =	vld [tilespmem:$0x200];
	_ =	sdelay $0x7  }
0xc5: {  	[tilespmem:v6+s12+$0x0] =	vst.idx.add.f32.msk $0xffff, v5  }
0xc6: {  	v6 =	vld [tilespmem:$0x210];
	_ =	sdelay $0x7  }
0xc7: {  	[tilespmem:v6+s12+$0x0] =	vst.idx.add.f32.msk $0xffff, v5  }
0xc8: {  	v6 =	vld [tilespmem:$0x220];
	_ =	sdelay $0x7  }
0xc9: {  	[tilespmem:v6+s12+$0x0] =	vst.idx.add.f32.msk $0xffff, v5  }
0xca: {  	v6 =	vld [tilespmem:$0x230];
	_ =	sdelay $0x7  }
0xcb: {  	[tilespmem:v6+s12+$0x0] =	vst.idx.add.f32.msk $0xffff, v5  }
0xcc: {  	v6 =	vld [tilespmem:$0x240];
	_ =	sdelay $0x7  }
0xcd: {  	[tilespmem:v6+s12+$0x0] =	vst.idx.add.f32.msk $0xffff, v5  }
0xce: {  	v6 =	vld [tilespmem:$0x250];
	_ =	sdelay $0x7  }
0xcf: {  	[tilespmem:v6+s12+$0x0] =	vst.idx.add.f32.msk $0xffff, v5  }
0xd0: {  	v6 =	vld [tilespmem:$0x260];
	_ =	sdelay $0x7  }
0xd1: {  	[tilespmem:v6+s12+$0x0] =	vst.idx.add.f32.msk $0xffff, v5  }
0xd2: {  	v6 =	vld [tilespmem:$0x270];
	_ =	sdelay $0x7  }
0xd3: {  	[tilespmem:v6+s12+$0x0] =	vst.idx.add.f32.msk $0xffff, v5  }
0xd4: {  	v6 =	vld [tilespmem:$0x280];
	_ =	sdelay $0x7  }
0xd5: {  	[tilespmem:v6+s12+$0x0] =	vst.idx.add.f32.msk $0xffff, v5  }
0xd6: {  	v6 =	vld [tilespmem:$0x290];
	_ =	sdelay $0x7  }
0xd7: {  	[tilespmem:v6+s12+$0x0] =	vst.idx.add.f32.msk $0xffff, v5  }
0xd8: {  	v6 =	vld [tilespmem:$0x2A0];
	_ =	sdelay $0x7  }
0xd9: {  	[tilespmem:v6+s12+$0x0] =	vst.idx.add.f32.msk $0xffff, v5  }
0xda: {  	v6 =	vld [tilespmem:$0x2B0];
	_ =	sdelay $0x7  }
0xdb: {  	[tilespmem:v6+s12+$0x0] =	vst.idx.add.f32.msk $0xffff, v5  }
0xdc: {  	v6 =	vld [tilespmem:$0x2C0];
	_ =	sdelay $0x7  }
0xdd: {  	[tilespmem:v6+s12+$0x0] =	vst.idx.add.f32.msk $0xffff, v5  }
0xde: {  	v6 =	vld [tilespmem:$0x2D0];
	_ =	sdelay $0x7  }
0xdf: {  	[tilespmem:v6+s12+$0x0] =	vst.idx.add.f32.msk $0xffff, v5  }
0xe0: {  	v6 =	vld [tilespmem:$0x2E0];
	_ =	sdelay $0x7  }
0xe1: {  	[tilespmem:v6+s12+$0x0] =	vst.idx.add.f32.msk $0xffff, v5  }
0xe2: {  	v6 =	vld [tilespmem:$0x2F0];
	_ =	sdelay $0x7  }
0xe3: {  	[tilespmem:v6+s12+$0x0] =	vst.idx.add.f32.msk $0xffff, v5  }
0xe4: {  	v6 =	vld [tilespmem:$0x300];
	_ =	sdelay $0x7  }
0xe5: {  	[tilespmem:v6+s12+$0x0] =	vst.idx.add.f32.msk $0xffff, v5  }
0xe6: {  	v6 =	vld [tilespmem:$0x310];
	_ =	sdelay $0x7  }
0xe7: {  	[tilespmem:v6+s12+$0x0] =	vst.idx.add.f32.msk $0xffff, v5  }
0xe8: {  	[tilespmem:s19], [sflag:$0x4] =	stream.linear.gather [hbm4b:s29+s3], $0x190, $0x38;
	[tilespmem:$0x3110] =	vst v63  }
0xe9: {  	_ =	swait.ge [sflag:s20], $0x190  }
0xea: {  	[sflag:s20] =	ssyncset.done $0x0  }
0xeb: {  	[sflag:s20] =	ssyncadd.s32 $0xFFFFFE70  }
0xec: {  	v6 =	vld [tilespmem:$0x320];
	_ =	sdelay $0x7  }
0xed: {  	[tilespmem:v6+s12+$0x0] =	vst.idx.add.f32.msk $0xffff, v5  }
0xee: {  	v6 =	vld [tilespmem:$0x330];
	_ =	sdelay $0x7  }
0xef: {  	[tilespmem:v6+s12+$0x0] =	vst.idx.add.f32.msk $0xffff, v5  }
0xf0: {  	v6 =	vld [tilespmem:$0x340];
	_ =	sdelay $0x7  }
0xf1: {  	[tilespmem:v6+s12+$0x0] =	vst.idx.add.f32.msk $0xffff, v5  }
0xf2: {  	v6 =	vld [tilespmem:$0x350];
	_ =	sdelay $0x7  }
0xf3: {  	[tilespmem:v6+s12+$0x0] =	vst.idx.add.f32.msk $0xffff, v5  }
0xf4: {  	v6 =	vld [tilespmem:$0x360];
	_ =	sdelay $0x7  }
0xf5: {  	[tilespmem:v6+s12+$0x0] =	vst.idx.add.f32.msk $0xffff, v5  }
0xf6: {  	v6 =	vld [tilespmem:$0x370];
	_ =	sdelay $0x7  }
0xf7: {  	[tilespmem:v6+s12+$0x0] =	vst.idx.add.f32.msk $0xffff, v5  }
0xf8: {  	v6 =	vld [tilespmem:$0x380];
	_ =	sdelay $0x7  }
0xf9: {  	[tilespmem:v6+s12+$0x0] =	vst.idx.add.f32.msk $0xffff, v5  }
0xfa: {  	v6 =	vld [tilespmem:$0x390];
	_ =	sdelay $0x7  }
0xfb: {  	[tilespmem:v6+s12+$0x0] =	vst.idx.add.f32.msk $0xffff, v5  }
0xfc: {  	v6 =	vld [tilespmem:$0x3A0];
	_ =	sdelay $0x7  }
0xfd: {  	[tilespmem:v6+s12+$0x0] =	vst.idx.add.f32.msk $0xffff, v5  }
0xfe: {  	v6 =	vld [tilespmem:$0x3B0];
	_ =	sdelay $0x7  }
0xff: {  	[tilespmem:v6+s12+$0x0] =	vst.idx.add.f32.msk $0xffff, v5  }
0x100: {  	v6 =	vld [tilespmem:$0x3C0];
	_ =	sdelay $0x7  }
0x101: {  	[tilespmem:v6+s12+$0x0] =	vst.idx.add.f32.msk $0xffff, v5  }
0x102: {  	v6 =	vld [tilespmem:$0x3D0];
	_ =	sdelay $0x7  }
0x103: {  	[tilespmem:v6+s12+$0x0] =	vst.idx.add.f32.msk $0xffff, v5  }
0x104: {  	v6 =	vld [tilespmem:$0x3E0];
	_ =	sdelay $0x7  }
0x105: {  	[tilespmem:v6+s12+$0x0] =	vst.idx.add.f32.msk $0xffff, v5  }
0x106: {  	v6 =	vld [tilespmem:$0x3F0];
	_ =	sdelay $0x7  }
0x107: {  	[tilespmem:v6+s12+$0x0] =	vst.idx.add.f32.msk $0xffff, v5  }
0x108: {  	v6 =	vld [tilespmem:$0x400];
	_ =	sdelay $0x7  }
0x109: {  	[tilespmem:v6+s12+$0x0] =	vst.idx.add.f32.msk $0xffff, v5  }
0x10a: {  	v6 =	vld [tilespmem:$0x410];
	_ =	sdelay $0x7  }
0x10b: {  	[tilespmem:v6+s12+$0x0] =	vst.idx.add.f32.msk $0xffff, v5  }
0x10c: {  	v6 =	vld [tilespmem:$0x420];
	_ =	sdelay $0x7  }
0x10d: {  	[tilespmem:v6+s12+$0x0] =	vst.idx.add.f32.msk $0xffff, v5  }
0x10e: {  	v6 =	vld [tilespmem:$0x430];
	_ =	sdelay $0x7  }
0x10f: {  	[tilespmem:v6+s12+$0x0] =	vst.idx.add.f32.msk $0xffff, v5  }
0x110: {  	v6 =	vld [tilespmem:$0x440];
	_ =	sdelay $0x7  }
0x111: {  	[tilespmem:v6+s12+$0x0] =	vst.idx.add.f32.msk $0xffff, v5  }
0x112: {  	v6 =	vld [tilespmem:$0x450];
	_ =	sdelay $0x7  }
0x113: {  	[tilespmem:v6+s12+$0x0] =	vst.idx.add.f32.msk $0xffff, v5  }
0x114: {  	v6 =	vld [tilespmem:$0x460];
	_ =	sdelay $0x7  }
0x115: {  	[tilespmem:v6+s12+$0x0] =	vst.idx.add.f32.msk $0xffff, v5  }
0x116: {  	v6 =	vld [tilespmem:$0x470];
	_ =	sdelay $0x7  }
0x117: {  	[tilespmem:v6+s12+$0x0] =	vst.idx.add.f32.msk $0xffff, v5  }
0x118: {  	v6 =	vld [tilespmem:$0x480];
	_ =	sdelay $0x7  }
0x119: {  	[tilespmem:v6+s12+$0x0] =	vst.idx.add.f32.msk $0xffff, v5  }
0x11a: {  	v6 =	vld [tilespmem:$0x490];
	_ =	sdelay $0x7  }
0x11b: {  	[tilespmem:v6+s12+$0x0] =	vst.idx.add.f32.msk $0xffff, v5  }
0x11c: {  	v6 =	vld [tilespmem:$0x4A0];
	_ =	sdelay $0x3  }
.Ltmp6:
0x11d: {  	_ = 	snop;
	(pc) =	sbr.rel .LBB2_6-.Ltmp6, $2  }
0x11e: {  	_ =	sdelay $0x2  }
0x11f: {  	[tilespmem:v6+s12+$0x0] =	vst.idx.add.f32.msk $0xffff, v5  }
.LBB2_8:
0x120: {  	_ =	sfence.sel $0x180000  }
0x121: {  	[bflag:$0x0] =	sbarrier.arrive $0xFFFF  }
0x122: {  	_ =	strace $0x90000047  }
0x123: {  	[bflag:$0x2] =	sbarrier.arrive $0xFFFF  }
0x124: {  	s0 =	rddreg [dreg:$0x3]  }
0x125: {  	s0 =	sadd.s32 @!p0 $0x100000, s0  }
0x126: {  	[sflag:s0] =	ssyncadd.tile.s32 @!p0 $0x1;
	_ =	shalt  }
.Lfunc_end2:
_tile_overlayer_lowered:
.L_overlay_start_2:
0x127: {  	(tag) =	ssettag $0x2  }
0x128: {  	s0 =	rddreg [dreg:$0x0];
	s2 =	stileid.u32  }
0x129: {  	s1 =	rddreg [dreg:$0x1];
	p0 =	sne.s32 s2, $0x0  }
0x12a: {  	s3 =	rddreg [dreg:$0x2];
	[bflag:$0x3] =	sbarrier.arrive $0xFFFF;
	s2 =	simm.s32 @!p0 $0x1C06  }
0x12b: {  	[timem:s3], [sflag:s2] =	dma.local @!p0 [hbm:s0], s1  }
0x12c: {  	s0 =	simm.s32 @!p0 $0x6  }
0x12d: {  	_ =	swait.ge @!p0 [sflag:s0], s1  }
0x12e: {  	s1 =	ssub.s32 @!p0 $0x0, s1;
	[sflag:s0] =	ssyncset.done @!p0 $0x0  }
0x12f: {  	[sflag:s0] =	ssyncadd.s32 @!p0 s1  }
0x130: {  	[bflag:$0x3] =	sbarrier.arrive $0xFFFF  }
0x131: {  	_ =	shalt  }

</sc_bundles>
